<compile_context>
chip_gen: v7x
topology: tpu7x:2x2x1
jax: 0.10.2.dev20260603
libtpu: 0.0.44.dev20260713+nightly
codegen_flags: <defaults>
</compile_context>

<pallas_src>
import dataclasses
import functools

import jax
import jax.numpy as jnp
from jax import lax
from jax.experimental import pallas as pl
from jax.experimental.pallas import tpu as pltpu
from jax.experimental.pallas import tpu_sc as plsc

_N = 10000
_E = 320000
_D = 128
_R = 64

_NB = 2000
_EB = 2000

_NCHK = 2
_EC = _E // _NCHK
_B = 64
_EPT = _EC // 32
_FB = (_EPT // _B) & ~1
_TAIL = _EPT - _FB * _B
_CH = 40
_NCH = _N // _CH
_CPT = (_NCH + 15) // 16


def _ssp_unit(t):
    return jnp.maximum(t, 0.0) + jnp.log(1.0 + jnp.exp(-jnp.abs(t)))



def _node_mm_body(x_ref, w_ref, o_ref):
    o_ref[...] = jnp.dot(
        x_ref[...].astype(jnp.bfloat16),
        w_ref[...],
        preferred_element_type=jnp.float32,
    )


def _node_mm(x, w1t):
    return pl.pallas_call(
        _node_mm_body,
        out_shape=jax.ShapeDtypeStruct((_N, _D), jnp.float32),
        compiler_params=pltpu.CompilerParams(
            dimension_semantics=("parallel",)
        ),
        grid=(_N // _NB,),
        in_specs=[
            pl.BlockSpec((_NB, _D), lambda i: (i, 0)),
            pl.BlockSpec((_D, _D), lambda i: (0, 0)),
        ],
        out_specs=pl.BlockSpec((_NB, _D), lambda i: (i, 0)),
    )(x, w1t)


def _edge_mlp_body(rbf_ref, wc1_ref, bc1_ref, wc2_ref, bc2_ref, h_ref):
    t = jnp.dot(rbf_ref[...], wc1_ref[...], preferred_element_type=jnp.float32)
    t = _ssp_unit(t + bc1_ref[...])
    h_ref[...] = (
        jnp.dot(
            t.astype(jnp.bfloat16),
            wc2_ref[...],
            preferred_element_type=jnp.float32,
        )
        + bc2_ref[...]
    )


def _edge_mlp(rbf_bf, wc1t, bc1, wc2t, bc2, chunk):
    base = chunk * (_EC // _EB)
    return pl.pallas_call(
        _edge_mlp_body,
        out_shape=jax.ShapeDtypeStruct((_EC, _D), jnp.float32),
        compiler_params=pltpu.CompilerParams(
            dimension_semantics=("parallel",)
        ),
        grid=(_EC // _EB,),
        in_specs=[
            pl.BlockSpec((_EB, _R), lambda i: (i + base, 0)),
            pl.BlockSpec((_R, _D), lambda i: (0, 0)),
            pl.BlockSpec((1, _D), lambda i: (0, 0)),
            pl.BlockSpec((_D, _D), lambda i: (0, 0)),
            pl.BlockSpec((1, _D), lambda i: (0, 0)),
        ],
        out_specs=pl.BlockSpec((_EB, _D), lambda i: (i, 0)),
    )(rbf_bf, wc1t, bc1.reshape(1, _D), wc2t, bc2.reshape(1, _D))


def _final_body(x_ref, p0_ref, p1_ref, p2_ref, p3_ref,
                w2_ref, b2_ref, w3_ref, b3_ref, o_ref):
    cf = (p0_ref[...] + p1_ref[...]) + (p2_ref[...] + p3_ref[...])
    t = jnp.dot(
        cf.astype(jnp.bfloat16), w2_ref[...], preferred_element_type=jnp.float32
    ) + b2_ref[...]
    t = _ssp_unit(t)
    o_ref[...] = (
        x_ref[...]
        + jnp.dot(
            t.astype(jnp.bfloat16), w3_ref[...], preferred_element_type=jnp.float32
        )
        + b3_ref[...]
    )


def _final_mlp(x, parts, w2t, b2, w3t, b3):
    pspec = pl.BlockSpec((_NB, _D), lambda i: (i, 0))
    return pl.pallas_call(
        _final_body,
        out_shape=jax.ShapeDtypeStruct((_N, _D), jnp.float32),
        compiler_params=pltpu.CompilerParams(
            dimension_semantics=("parallel",)
        ),
        grid=(_N // _NB,),
        in_specs=[
            pspec, pspec, pspec, pspec, pspec,
            pl.BlockSpec((_D, _D), lambda i: (0, 0)),
            pl.BlockSpec((1, _D), lambda i: (0, 0)),
            pl.BlockSpec((_D, _D), lambda i: (0, 0)),
            pl.BlockSpec((1, _D), lambda i: (0, 0)),
        ],
        out_specs=pl.BlockSpec((_NB, _D), lambda i: (i, 0)),
    )(x, *parts, w2t, b2.reshape(1, _D), w3t, b3.reshape(1, _D))



def _sc_msgpass(new_node, h, src, dst, chunk):
    mesh = plsc.VectorSubcoreMesh(core_axis_name="c", subcore_axis_name="s")
    cp = pltpu.CompilerParams()
    if "needs_layout_passes" in pltpu.CompilerParams.__dataclass_fields__:
        cp = dataclasses.replace(cp, needs_layout_passes=False)

    @functools.partial(
        pl.kernel,
        out_type=jax.ShapeDtypeStruct((2 * _N, _D), jnp.float32),
        mesh=mesh,
        compiler_params=cp,
        scratch_types=[
            pltpu.VMEM((_EPT,), jnp.int32),
            pltpu.VMEM((_B,), jnp.int32),
            pltpu.VMEM((_B,), jnp.int32),
            pltpu.VMEM((_TAIL,), jnp.int32),
            pltpu.VMEM((_B, _D), jnp.float32),
            pltpu.VMEM((_B, _D), jnp.float32),
            pltpu.VMEM((_B, _D), jnp.float32),
            pltpu.VMEM((_B, _D), jnp.float32),
            pltpu.VMEM((_CH, _D), jnp.float32),
            pltpu.VMEM_SHARED((_N, _D), jnp.float32),
            pltpu.SemaphoreType.DMA,
            pltpu.SemaphoreType.DMA,
            pltpu.SemaphoreType.DMA,
            pltpu.SemaphoreType.DMA,
            pltpu.SemaphoreType.DMA,
            pltpu.SemaphoreType.DMA,
        ],
    )
    def k(nn_hbm, h_hbm, src_hbm, dst_hbm, out_hbm,
          src_all, dst0, dst1, dst_t, rows0, rows1, h0, h1, zbuf, acc,
          sg0, sg1, sh0, sh1, sd0, sd1):
        cid = lax.axis_index("c")
        sid = lax.axis_index("s")
        w = sid * 2 + cid
        hb0 = w * _EPT
        eb = chunk * _EC + hb0

        bufs = ((dst0, rows0, h0, sg0, sh0, sd0),
                (dst1, rows1, h1, sg1, sh1, sd1))

        def issue(kk, dstb, rowsb, hb, sg, sh, sd):
            base = eb + kk * _B
            pltpu.async_copy(dst_hbm.at[pl.ds(base, _B)], dstb, sd)
            pltpu.async_copy(
                nn_hbm.at[src_all.at[pl.ds(kk * _B, _B)]], rowsb, sg)
            pltpu.async_copy(h_hbm.at[pl.ds(hb0 + kk * _B, _B)], hb, sh)

        def process(kk, dstb, rowsb, hb, sg, sh, sd):
            base = eb + kk * _B
            pltpu.make_async_copy(dst_hbm.at[pl.ds(base, _B)], dstb, sd).wait()
            pltpu.make_async_copy(
                nn_hbm.at[src_all.at[pl.ds(kk * _B, _B)]], rowsb, sg).wait()
            pltpu.make_async_copy(
                h_hbm.at[pl.ds(hb0 + kk * _B, _B)], hb, sh).wait()

            @plsc.parallel_loop(0, _B)
            def _(e):
                for j in range(8):
                    sl = pl.ds(j * 16, 16)
                    rowsb[e, sl] = rowsb[e, sl] * hb[e, sl]

            pltpu.sync_copy(rowsb, acc.at[dstb], add=True)

        pltpu.sync_copy(src_hbm.at[pl.ds(eb, _EPT)], src_all)
        issue(0, *bufs[0])
        issue(1, *bufs[1])

        @pl.loop(0, _CH)
        def _(i):
            for j in range(8):
                zbuf[i, pl.ds(j * 16, 16)] = jnp.zeros((16,), jnp.float32)

        @pl.loop(0, _CPT)
        def _(i):
            c = sid + 16 * i

            @pl.when(c < _NCH)
            def _():
                pltpu.sync_copy(zbuf, acc.at[pl.ds(c * _CH, _CH)])

        plsc.subcore_barrier()

        @pl.loop(0, _FB // 2)
        def _(p):
            for b in range(2):
                kk = 2 * p + b
                process(kk, *bufs[b])

                @pl.when(kk + 2 < _FB)
                def _():
                    issue(kk + 2, *bufs[b])

        pltpu.sync_copy(dst_hbm.at[pl.ds(eb + _FB * _B, _TAIL)], dst_t)
        pltpu.async_copy(
            nn_hbm.at[src_all.at[pl.ds(_FB * _B, _TAIL)]],
            rows0.at[pl.ds(0, _TAIL)], sg0).wait()
        pltpu.async_copy(
            h_hbm.at[pl.ds(hb0 + _FB * _B, _TAIL)],
            h0.at[pl.ds(0, _TAIL)], sh0).wait()

        @plsc.parallel_loop(0, _TAIL)
        def _(e):
            for j in range(8):
                sl = pl.ds(j * 16, 16)
                rows0[e, sl] = rows0[e, sl] * h0[e, sl]

        pltpu.sync_copy(rows0.at[pl.ds(0, _TAIL)], acc.at[dst_t], add=True)

        plsc.subcore_barrier()
        @pl.loop(0, _CPT)
        def _(i):
            c = sid + 16 * i

            @pl.when(c < _NCH)
            def _():
                pltpu.sync_copy(
                    acc.at[pl.ds(c * _CH, _CH)],
                    out_hbm.at[pl.ds(cid * _N + c * _CH, _CH)],
                )

    return k(new_node, h, src, dst)



def kernel(x, edge_index, rbf, W1, Wc1, bc1, Wc2, bc2, W2, b2, W3, b3):
    src = edge_index[0]
    dst = edge_index[1]

    w1t = W1.T.astype(jnp.bfloat16)
    wc1t = (0.5 * Wc1.T).astype(jnp.bfloat16)
    bc1h = 0.5 * bc1
    wc2t = (2.0 * Wc2.T).astype(jnp.bfloat16)
    w2t = (0.5 * W2.T).astype(jnp.bfloat16)
    b2h = 0.5 * b2
    w3t = (2.0 * W3.T).astype(jnp.bfloat16)
    rbf_bf = rbf.astype(jnp.bfloat16)

    new_node = _node_mm(x, w1t)
    parts = []
    for c in range(_NCHK):
        h_c = _edge_mlp(rbf_bf, wc1t, bc1h, wc2t, bc2, c)
        p = _sc_msgpass(new_node, h_c, src, dst, c)
        parts.extend([p[:_N], p[_N:]])
    return _final_mlp(x, parts, w2t, b2h, w3t, b3)

# --- scband reference (transcript-rebuilt; emitter-appended) ---
"""Pipeline reference for scband-interaction-16449724744296 (READ-ONLY COPY).

The authoritative reference and input builder live on the scoring server;
editing this copy changes nothing except your own understanding.
"""

import jax, jax.numpy as jnp
import numpy as np

N = 10000
E = 320000
D = 128
R = 64


def _ssp(x):
    # torch.nn.Softplus(beta=0.5, threshold=14): (1/beta)*log(1+exp(beta*x)), linear past threshold
    return 2.0 * jnp.logaddexp(0.0, 0.5 * x)


def setup_inputs(seed: int = 0) -> dict:
    key = jax.random.key(seed)
    ks = jax.random.split(key, 16)

    x = jax.random.normal(ks[0], (N, D), dtype=jnp.float32)
    edge_index = jax.random.randint(ks[1], (2, E), 0, N)
    rbf = jax.random.uniform(ks[2], (E, R), dtype=jnp.float32)

    def linW(k, fan_in, fan_out):
        b = 1.0 / np.sqrt(fan_in)
        return jax.random.uniform(k, (fan_out, fan_in), dtype=jnp.float32, minval=-b, maxval=b)

    def linB(k, fan_in, fan_out):
        b = 1.0 / np.sqrt(fan_in)
        return jax.random.uniform(k, (fan_out,), dtype=jnp.float32, minval=-b, maxval=b)

    W1 = linW(ks[3], D, D)                      # node_layer1, no bias
    Wc1 = linW(ks[4], R, D)                     # cfconv linear_layer1
    bc1 = linB(ks[5], R, D)
    Wc2 = linW(ks[6], D, D)                     # cfconv linear_layer2
    bc2 = linB(ks[7], D, D)
    W2 = linW(ks[8], D, D)                      # node_layer2
    b2 = linB(ks[9], D, D)
    W3 = linW(ks[10], D, D)                     # node_layer3
    b3 = linB(ks[11], D, D)

    return {"x": x, "edge_index": edge_index, "rbf": rbf,
            "W1": W1, "Wc1": Wc1, "bc1": bc1, "Wc2": Wc2, "bc2": bc2,
            "W2": W2, "b2": b2, "W3": W3, "b3": b3}


def reference(x, edge_index, rbf, W1, Wc1, bc1, Wc2, bc2, W2, b2, W3, b3):
    src = edge_index[0]
    dst = edge_index[1]

    # g.ndata['new_node'] = node_layer1(node)
    new_node = x @ W1.T

    # CFConv.update_edge: h = lin2(act(lin1(rbf)))
    h = _ssp(rbf @ Wc1.T + bc1) @ Wc2.T + bc2

    # u_mul_e + sum reduce: gather src node feats, multiply by edge filter, scatter-add to dst
    msg = new_node[src] * h
    cf_node = jax.ops.segment_sum(msg, dst, num_segments=x.shape[0])

    cf_node_1 = cf_node @ W2.T + b2
    cf_node_1a = _ssp(cf_node_1)
    new_out = cf_node_1a @ W3.T + b3

    return x + new_out

if __name__ == "__main__":
    import jax
    _d = setup_inputs()
    print(jax.jit(kernel)(*tuple(_d.values())))

</pallas_src>

<mosaic_0001>
#map = affine_map<(d0, d1) -> (0, 0)>
#map1 = affine_map<(d0, d1) -> (0)>
module attributes {stable_mosaic.version = 14 : i64} {
  func.func @k(%arg0: i32, %arg1: i32, %arg2: memref<10000x128xf32, #tpu.memory_space<hbm>>, %arg3: memref<160000x128xf32, #tpu.memory_space<hbm>>, %arg4: memref<320000xi32, #tpu.memory_space<hbm>>, %arg5: memref<320000xi32, #tpu.memory_space<hbm>>, %arg6: memref<20000x128xf32, #tpu.memory_space<hbm>>, %arg7: memref<5000xi32, #tpu.memory_space<vmem>>, %arg8: memref<64xi32, #tpu.memory_space<vmem>>, %arg9: memref<64xi32, #tpu.memory_space<vmem>>, %arg10: memref<8xi32, #tpu.memory_space<vmem>>, %arg11: memref<64x128xf32, #tpu.memory_space<vmem>>, %arg12: memref<64x128xf32, #tpu.memory_space<vmem>>, %arg13: memref<64x128xf32, #tpu.memory_space<vmem>>, %arg14: memref<64x128xf32, #tpu.memory_space<vmem>>, %arg15: memref<40x128xf32, #tpu.memory_space<vmem>>, %arg16: memref<10000x128xf32, #tpu.memory_space<vmem_shared>>, %arg17: memref<!tpu.dma_semaphore, #tpu.memory_space<semaphore_mem>>, %arg18: memref<!tpu.dma_semaphore, #tpu.memory_space<semaphore_mem>>, %arg19: memref<!tpu.dma_semaphore, #tpu.memory_space<semaphore_mem>>, %arg20: memref<!tpu.dma_semaphore, #tpu.memory_space<semaphore_mem>>, %arg21: memref<!tpu.dma_semaphore, #tpu.memory_space<semaphore_mem>>, %arg22: memref<!tpu.dma_semaphore, #tpu.memory_space<semaphore_mem>>) attributes {dimension_semantics = [#tpu.dimension_semantics<core_parallel>, #tpu.dimension_semantics<subcore_parallel>], iteration_bounds = array<i64: 2, 16>, scalar_prefetch = 0 : i64, scratch_operands = 16 : i64, tpu.core_type = #tpu.core_type<sc_vector_subcore>, window_params = [{transform_indices = #map}, {transform_indices = #map}, {transform_indices = #map1}, {transform_indices = #map1}, {transform_indices = #map}]} {
    %mul3A = arith.constant 2 : i32
    %mul3A_0 = arith.muli %arg1, %mul3A : i32
    %add3A = arith.addi %mul3A_0, %arg0 : i32
    %mul3A_1 = arith.constant 5000 : i32
    %mul3A_2 = arith.muli %add3A, %mul3A_1 : i32
    %add3A_3 = arith.constant 160000 : i32
    %add3A_4 = arith.addi %add3A_3, %mul3A_2 : i32
    "tpu.region"() ({
      %run_scoped3A = tpu.sem_alloc : memref<!tpu.dma_semaphore, #tpu.memory_space<semaphore_mem>>
      %dma_start3A_95 = tpu.memref_slice %arg4[%add3A_4] : memref<320000xi32, #tpu.memory_space<hbm>> -> memref<5000xi32, #tpu.memory_space<hbm>>
      %dma_start3A_96 = tpu.memref_slice %arg4[%add3A_4] : memref<320000xi32, #tpu.memory_space<hbm>> -> memref<5000xi32, #tpu.memory_space<hbm>>
      tpu.enqueue_dma source(%dma_start3A_96 : memref<5000xi32, #tpu.memory_space<hbm>>) target(%arg7 : memref<5000xi32, #tpu.memory_space<vmem>>) target_semaphore(%run_scoped3A : memref<!tpu.dma_semaphore, #tpu.memory_space<semaphore_mem>>)
      %dma_wait3A_97 = tpu.memref_slice %arg4[%add3A_4] : memref<320000xi32, #tpu.memory_space<hbm>> -> memref<5000xi32, #tpu.memory_space<hbm>>
      %dma_wait3A_98 = tpu.memref_slice %arg4[%add3A_4] : memref<320000xi32, #tpu.memory_space<hbm>> -> memref<5000xi32, #tpu.memory_space<hbm>>
      tpu.wait_dma2 semaphore(%run_scoped3A : memref<!tpu.dma_semaphore, #tpu.memory_space<semaphore_mem>>) src(%dma_wait3A_98 : memref<5000xi32, #tpu.memory_space<hbm>>) dst(%arg7 : memref<5000xi32, #tpu.memory_space<vmem>>)
      tpu.yield
    }) : () -> ()
    %add3A_5 = arith.constant 0 : i32
    %add3A_6 = arith.addi %add3A_4, %add3A_5 : i32
    %dma_start3A = tpu.memref_slice %arg5[%add3A_6] : memref<320000xi32, #tpu.memory_space<hbm>> -> memref<64xi32, #tpu.memory_space<hbm>>
    %dma_start3A_7 = tpu.memref_slice %arg5[%add3A_6] : memref<320000xi32, #tpu.memory_space<hbm>> -> memref<64xi32, #tpu.memory_space<hbm>>
    tpu.enqueue_dma source(%dma_start3A_7 : memref<64xi32, #tpu.memory_space<hbm>>) target(%arg8 : memref<64xi32, #tpu.memory_space<vmem>>) target_semaphore(%arg21 : memref<!tpu.dma_semaphore, #tpu.memory_space<semaphore_mem>>)
    %dma_start3A_8 = arith.constant 0 : i32
    %dma_start3A_9 = tpu.memref_slice %arg7[%dma_start3A_8] : memref<5000xi32, #tpu.memory_space<vmem>> -> memref<64xi32, #tpu.memory_space<vmem>>
    %dma_start3A_10 = arith.constant 0 : i32
    %dma_start3A_11 = arith.constant 0 : i32
    %dma_start3A_12 = tpu.memref_slice %arg2[%dma_start3A_10, %dma_start3A_11] : memref<10000x128xf32, #tpu.memory_space<hbm>> -> memref<10000x128xf32, #tpu.memory_space<hbm>>
    tpu.enqueue_indirect_dma source(%dma_start3A_12 : memref<10000x128xf32, #tpu.memory_space<hbm>>) target(%arg11 : memref<64x128xf32, #tpu.memory_space<vmem>>) offsets(%dma_start3A_9 : memref<64xi32, #tpu.memory_space<vmem>>) semaphore(%arg17 : memref<!tpu.dma_semaphore, #tpu.memory_space<semaphore_mem>>)
    %add3A_13 = arith.constant 0 : i32
    %add3A_14 = arith.addi %mul3A_2, %add3A_13 : i32
    %dma_start3A_15 = arith.constant 0 : i32
    %dma_start3A_16 = tpu.memref_slice %arg3[%add3A_14, %dma_start3A_15] : memref<160000x128xf32, #tpu.memory_space<hbm>> -> memref<64x128xf32, #tpu.memory_space<hbm>>
    %dma_start3A_17 = arith.constant 0 : i32
    %dma_start3A_18 = tpu.memref_slice %arg3[%add3A_14, %dma_start3A_17] : memref<160000x128xf32, #tpu.memory_space<hbm>> -> memref<64x128xf32, #tpu.memory_space<hbm>>
    tpu.enqueue_dma source(%dma_start3A_18 : memref<64x128xf32, #tpu.memory_space<hbm>>) target(%arg13 : memref<64x128xf32, #tpu.memory_space<vmem>>) target_semaphore(%arg19 : memref<!tpu.dma_semaphore, #tpu.memory_space<semaphore_mem>>)
    %add3A_19 = arith.constant 64 : i32
    %add3A_20 = arith.addi %add3A_4, %add3A_19 : i32
    %dma_start3A_21 = tpu.memref_slice %arg5[%add3A_20] : memref<320000xi32, #tpu.memory_space<hbm>> -> memref<64xi32, #tpu.memory_space<hbm>>
    %dma_start3A_22 = tpu.memref_slice %arg5[%add3A_20] : memref<320000xi32, #tpu.memory_space<hbm>> -> memref<64xi32, #tpu.memory_space<hbm>>
    tpu.enqueue_dma source(%dma_start3A_22 : memref<64xi32, #tpu.memory_space<hbm>>) target(%arg9 : memref<64xi32, #tpu.memory_space<vmem>>) target_semaphore(%arg22 : memref<!tpu.dma_semaphore, #tpu.memory_space<semaphore_mem>>)
    %dma_start3A_23 = arith.constant 64 : i32
    %dma_start3A_24 = tpu.memref_slice %arg7[%dma_start3A_23] : memref<5000xi32, #tpu.memory_space<vmem>> -> memref<64xi32, #tpu.memory_space<vmem>>
    %dma_start3A_25 = arith.constant 0 : i32
    %dma_start3A_26 = arith.constant 0 : i32
    %dma_start3A_27 = tpu.memref_slice %arg2[%dma_start3A_25, %dma_start3A_26] : memref<10000x128xf32, #tpu.memory_space<hbm>> -> memref<10000x128xf32, #tpu.memory_space<hbm>>
    tpu.enqueue_indirect_dma source(%dma_start3A_27 : memref<10000x128xf32, #tpu.memory_space<hbm>>) target(%arg12 : memref<64x128xf32, #tpu.memory_space<vmem>>) offsets(%dma_start3A_24 : memref<64xi32, #tpu.memory_space<vmem>>) semaphore(%arg18 : memref<!tpu.dma_semaphore, #tpu.memory_space<semaphore_mem>>)
    %add3A_28 = arith.constant 64 : i32
    %add3A_29 = arith.addi %mul3A_2, %add3A_28 : i32
    %dma_start3A_30 = arith.constant 0 : i32
    %dma_start3A_31 = tpu.memref_slice %arg3[%add3A_29, %dma_start3A_30] : memref<160000x128xf32, #tpu.memory_space<hbm>> -> memref<64x128xf32, #tpu.memory_space<hbm>>
    %dma_start3A_32 = arith.constant 0 : i32
    %dma_start3A_33 = tpu.memref_slice %arg3[%add3A_29, %dma_start3A_32] : memref<160000x128xf32, #tpu.memory_space<hbm>> -> memref<64x128xf32, #tpu.memory_space<hbm>>
    tpu.enqueue_dma source(%dma_start3A_33 : memref<64x128xf32, #tpu.memory_space<hbm>>) target(%arg14 : memref<64x128xf32, #tpu.memory_space<vmem>>) target_semaphore(%arg20 : memref<!tpu.dma_semaphore, #tpu.memory_space<semaphore_mem>>)
    %scan3A = arith.constant 0 : i32
    %scan3A_34 = arith.constant 40 : i32
    %scan3A_35 = arith.addi %scan3A, %scan3A_34 : i32
    %scan3A_36 = arith.constant 1 : i32
    scf.for %scan3A_95 = %scan3A to %scan3A_35 step %scan3A_36  : i32 {
      %mul3A_96 = arith.constant 1 : i32
      %mul3A_97 = arith.muli %scan3A_95, %mul3A_96 : i32
      %add3A_98 = arith.constant 0 : i32
      %add3A_99 = arith.addi %add3A_98, %mul3A_97 : i32
      %broadcast_in_dim3A = arith.constant 0.000000e+00 : f32
      %broadcast_in_dim3A_100 = vector.broadcast %broadcast_in_dim3A : f32 to vector<16xf32>
      %swap3A = arith.index_cast %add3A_99 : i32 to index
      %swap3A_101 = arith.constant 0 : index
      %swap3A_102 = tpu.vector_load %arg15[%swap3A, %swap3A_101] {strides = array<i32>} : memref<40x128xf32, #tpu.memory_space<vmem>>, vector<16xf32>,
      tpu.vector_store %arg15[%swap3A, %swap3A_101], %broadcast_in_dim3A_100 {strides = array<i32>} : memref<40x128xf32, #tpu.memory_space<vmem>>, vector<16xf32>,
      %broadcast_in_dim3A_103 = arith.constant 0.000000e+00 : f32
      %broadcast_in_dim3A_104 = vector.broadcast %broadcast_in_dim3A_103 : f32 to vector<16xf32>
      %swap3A_105 = arith.index_cast %add3A_99 : i32 to index
      %swap3A_106 = arith.constant 16 : index
      %swap3A_107 = tpu.vector_load %arg15[%swap3A_105, %swap3A_106] {strides = array<i32>} : memref<40x128xf32, #tpu.memory_space<vmem>>, vector<16xf32>,
      tpu.vector_store %arg15[%swap3A_105, %swap3A_106], %broadcast_in_dim3A_104 {strides = array<i32>} : memref<40x128xf32, #tpu.memory_space<vmem>>, vector<16xf32>,
      %broadcast_in_dim3A_108 = arith.constant 0.000000e+00 : f32
      %broadcast_in_dim3A_109 = vector.broadcast %broadcast_in_dim3A_108 : f32 to vector<16xf32>
      %swap3A_110 = arith.index_cast %add3A_99 : i32 to index
      %swap3A_111 = arith.constant 32 : index
      %swap3A_112 = tpu.vector_load %arg15[%swap3A_110, %swap3A_111] {strides = array<i32>} : memref<40x128xf32, #tpu.memory_space<vmem>>, vector<16xf32>,
      tpu.vector_store %arg15[%swap3A_110, %swap3A_111], %broadcast_in_dim3A_109 {strides = array<i32>} : memref<40x128xf32, #tpu.memory_space<vmem>>, vector<16xf32>,
      %broadcast_in_dim3A_113 = arith.constant 0.000000e+00 : f32
      %broadcast_in_dim3A_114 = vector.broadcast %broadcast_in_dim3A_113 : f32 to vector<16xf32>
      %swap3A_115 = arith.index_cast %add3A_99 : i32 to index
      %swap3A_116 = arith.constant 48 : index
      %swap3A_117 = tpu.vector_load %arg15[%swap3A_115, %swap3A_116] {strides = array<i32>} : memref<40x128xf32, #tpu.memory_space<vmem>>, vector<16xf32>,
      tpu.vector_store %arg15[%swap3A_115, %swap3A_116], %broadcast_in_dim3A_114 {strides = array<i32>} : memref<40x128xf32, #tpu.memory_space<vmem>>, vector<16xf32>,
      %broadcast_in_dim3A_118 = arith.constant 0.000000e+00 : f32
      %broadcast_in_dim3A_119 = vector.broadcast %broadcast_in_dim3A_118 : f32 to vector<16xf32>
      %swap3A_120 = arith.index_cast %add3A_99 : i32 to index
      %swap3A_121 = arith.constant 64 : index
      %swap3A_122 = tpu.vector_load %arg15[%swap3A_120, %swap3A_121] {strides = array<i32>} : memref<40x128xf32, #tpu.memory_space<vmem>>, vector<16xf32>,
      tpu.vector_store %arg15[%swap3A_120, %swap3A_121], %broadcast_in_dim3A_119 {strides = array<i32>} : memref<40x128xf32, #tpu.memory_space<vmem>>, vector<16xf32>,
      %broadcast_in_dim3A_123 = arith.constant 0.000000e+00 : f32
      %broadcast_in_dim3A_124 = vector.broadcast %broadcast_in_dim3A_123 : f32 to vector<16xf32>
      %swap3A_125 = arith.index_cast %add3A_99 : i32 to index
      %swap3A_126 = arith.constant 80 : index
      %swap3A_127 = tpu.vector_load %arg15[%swap3A_125, %swap3A_126] {strides = array<i32>} : memref<40x128xf32, #tpu.memory_space<vmem>>, vector<16xf32>,
      tpu.vector_store %arg15[%swap3A_125, %swap3A_126], %broadcast_in_dim3A_124 {strides = array<i32>} : memref<40x128xf32, #tpu.memory_space<vmem>>, vector<16xf32>,
      %broadcast_in_dim3A_128 = arith.constant 0.000000e+00 : f32
      %broadcast_in_dim3A_129 = vector.broadcast %broadcast_in_dim3A_128 : f32 to vector<16xf32>
      %swap3A_130 = arith.index_cast %add3A_99 : i32 to index
      %swap3A_131 = arith.constant 96 : index
      %swap3A_132 = tpu.vector_load %arg15[%swap3A_130, %swap3A_131] {strides = array<i32>} : memref<40x128xf32, #tpu.memory_space<vmem>>, vector<16xf32>,
      tpu.vector_store %arg15[%swap3A_130, %swap3A_131], %broadcast_in_dim3A_129 {strides = array<i32>} : memref<40x128xf32, #tpu.memory_space<vmem>>, vector<16xf32>,
      %broadcast_in_dim3A_133 = arith.constant 0.000000e+00 : f32
      %broadcast_in_dim3A_134 = vector.broadcast %broadcast_in_dim3A_133 : f32 to vector<16xf32>
      %swap3A_135 = arith.index_cast %add3A_99 : i32 to index
      %swap3A_136 = arith.constant 112 : index
      %swap3A_137 = tpu.vector_load %arg15[%swap3A_135, %swap3A_136] {strides = array<i32>} : memref<40x128xf32, #tpu.memory_space<vmem>>, vector<16xf32>,
      tpu.vector_store %arg15[%swap3A_135, %swap3A_136], %broadcast_in_dim3A_134 {strides = array<i32>} : memref<40x128xf32, #tpu.memory_space<vmem>>, vector<16xf32>,
    }
    %scan3A_37 = arith.constant 40 : i32
    %scan3A_38 = arith.constant 0 : i32
    %scan3A_39 = arith.constant 16 : i32
    %scan3A_40 = arith.addi %scan3A_38, %scan3A_39 : i32
    %scan3A_41 = arith.constant 1 : i32
    scf.for %scan3A_95 = %scan3A_38 to %scan3A_40 step %scan3A_41  : i32 {
      %mul3A_96 = arith.constant 1 : i32
      %mul3A_97 = arith.muli %scan3A_95, %mul3A_96 : i32
      %add3A_98 = arith.constant 0 : i32
      %add3A_99 = arith.addi %add3A_98, %mul3A_97 : i32
      %mul3A_100 = arith.constant 16 : i32
      %mul3A_101 = arith.muli %mul3A_100, %add3A_99 : i32
      %add3A_102 = arith.addi %arg1, %mul3A_101 : i32
      %lt3A = arith.constant 250 : i32
      %lt3A_103 = arith.cmpi slt, %add3A_102, %lt3A : i32
      %convert_element_type3A = arith.extui %lt3A_103 : i1 to i32
      %cond3A = arith.constant 0 : i32
      %cond3A_104 = arith.cmpi ne, %convert_element_type3A, %cond3A : i32
      scf.if %cond3A_104 {
        %mul3A_105 = arith.constant 40 : i32
        %mul3A_106 = arith.muli %add3A_102, %mul3A_105 : i32
        "tpu.region"() ({
          %run_scoped3A = tpu.sem_alloc : memref<!tpu.dma_semaphore, #tpu.memory_space<semaphore_mem>>
          %dma_start3A_107 = arith.constant 0 : i32
          %dma_start3A_108 = tpu.memref_slice %arg16[%mul3A_106, %dma_start3A_107] : memref<10000x128xf32, #tpu.memory_space<vmem_shared>> -> memref<40x128xf32, #tpu.memory_space<vmem_shared>>
          %dma_start3A_109 = arith.constant 0 : i32
          %dma_start3A_110 = tpu.memref_slice %arg16[%mul3A_106, %dma_start3A_109] : memref<10000x128xf32, #tpu.memory_space<vmem_shared>> -> memref<40x128xf32, #tpu.memory_space<vmem_shared>>
          tpu.enqueue_dma source(%arg15 : memref<40x128xf32, #tpu.memory_space<vmem>>) target(%dma_start3A_110 : memref<40x128xf32, #tpu.memory_space<vmem_shared>>) target_semaphore(%run_scoped3A : memref<!tpu.dma_semaphore, #tpu.memory_space<semaphore_mem>>)
          %dma_wait3A_111 = arith.constant 0 : i32
          %dma_wait3A_112 = tpu.memref_slice %arg16[%mul3A_106, %dma_wait3A_111] : memref<10000x128xf32, #tpu.memory_space<vmem_shared>> -> memref<40x128xf32, #tpu.memory_space<vmem_shared>>
          %dma_wait3A_113 = arith.constant 0 : i32
          %dma_wait3A_114 = tpu.memref_slice %arg16[%mul3A_106, %dma_wait3A_113] : memref<10000x128xf32, #tpu.memory_space<vmem_shared>> -> memref<40x128xf32, #tpu.memory_space<vmem_shared>>
          tpu.wait_dma2 semaphore(%run_scoped3A : memref<!tpu.dma_semaphore, #tpu.memory_space<semaphore_mem>>) src(%arg15 : memref<40x128xf32, #tpu.memory_space<vmem>>) dst(%dma_wait3A_114 : memref<40x128xf32, #tpu.memory_space<vmem_shared>>)
          tpu.yield
        }) : () -> ()
      } else {
      }
    }
    %scan3A_42 = arith.constant 16 : i32
    %barrier3A = arith.constant 0 : index
    tpu.barrier barrier_id(%barrier3A)
    %scan3A_43 = arith.constant 0 : i32
    %scan3A_44 = arith.constant 39 : i32
    %scan3A_45 = arith.addi %scan3A_43, %scan3A_44 : i32
    %scan3A_46 = arith.constant 1 : i32
    scf.for %scan3A_95 = %scan3A_43 to %scan3A_45 step %scan3A_46  : i32 {
      %mul3A_96 = arith.constant 1 : i32
      %mul3A_97 = arith.muli %scan3A_95, %mul3A_96 : i32
      %add3A_98 = arith.constant 0 : i32
      %add3A_99 = arith.addi %add3A_98, %mul3A_97 : i32
      %mul3A_100 = arith.constant 2 : i32
      %mul3A_101 = arith.muli %mul3A_100, %add3A_99 : i32
      %add3A_102 = arith.constant 0 : i32
      %add3A_103 = arith.addi %mul3A_101, %add3A_102 : i32
      %mul3A_104 = arith.constant 64 : i32
      %mul3A_105 = arith.muli %add3A_103, %mul3A_104 : i32
      %add3A_106 = arith.addi %add3A_4, %mul3A_105 : i32
      %dma_wait3A_107 = tpu.memref_slice %arg5[%add3A_106] : memref<320000xi32, #tpu.memory_space<hbm>> -> memref<64xi32, #tpu.memory_space<hbm>>
      %dma_wait3A_108 = tpu.memref_slice %arg5[%add3A_106] : memref<320000xi32, #tpu.memory_space<hbm>> -> memref<64xi32, #tpu.memory_space<hbm>>
      tpu.wait_dma2 semaphore(%arg21 : memref<!tpu.dma_semaphore, #tpu.memory_space<semaphore_mem>>) src(%dma_wait3A_108 : memref<64xi32, #tpu.memory_space<hbm>>) dst(%arg8 : memref<64xi32, #tpu.memory_space<vmem>>)
      %mul3A_109 = arith.constant 64 : i32
      %mul3A_110 = arith.muli %add3A_103, %mul3A_109 : i32
      %dma_wait3A_111 = tpu.memref_slice %arg7[%mul3A_110] : memref<5000xi32, #tpu.memory_space<vmem>> -> memref<64xi32, #tpu.memory_space<vmem>>
      %dma_wait3A_112 = arith.constant 0 : i32
      %dma_wait3A_113 = arith.constant 0 : i32
      %dma_wait3A_114 = tpu.memref_slice %arg2[%dma_wait3A_112, %dma_wait3A_113] : memref<10000x128xf32, #tpu.memory_space<hbm>> -> memref<10000x128xf32, #tpu.memory_space<hbm>>
      tpu.wait_indirect_dma semaphore(%arg17 : memref<!tpu.dma_semaphore, #tpu.memory_space<semaphore_mem>>) src(%dma_wait3A_114 : memref<10000x128xf32, #tpu.memory_space<hbm>>) dst(%arg11 : memref<64x128xf32, #tpu.memory_space<vmem>>)
      %mul3A_115 = arith.constant 64 : i32
      %mul3A_116 = arith.muli %add3A_103, %mul3A_115 : i32
      %add3A_117 = arith.addi %mul3A_2, %mul3A_116 : i32
      %dma_wait3A_118 = arith.constant 0 : i32
      %dma_wait3A_119 = tpu.memref_slice %arg3[%add3A_117, %dma_wait3A_118] : memref<160000x128xf32, #tpu.memory_space<hbm>> -> memref<64x128xf32, #tpu.memory_space<hbm>>
      %dma_wait3A_120 = arith.constant 0 : i32
      %dma_wait3A_121 = tpu.memref_slice %arg3[%add3A_117, %dma_wait3A_120] : memref<160000x128xf32, #tpu.memory_space<hbm>> -> memref<64x128xf32, #tpu.memory_space<hbm>>
      tpu.wait_dma2 semaphore(%arg19 : memref<!tpu.dma_semaphore, #tpu.memory_space<semaphore_mem>>) src(%dma_wait3A_121 : memref<64x128xf32, #tpu.memory_space<hbm>>) dst(%arg13 : memref<64x128xf32, #tpu.memory_space<vmem>>)
      %parallel_loop3A_122 = arith.constant 0 : i32
      %parallel_loop3A_123 = arith.constant 64 : i32
      %parallel_loop3A_124 = arith.constant 1 : i32
      scf.for %parallel_loop3A_161 = %parallel_loop3A_122 to %parallel_loop3A_123 step %parallel_loop3A_124  : i32 {
        %parallel_loop3A_162 = arith.index_cast %parallel_loop3A_161 : i32 to index
        %parallel_loop3A_163 = arith.constant 0 : index
        %parallel_loop3A_164 = tpu.vector_load %arg11[%parallel_loop3A_162, %parallel_loop3A_163] {strides = array<i32>} : memref<64x128xf32, #tpu.memory_space<vmem>>, vector<16xf32>,
        %parallel_loop3A_165 = arith.index_cast %parallel_loop3A_161 : i32 to index
        %parallel_loop3A_166 = arith.constant 0 : index
        %parallel_loop3A_167 = tpu.vector_load %arg13[%parallel_loop3A_165, %parallel_loop3A_166] {strides = array<i32>} : memref<64x128xf32, #tpu.memory_space<vmem>>, vector<16xf32>,
        %parallel_loop3A_168 = arith.mulf %parallel_loop3A_164, %parallel_loop3A_167 : vector<16xf32>
        %parallel_loop3A_169 = arith.index_cast %parallel_loop3A_161 : i32 to index
        %parallel_loop3A_170 = arith.constant 0 : index
        %parallel_loop3A_171 = tpu.vector_load %arg11[%parallel_loop3A_169, %parallel_loop3A_170] {strides = array<i32>} : memref<64x128xf32, #tpu.memory_space<vmem>>, vector<16xf32>,
        tpu.vector_store %arg11[%parallel_loop3A_169, %parallel_loop3A_170], %parallel_loop3A_168 {strides = array<i32>} : memref<64x128xf32, #tpu.memory_space<vmem>>, vector<16xf32>,
        %parallel_loop3A_172 = arith.index_cast %parallel_loop3A_161 : i32 to index
        %parallel_loop3A_173 = arith.constant 16 : index
        %parallel_loop3A_174 = tpu.vector_load %arg11[%parallel_loop3A_172, %parallel_loop3A_173] {strides = array<i32>} : memref<64x128xf32, #tpu.memory_space<vmem>>, vector<16xf32>,
        %parallel_loop3A_175 = arith.index_cast %parallel_loop3A_161 : i32 to index
        %parallel_loop3A_176 = arith.constant 16 : index
        %parallel_loop3A_177 = tpu.vector_load %arg13[%parallel_loop3A_175, %parallel_loop3A_176] {strides = array<i32>} : memref<64x128xf32, #tpu.memory_space<vmem>>, vector<16xf32>,
        %parallel_loop3A_178 = arith.mulf %parallel_loop3A_174, %parallel_loop3A_177 : vector<16xf32>
        %parallel_loop3A_179 = arith.index_cast %parallel_loop3A_161 : i32 to index
        %parallel_loop3A_180 = arith.constant 16 : index
        %parallel_loop3A_181 = tpu.vector_load %arg11[%parallel_loop3A_179, %parallel_loop3A_180] {strides = array<i32>} : memref<64x128xf32, #tpu.memory_space<vmem>>, vector<16xf32>,
        tpu.vector_store %arg11[%parallel_loop3A_179, %parallel_loop3A_180], %parallel_loop3A_178 {strides = array<i32>} : memref<64x128xf32, #tpu.memory_space<vmem>>, vector<16xf32>,
        %parallel_loop3A_182 = arith.index_cast %parallel_loop3A_161 : i32 to index
        %parallel_loop3A_183 = arith.constant 32 : index
        %parallel_loop3A_184 = tpu.vector_load %arg11[%parallel_loop3A_182, %parallel_loop3A_183] {strides = array<i32>} : memref<64x128xf32, #tpu.memory_space<vmem>>, vector<16xf32>,
        %parallel_loop3A_185 = arith.index_cast %parallel_loop3A_161 : i32 to index
        %parallel_loop3A_186 = arith.constant 32 : index
        %parallel_loop3A_187 = tpu.vector_load %arg13[%parallel_loop3A_185, %parallel_loop3A_186] {strides = array<i32>} : memref<64x128xf32, #tpu.memory_space<vmem>>, vector<16xf32>,
        %parallel_loop3A_188 = arith.mulf %parallel_loop3A_184, %parallel_loop3A_187 : vector<16xf32>
        %parallel_loop3A_189 = arith.index_cast %parallel_loop3A_161 : i32 to index
        %parallel_loop3A_190 = arith.constant 32 : index
        %parallel_loop3A_191 = tpu.vector_load %arg11[%parallel_loop3A_189, %parallel_loop3A_190] {strides = array<i32>} : memref<64x128xf32, #tpu.memory_space<vmem>>, vector<16xf32>,
        tpu.vector_store %arg11[%parallel_loop3A_189, %parallel_loop3A_190], %parallel_loop3A_188 {strides = array<i32>} : memref<64x128xf32, #tpu.memory_space<vmem>>, vector<16xf32>,
        %parallel_loop3A_192 = arith.index_cast %parallel_loop3A_161 : i32 to index
        %parallel_loop3A_193 = arith.constant 48 : index
        %parallel_loop3A_194 = tpu.vector_load %arg11[%parallel_loop3A_192, %parallel_loop3A_193] {strides = array<i32>} : memref<64x128xf32, #tpu.memory_space<vmem>>, vector<16xf32>,
        %parallel_loop3A_195 = arith.index_cast %parallel_loop3A_161 : i32 to index
        %parallel_loop3A_196 = arith.constant 48 : index
        %parallel_loop3A_197 = tpu.vector_load %arg13[%parallel_loop3A_195, %parallel_loop3A_196] {strides = array<i32>} : memref<64x128xf32, #tpu.memory_space<vmem>>, vector<16xf32>,
        %parallel_loop3A_198 = arith.mulf %parallel_loop3A_194, %parallel_loop3A_197 : vector<16xf32>
        %parallel_loop3A_199 = arith.index_cast %parallel_loop3A_161 : i32 to index
        %parallel_loop3A_200 = arith.constant 48 : index
        %parallel_loop3A_201 = tpu.vector_load %arg11[%parallel_loop3A_199, %parallel_loop3A_200] {strides = array<i32>} : memref<64x128xf32, #tpu.memory_space<vmem>>, vector<16xf32>,
        tpu.vector_store %arg11[%parallel_loop3A_199, %parallel_loop3A_200], %parallel_loop3A_198 {strides = array<i32>} : memref<64x128xf32, #tpu.memory_space<vmem>>, vector<16xf32>,
        %parallel_loop3A_202 = arith.index_cast %parallel_loop3A_161 : i32 to index
        %parallel_loop3A_203 = arith.constant 64 : index
        %parallel_loop3A_204 = tpu.vector_load %arg11[%parallel_loop3A_202, %parallel_loop3A_203] {strides = array<i32>} : memref<64x128xf32, #tpu.memory_space<vmem>>, vector<16xf32>,
        %parallel_loop3A_205 = arith.index_cast %parallel_loop3A_161 : i32 to index
        %parallel_loop3A_206 = arith.constant 64 : index
        %parallel_loop3A_207 = tpu.vector_load %arg13[%parallel_loop3A_205, %parallel_loop3A_206] {strides = array<i32>} : memref<64x128xf32, #tpu.memory_space<vmem>>, vector<16xf32>,
        %parallel_loop3A_208 = arith.mulf %parallel_loop3A_204, %parallel_loop3A_207 : vector<16xf32>
        %parallel_loop3A_209 = arith.index_cast %parallel_loop3A_161 : i32 to index
        %parallel_loop3A_210 = arith.constant 64 : index
        %parallel_loop3A_211 = tpu.vector_load %arg11[%parallel_loop3A_209, %parallel_loop3A_210] {strides = array<i32>} : memref<64x128xf32, #tpu.memory_space<vmem>>, vector<16xf32>,
        tpu.vector_store %arg11[%parallel_loop3A_209, %parallel_loop3A_210], %parallel_loop3A_208 {strides = array<i32>} : memref<64x128xf32, #tpu.memory_space<vmem>>, vector<16xf32>,
        %parallel_loop3A_212 = arith.index_cast %parallel_loop3A_161 : i32 to index
        %parallel_loop3A_213 = arith.constant 80 : index
        %parallel_loop3A_214 = tpu.vector_load %arg11[%parallel_loop3A_212, %parallel_loop3A_213] {strides = array<i32>} : memref<64x128xf32, #tpu.memory_space<vmem>>, vector<16xf32>,
        %parallel_loop3A_215 = arith.index_cast %parallel_loop3A_161 : i32 to index
        %parallel_loop3A_216 = arith.constant 80 : index
        %parallel_loop3A_217 = tpu.vector_load %arg13[%parallel_loop3A_215, %parallel_loop3A_216] {strides = array<i32>} : memref<64x128xf32, #tpu.memory_space<vmem>>, vector<16xf32>,
        %parallel_loop3A_218 = arith.mulf %parallel_loop3A_214, %parallel_loop3A_217 : vector<16xf32>
        %parallel_loop3A_219 = arith.index_cast %parallel_loop3A_161 : i32 to index
        %parallel_loop3A_220 = arith.constant 80 : index
        %parallel_loop3A_221 = tpu.vector_load %arg11[%parallel_loop3A_219, %parallel_loop3A_220] {strides = array<i32>} : memref<64x128xf32, #tpu.memory_space<vmem>>, vector<16xf32>,
        tpu.vector_store %arg11[%parallel_loop3A_219, %parallel_loop3A_220], %parallel_loop3A_218 {strides = array<i32>} : memref<64x128xf32, #tpu.memory_space<vmem>>, vector<16xf32>,
        %parallel_loop3A_222 = arith.index_cast %parallel_loop3A_161 : i32 to index
        %parallel_loop3A_223 = arith.constant 96 : index
        %parallel_loop3A_224 = tpu.vector_load %arg11[%parallel_loop3A_222, %parallel_loop3A_223] {strides = array<i32>} : memref<64x128xf32, #tpu.memory_space<vmem>>, vector<16xf32>,
        %parallel_loop3A_225 = arith.index_cast %parallel_loop3A_161 : i32 to index
        %parallel_loop3A_226 = arith.constant 96 : index
        %parallel_loop3A_227 = tpu.vector_load %arg13[%parallel_loop3A_225, %parallel_loop3A_226] {strides = array<i32>} : memref<64x128xf32, #tpu.memory_space<vmem>>, vector<16xf32>,
        %parallel_loop3A_228 = arith.mulf %parallel_loop3A_224, %parallel_loop3A_227 : vector<16xf32>
        %parallel_loop3A_229 = arith.index_cast %parallel_loop3A_161 : i32 to index
        %parallel_loop3A_230 = arith.constant 96 : index
        %parallel_loop3A_231 = tpu.vector_load %arg11[%parallel_loop3A_229, %parallel_loop3A_230] {strides = array<i32>} : memref<64x128xf32, #tpu.memory_space<vmem>>, vector<16xf32>,
        tpu.vector_store %arg11[%parallel_loop3A_229, %parallel_loop3A_230], %parallel_loop3A_228 {strides = array<i32>} : memref<64x128xf32, #tpu.memory_space<vmem>>, vector<16xf32>,
        %parallel_loop3A_232 = arith.index_cast %parallel_loop3A_161 : i32 to index
        %parallel_loop3A_233 = arith.constant 112 : index
        %parallel_loop3A_234 = tpu.vector_load %arg11[%parallel_loop3A_232, %parallel_loop3A_233] {strides = array<i32>} : memref<64x128xf32, #tpu.memory_space<vmem>>, vector<16xf32>,
        %parallel_loop3A_235 = arith.index_cast %parallel_loop3A_161 : i32 to index
        %parallel_loop3A_236 = arith.constant 112 : index
        %parallel_loop3A_237 = tpu.vector_load %arg13[%parallel_loop3A_235, %parallel_loop3A_236] {strides = array<i32>} : memref<64x128xf32, #tpu.memory_space<vmem>>, vector<16xf32>,
        %parallel_loop3A_238 = arith.mulf %parallel_loop3A_234, %parallel_loop3A_237 : vector<16xf32>
        %parallel_loop3A_239 = arith.index_cast %parallel_loop3A_161 : i32 to index
        %parallel_loop3A_240 = arith.constant 112 : index
        %parallel_loop3A_241 = tpu.vector_load %arg11[%parallel_loop3A_239, %parallel_loop3A_240] {strides = array<i32>} : memref<64x128xf32, #tpu.memory_space<vmem>>, vector<16xf32>,
        tpu.vector_store %arg11[%parallel_loop3A_239, %parallel_loop3A_240], %parallel_loop3A_238 {strides = array<i32>} : memref<64x128xf32, #tpu.memory_space<vmem>>, vector<16xf32>,
      } {sc.loop_unroll_factor = 1 : i64, sc.parallel_access}
      "tpu.region"() ({
        %run_scoped3A = tpu.sem_alloc : memref<!tpu.dma_semaphore, #tpu.memory_space<semaphore_mem>>
        %dma_start3A_161 = arith.constant 0 : i32
        %dma_start3A_162 = arith.constant 0 : i32
        %dma_start3A_163 = tpu.memref_slice %arg16[%dma_start3A_161, %dma_start3A_162] : memref<10000x128xf32, #tpu.memory_space<vmem_shared>> -> memref<10000x128xf32, #tpu.memory_space<vmem_shared>>
        tpu.enqueue_indirect_dma source(%arg11 : memref<64x128xf32, #tpu.memory_space<vmem>>) target(%dma_start3A_163 : memref<10000x128xf32, #tpu.memory_space<vmem_shared>>) offsets(%arg8 : memref<64xi32, #tpu.memory_space<vmem>>) semaphore(%run_scoped3A : memref<!tpu.dma_semaphore, #tpu.memory_space<semaphore_mem>>) {add = true}
        %dma_wait3A_164 = arith.constant 0 : i32
        %dma_wait3A_165 = arith.constant 0 : i32
        %dma_wait3A_166 = tpu.memref_slice %arg16[%dma_wait3A_164, %dma_wait3A_165] : memref<10000x128xf32, #tpu.memory_space<vmem_shared>> -> memref<10000x128xf32, #tpu.memory_space<vmem_shared>>
        tpu.wait_indirect_dma semaphore(%run_scoped3A : memref<!tpu.dma_semaphore, #tpu.memory_space<semaphore_mem>>) src(%arg11 : memref<64x128xf32, #tpu.memory_space<vmem>>) dst(%dma_wait3A_166 : memref<10000x128xf32, #tpu.memory_space<vmem_shared>>)
        tpu.yield
      }) : () -> ()
      %add3A_125 = arith.constant 2 : i32
      %add3A_126 = arith.addi %add3A_103, %add3A_125 : i32
      %lt3A = arith.constant 78 : i32
      %lt3A_127 = arith.cmpi slt, %add3A_126, %lt3A : i32
      %convert_element_type3A = arith.extui %lt3A_127 : i1 to i32
      %cond3A = arith.constant 0 : i32
      %cond3A_128 = arith.cmpi ne, %convert_element_type3A, %cond3A : i32
      scf.if %cond3A_128 {
        %add3A_161 = arith.constant 2 : i32
        %add3A_162 = arith.addi %add3A_103, %add3A_161 : i32
        %mul3A_163 = arith.constant 64 : i32
        %mul3A_164 = arith.muli %add3A_162, %mul3A_163 : i32
        %add3A_165 = arith.addi %add3A_4, %mul3A_164 : i32
        %dma_start3A_166 = tpu.memref_slice %arg5[%add3A_165] : memref<320000xi32, #tpu.memory_space<hbm>> -> memref<64xi32, #tpu.memory_space<hbm>>
        %dma_start3A_167 = tpu.memref_slice %arg5[%add3A_165] : memref<320000xi32, #tpu.memory_space<hbm>> -> memref<64xi32, #tpu.memory_space<hbm>>
        tpu.enqueue_dma source(%dma_start3A_167 : memref<64xi32, #tpu.memory_space<hbm>>) target(%arg8 : memref<64xi32, #tpu.memory_space<vmem>>) target_semaphore(%arg21 : memref<!tpu.dma_semaphore, #tpu.memory_space<semaphore_mem>>)
        %mul3A_168 = arith.constant 64 : i32
        %mul3A_169 = arith.muli %add3A_162, %mul3A_168 : i32
        %dma_start3A_170 = tpu.memref_slice %arg7[%mul3A_169] : memref<5000xi32, #tpu.memory_space<vmem>> -> memref<64xi32, #tpu.memory_space<vmem>>
        %dma_start3A_171 = arith.constant 0 : i32
        %dma_start3A_172 = arith.constant 0 : i32
        %dma_start3A_173 = tpu.memref_slice %arg2[%dma_start3A_171, %dma_start3A_172] : memref<10000x128xf32, #tpu.memory_space<hbm>> -> memref<10000x128xf32, #tpu.memory_space<hbm>>
        tpu.enqueue_indirect_dma source(%dma_start3A_173 : memref<10000x128xf32, #tpu.memory_space<hbm>>) target(%arg11 : memref<64x128xf32, #tpu.memory_space<vmem>>) offsets(%dma_start3A_170 : memref<64xi32, #tpu.memory_space<vmem>>) semaphore(%arg17 : memref<!tpu.dma_semaphore, #tpu.memory_space<semaphore_mem>>)
        %mul3A_174 = arith.constant 64 : i32
        %mul3A_175 = arith.muli %add3A_162, %mul3A_174 : i32
        %add3A_176 = arith.addi %mul3A_2, %mul3A_175 : i32
        %dma_start3A_177 = arith.constant 0 : i32
        %dma_start3A_178 = tpu.memref_slice %arg3[%add3A_176, %dma_start3A_177] : memref<160000x128xf32, #tpu.memory_space<hbm>> -> memref<64x128xf32, #tpu.memory_space<hbm>>
        %dma_start3A_179 = arith.constant 0 : i32
        %dma_start3A_180 = tpu.memref_slice %arg3[%add3A_176, %dma_start3A_179] : memref<160000x128xf32, #tpu.memory_space<hbm>> -> memref<64x128xf32, #tpu.memory_space<hbm>>
        tpu.enqueue_dma source(%dma_start3A_180 : memref<64x128xf32, #tpu.memory_space<hbm>>) target(%arg13 : memref<64x128xf32, #tpu.memory_space<vmem>>) target_semaphore(%arg19 : memref<!tpu.dma_semaphore, #tpu.memory_space<semaphore_mem>>)
      } else {
      }
      %mul3A_129 = arith.constant 2 : i32
      %mul3A_130 = arith.muli %mul3A_129, %add3A_99 : i32
      %add3A_131 = arith.constant 1 : i32
      %add3A_132 = arith.addi %mul3A_130, %add3A_131 : i32
      %mul3A_133 = arith.constant 64 : i32
      %mul3A_134 = arith.muli %add3A_132, %mul3A_133 : i32
      %add3A_135 = arith.addi %add3A_4, %mul3A_134 : i32
      %dma_wait3A_136 = tpu.memref_slice %arg5[%add3A_135] : memref<320000xi32, #tpu.memory_space<hbm>> -> memref<64xi32, #tpu.memory_space<hbm>>
      %dma_wait3A_137 = tpu.memref_slice %arg5[%add3A_135] : memref<320000xi32, #tpu.memory_space<hbm>> -> memref<64xi32, #tpu.memory_space<hbm>>
      tpu.wait_dma2 semaphore(%arg22 : memref<!tpu.dma_semaphore, #tpu.memory_space<semaphore_mem>>) src(%dma_wait3A_137 : memref<64xi32, #tpu.memory_space<hbm>>) dst(%arg9 : memref<64xi32, #tpu.memory_space<vmem>>)
      %mul3A_138 = arith.constant 64 : i32
      %mul3A_139 = arith.muli %add3A_132, %mul3A_138 : i32
      %dma_wait3A_140 = tpu.memref_slice %arg7[%mul3A_139] : memref<5000xi32, #tpu.memory_space<vmem>> -> memref<64xi32, #tpu.memory_space<vmem>>
      %dma_wait3A_141 = arith.constant 0 : i32
      %dma_wait3A_142 = arith.constant 0 : i32
      %dma_wait3A_143 = tpu.memref_slice %arg2[%dma_wait3A_141, %dma_wait3A_142] : memref<10000x128xf32, #tpu.memory_space<hbm>> -> memref<10000x128xf32, #tpu.memory_space<hbm>>
      tpu.wait_indirect_dma semaphore(%arg18 : memref<!tpu.dma_semaphore, #tpu.memory_space<semaphore_mem>>) src(%dma_wait3A_143 : memref<10000x128xf32, #tpu.memory_space<hbm>>) dst(%arg12 : memref<64x128xf32, #tpu.memory_space<vmem>>)
      %mul3A_144 = arith.constant 64 : i32
      %mul3A_145 = arith.muli %add3A_132, %mul3A_144 : i32
      %add3A_146 = arith.addi %mul3A_2, %mul3A_145 : i32
      %dma_wait3A_147 = arith.constant 0 : i32
      %dma_wait3A_148 = tpu.memref_slice %arg3[%add3A_146, %dma_wait3A_147] : memref<160000x128xf32, #tpu.memory_space<hbm>> -> memref<64x128xf32, #tpu.memory_space<hbm>>
      %dma_wait3A_149 = arith.constant 0 : i32
      %dma_wait3A_150 = tpu.memref_slice %arg3[%add3A_146, %dma_wait3A_149] : memref<160000x128xf32, #tpu.memory_space<hbm>> -> memref<64x128xf32, #tpu.memory_space<hbm>>
      tpu.wait_dma2 semaphore(%arg20 : memref<!tpu.dma_semaphore, #tpu.memory_space<semaphore_mem>>) src(%dma_wait3A_150 : memref<64x128xf32, #tpu.memory_space<hbm>>) dst(%arg14 : memref<64x128xf32, #tpu.memory_space<vmem>>)
      %parallel_loop3A_151 = arith.constant 0 : i32
      %parallel_loop3A_152 = arith.constant 64 : i32
      %parallel_loop3A_153 = arith.constant 1 : i32
      scf.for %parallel_loop3A_161 = %parallel_loop3A_151 to %parallel_loop3A_152 step %parallel_loop3A_153  : i32 {
        %parallel_loop3A_162 = arith.index_cast %parallel_loop3A_161 : i32 to index
        %parallel_loop3A_163 = arith.constant 0 : index
        %parallel_loop3A_164 = tpu.vector_load %arg12[%parallel_loop3A_162, %parallel_loop3A_163] {strides = array<i32>} : memref<64x128xf32, #tpu.memory_space<vmem>>, vector<16xf32>,
        %parallel_loop3A_165 = arith.index_cast %parallel_loop3A_161 : i32 to index
        %parallel_loop3A_166 = arith.constant 0 : index
        %parallel_loop3A_167 = tpu.vector_load %arg14[%parallel_loop3A_165, %parallel_loop3A_166] {strides = array<i32>} : memref<64x128xf32, #tpu.memory_space<vmem>>, vector<16xf32>,
        %parallel_loop3A_168 = arith.mulf %parallel_loop3A_164, %parallel_loop3A_167 : vector<16xf32>
        %parallel_loop3A_169 = arith.index_cast %parallel_loop3A_161 : i32 to index
        %parallel_loop3A_170 = arith.constant 0 : index
        %parallel_loop3A_171 = tpu.vector_load %arg12[%parallel_loop3A_169, %parallel_loop3A_170] {strides = array<i32>} : memref<64x128xf32, #tpu.memory_space<vmem>>, vector<16xf32>,
        tpu.vector_store %arg12[%parallel_loop3A_169, %parallel_loop3A_170], %parallel_loop3A_168 {strides = array<i32>} : memref<64x128xf32, #tpu.memory_space<vmem>>, vector<16xf32>,
        %parallel_loop3A_172 = arith.index_cast %parallel_loop3A_161 : i32 to index
        %parallel_loop3A_173 = arith.constant 16 : index
        %parallel_loop3A_174 = tpu.vector_load %arg12[%parallel_loop3A_172, %parallel_loop3A_173] {strides = array<i32>} : memref<64x128xf32, #tpu.memory_space<vmem>>, vector<16xf32>,
        %parallel_loop3A_175 = arith.index_cast %parallel_loop3A_161 : i32 to index
        %parallel_loop3A_176 = arith.constant 16 : index
        %parallel_loop3A_177 = tpu.vector_load %arg14[%parallel_loop3A_175, %parallel_loop3A_176] {strides = array<i32>} : memref<64x128xf32, #tpu.memory_space<vmem>>, vector<16xf32>,
        %parallel_loop3A_178 = arith.mulf %parallel_loop3A_174, %parallel_loop3A_177 : vector<16xf32>
        %parallel_loop3A_179 = arith.index_cast %parallel_loop3A_161 : i32 to index
        %parallel_loop3A_180 = arith.constant 16 : index
        %parallel_loop3A_181 = tpu.vector_load %arg12[%parallel_loop3A_179, %parallel_loop3A_180] {strides = array<i32>} : memref<64x128xf32, #tpu.memory_space<vmem>>, vector<16xf32>,
        tpu.vector_store %arg12[%parallel_loop3A_179, %parallel_loop3A_180], %parallel_loop3A_178 {strides = array<i32>} : memref<64x128xf32, #tpu.memory_space<vmem>>, vector<16xf32>,
        %parallel_loop3A_182 = arith.index_cast %parallel_loop3A_161 : i32 to index
        %parallel_loop3A_183 = arith.constant 32 : index
        %parallel_loop3A_184 = tpu.vector_load %arg12[%parallel_loop3A_182, %parallel_loop3A_183] {strides = array<i32>} : memref<64x128xf32, #tpu.memory_space<vmem>>, vector<16xf32>,
        %parallel_loop3A_185 = arith.index_cast %parallel_loop3A_161 : i32 to index
        %parallel_loop3A_186 = arith.constant 32 : index
        %parallel_loop3A_187 = tpu.vector_load %arg14[%parallel_loop3A_185, %parallel_loop3A_186] {strides = array<i32>} : memref<64x128xf32, #tpu.memory_space<vmem>>, vector<16xf32>,
        %parallel_loop3A_188 = arith.mulf %parallel_loop3A_184, %parallel_loop3A_187 : vector<16xf32>
        %parallel_loop3A_189 = arith.index_cast %parallel_loop3A_161 : i32 to index
        %parallel_loop3A_190 = arith.constant 32 : index
        %parallel_loop3A_191 = tpu.vector_load %arg12[%parallel_loop3A_189, %parallel_loop3A_190] {strides = array<i32>} : memref<64x128xf32, #tpu.memory_space<vmem>>, vector<16xf32>,
        tpu.vector_store %arg12[%parallel_loop3A_189, %parallel_loop3A_190], %parallel_loop3A_188 {strides = array<i32>} : memref<64x128xf32, #tpu.memory_space<vmem>>, vector<16xf32>,
        %parallel_loop3A_192 = arith.index_cast %parallel_loop3A_161 : i32 to index
        %parallel_loop3A_193 = arith.constant 48 : index
        %parallel_loop3A_194 = tpu.vector_load %arg12[%parallel_loop3A_192, %parallel_loop3A_193] {strides = array<i32>} : memref<64x128xf32, #tpu.memory_space<vmem>>, vector<16xf32>,
        %parallel_loop3A_195 = arith.index_cast %parallel_loop3A_161 : i32 to index
        %parallel_loop3A_196 = arith.constant 48 : index
        %parallel_loop3A_197 = tpu.vector_load %arg14[%parallel_loop3A_195, %parallel_loop3A_196] {strides = array<i32>} : memref<64x128xf32, #tpu.memory_space<vmem>>, vector<16xf32>,
        %parallel_loop3A_198 = arith.mulf %parallel_loop3A_194, %parallel_loop3A_197 : vector<16xf32>
        %parallel_loop3A_199 = arith.index_cast %parallel_loop3A_161 : i32 to index
        %parallel_loop3A_200 = arith.constant 48 : index
        %parallel_loop3A_201 = tpu.vector_load %arg12[%parallel_loop3A_199, %parallel_loop3A_200] {strides = array<i32>} : memref<64x128xf32, #tpu.memory_space<vmem>>, vector<16xf32>,
        tpu.vector_store %arg12[%parallel_loop3A_199, %parallel_loop3A_200], %parallel_loop3A_198 {strides = array<i32>} : memref<64x128xf32, #tpu.memory_space<vmem>>, vector<16xf32>,
        %parallel_loop3A_202 = arith.index_cast %parallel_loop3A_161 : i32 to index
        %parallel_loop3A_203 = arith.constant 64 : index
        %parallel_loop3A_204 = tpu.vector_load %arg12[%parallel_loop3A_202, %parallel_loop3A_203] {strides = array<i32>} : memref<64x128xf32, #tpu.memory_space<vmem>>, vector<16xf32>,
        %parallel_loop3A_205 = arith.index_cast %parallel_loop3A_161 : i32 to index
        %parallel_loop3A_206 = arith.constant 64 : index
        %parallel_loop3A_207 = tpu.vector_load %arg14[%parallel_loop3A_205, %parallel_loop3A_206] {strides = array<i32>} : memref<64x128xf32, #tpu.memory_space<vmem>>, vector<16xf32>,
        %parallel_loop3A_208 = arith.mulf %parallel_loop3A_204, %parallel_loop3A_207 : vector<16xf32>
        %parallel_loop3A_209 = arith.index_cast %parallel_loop3A_161 : i32 to index
        %parallel_loop3A_210 = arith.constant 64 : index
        %parallel_loop3A_211 = tpu.vector_load %arg12[%parallel_loop3A_209, %parallel_loop3A_210] {strides = array<i32>} : memref<64x128xf32, #tpu.memory_space<vmem>>, vector<16xf32>,
        tpu.vector_store %arg12[%parallel_loop3A_209, %parallel_loop3A_210], %parallel_loop3A_208 {strides = array<i32>} : memref<64x128xf32, #tpu.memory_space<vmem>>, vector<16xf32>,
        %parallel_loop3A_212 = arith.index_cast %parallel_loop3A_161 : i32 to index
        %parallel_loop3A_213 = arith.constant 80 : index
        %parallel_loop3A_214 = tpu.vector_load %arg12[%parallel_loop3A_212, %parallel_loop3A_213] {strides = array<i32>} : memref<64x128xf32, #tpu.memory_space<vmem>>, vector<16xf32>,
        %parallel_loop3A_215 = arith.index_cast %parallel_loop3A_161 : i32 to index
        %parallel_loop3A_216 = arith.constant 80 : index
        %parallel_loop3A_217 = tpu.vector_load %arg14[%parallel_loop3A_215, %parallel_loop3A_216] {strides = array<i32>} : memref<64x128xf32, #tpu.memory_space<vmem>>, vector<16xf32>,
        %parallel_loop3A_218 = arith.mulf %parallel_loop3A_214, %parallel_loop3A_217 : vector<16xf32>
        %parallel_loop3A_219 = arith.index_cast %parallel_loop3A_161 : i32 to index
        %parallel_loop3A_220 = arith.constant 80 : index
        %parallel_loop3A_221 = tpu.vector_load %arg12[%parallel_loop3A_219, %parallel_loop3A_220] {strides = array<i32>} : memref<64x128xf32, #tpu.memory_space<vmem>>, vector<16xf32>,
        tpu.vector_store %arg12[%parallel_loop3A_219, %parallel_loop3A_220], %parallel_loop3A_218 {strides = array<i32>} : memref<64x128xf32, #tpu.memory_space<vmem>>, vector<16xf32>,
        %parallel_loop3A_222 = arith.index_cast %parallel_loop3A_161 : i32 to index
        %parallel_loop3A_223 = arith.constant 96 : index
        %parallel_loop3A_224 = tpu.vector_load %arg12[%parallel_loop3A_222, %parallel_loop3A_223] {strides = array<i32>} : memref<64x128xf32, #tpu.memory_space<vmem>>, vector<16xf32>,
        %parallel_loop3A_225 = arith.index_cast %parallel_loop3A_161 : i32 to index
        %parallel_loop3A_226 = arith.constant 96 : index
        %parallel_loop3A_227 = tpu.vector_load %arg14[%parallel_loop3A_225, %parallel_loop3A_226] {strides = array<i32>} : memref<64x128xf32, #tpu.memory_space<vmem>>, vector<16xf32>,
        %parallel_loop3A_228 = arith.mulf %parallel_loop3A_224, %parallel_loop3A_227 : vector<16xf32>
        %parallel_loop3A_229 = arith.index_cast %parallel_loop3A_161 : i32 to index
        %parallel_loop3A_230 = arith.constant 96 : index
        %parallel_loop3A_231 = tpu.vector_load %arg12[%parallel_loop3A_229, %parallel_loop3A_230] {strides = array<i32>} : memref<64x128xf32, #tpu.memory_space<vmem>>, vector<16xf32>,
        tpu.vector_store %arg12[%parallel_loop3A_229, %parallel_loop3A_230], %parallel_loop3A_228 {strides = array<i32>} : memref<64x128xf32, #tpu.memory_space<vmem>>, vector<16xf32>,
        %parallel_loop3A_232 = arith.index_cast %parallel_loop3A_161 : i32 to index
        %parallel_loop3A_233 = arith.constant 112 : index
        %parallel_loop3A_234 = tpu.vector_load %arg12[%parallel_loop3A_232, %parallel_loop3A_233] {strides = array<i32>} : memref<64x128xf32, #tpu.memory_space<vmem>>, vector<16xf32>,
        %parallel_loop3A_235 = arith.index_cast %parallel_loop3A_161 : i32 to index
        %parallel_loop3A_236 = arith.constant 112 : index
        %parallel_loop3A_237 = tpu.vector_load %arg14[%parallel_loop3A_235, %parallel_loop3A_236] {strides = array<i32>} : memref<64x128xf32, #tpu.memory_space<vmem>>, vector<16xf32>,
        %parallel_loop3A_238 = arith.mulf %parallel_loop3A_234, %parallel_loop3A_237 : vector<16xf32>
        %parallel_loop3A_239 = arith.index_cast %parallel_loop3A_161 : i32 to index
        %parallel_loop3A_240 = arith.constant 112 : index
        %parallel_loop3A_241 = tpu.vector_load %arg12[%parallel_loop3A_239, %parallel_loop3A_240] {strides = array<i32>} : memref<64x128xf32, #tpu.memory_space<vmem>>, vector<16xf32>,
        tpu.vector_store %arg12[%parallel_loop3A_239, %parallel_loop3A_240], %parallel_loop3A_238 {strides = array<i32>} : memref<64x128xf32, #tpu.memory_space<vmem>>, vector<16xf32>,
      } {sc.loop_unroll_factor = 1 : i64, sc.parallel_access}
      "tpu.region"() ({
        %run_scoped3A = tpu.sem_alloc : memref<!tpu.dma_semaphore, #tpu.memory_space<semaphore_mem>>
        %dma_start3A_161 = arith.constant 0 : i32
        %dma_start3A_162 = arith.constant 0 : i32
        %dma_start3A_163 = tpu.memref_slice %arg16[%dma_start3A_161, %dma_start3A_162] : memref<10000x128xf32, #tpu.memory_space<vmem_shared>> -> memref<10000x128xf32, #tpu.memory_space<vmem_shared>>
        tpu.enqueue_indirect_dma source(%arg12 : memref<64x128xf32, #tpu.memory_space<vmem>>) target(%dma_start3A_163 : memref<10000x128xf32, #tpu.memory_space<vmem_shared>>) offsets(%arg9 : memref<64xi32, #tpu.memory_space<vmem>>) semaphore(%run_scoped3A : memref<!tpu.dma_semaphore, #tpu.memory_space<semaphore_mem>>) {add = true}
        %dma_wait3A_164 = arith.constant 0 : i32
        %dma_wait3A_165 = arith.constant 0 : i32
        %dma_wait3A_166 = tpu.memref_slice %arg16[%dma_wait3A_164, %dma_wait3A_165] : memref<10000x128xf32, #tpu.memory_space<vmem_shared>> -> memref<10000x128xf32, #tpu.memory_space<vmem_shared>>
        tpu.wait_indirect_dma semaphore(%run_scoped3A : memref<!tpu.dma_semaphore, #tpu.memory_space<semaphore_mem>>) src(%arg12 : memref<64x128xf32, #tpu.memory_space<vmem>>) dst(%dma_wait3A_166 : memref<10000x128xf32, #tpu.memory_space<vmem_shared>>)
        tpu.yield
      }) : () -> ()
      %add3A_154 = arith.constant 2 : i32
      %add3A_155 = arith.addi %add3A_132, %add3A_154 : i32
      %lt3A_156 = arith.constant 78 : i32
      %lt3A_157 = arith.cmpi slt, %add3A_155, %lt3A_156 : i32
      %convert_element_type3A_158 = arith.extui %lt3A_157 : i1 to i32
      %cond3A_159 = arith.constant 0 : i32
      %cond3A_160 = arith.cmpi ne, %convert_element_type3A_158, %cond3A_159 : i32
      scf.if %cond3A_160 {
        %add3A_161 = arith.constant 2 : i32
        %add3A_162 = arith.addi %add3A_132, %add3A_161 : i32
        %mul3A_163 = arith.constant 64 : i32
        %mul3A_164 = arith.muli %add3A_162, %mul3A_163 : i32
        %add3A_165 = arith.addi %add3A_4, %mul3A_164 : i32
        %dma_start3A_166 = tpu.memref_slice %arg5[%add3A_165] : memref<320000xi32, #tpu.memory_space<hbm>> -> memref<64xi32, #tpu.memory_space<hbm>>
        %dma_start3A_167 = tpu.memref_slice %arg5[%add3A_165] : memref<320000xi32, #tpu.memory_space<hbm>> -> memref<64xi32, #tpu.memory_space<hbm>>
        tpu.enqueue_dma source(%dma_start3A_167 : memref<64xi32, #tpu.memory_space<hbm>>) target(%arg9 : memref<64xi32, #tpu.memory_space<vmem>>) target_semaphore(%arg22 : memref<!tpu.dma_semaphore, #tpu.memory_space<semaphore_mem>>)
        %mul3A_168 = arith.constant 64 : i32
        %mul3A_169 = arith.muli %add3A_162, %mul3A_168 : i32
        %dma_start3A_170 = tpu.memref_slice %arg7[%mul3A_169] : memref<5000xi32, #tpu.memory_space<vmem>> -> memref<64xi32, #tpu.memory_space<vmem>>
        %dma_start3A_171 = arith.constant 0 : i32
        %dma_start3A_172 = arith.constant 0 : i32
        %dma_start3A_173 = tpu.memref_slice %arg2[%dma_start3A_171, %dma_start3A_172] : memref<10000x128xf32, #tpu.memory_space<hbm>> -> memref<10000x128xf32, #tpu.memory_space<hbm>>
        tpu.enqueue_indirect_dma source(%dma_start3A_173 : memref<10000x128xf32, #tpu.memory_space<hbm>>) target(%arg12 : memref<64x128xf32, #tpu.memory_space<vmem>>) offsets(%dma_start3A_170 : memref<64xi32, #tpu.memory_space<vmem>>) semaphore(%arg18 : memref<!tpu.dma_semaphore, #tpu.memory_space<semaphore_mem>>)
        %mul3A_174 = arith.constant 64 : i32
        %mul3A_175 = arith.muli %add3A_162, %mul3A_174 : i32
        %add3A_176 = arith.addi %mul3A_2, %mul3A_175 : i32
        %dma_start3A_177 = arith.constant 0 : i32
        %dma_start3A_178 = tpu.memref_slice %arg3[%add3A_176, %dma_start3A_177] : memref<160000x128xf32, #tpu.memory_space<hbm>> -> memref<64x128xf32, #tpu.memory_space<hbm>>
        %dma_start3A_179 = arith.constant 0 : i32
        %dma_start3A_180 = tpu.memref_slice %arg3[%add3A_176, %dma_start3A_179] : memref<160000x128xf32, #tpu.memory_space<hbm>> -> memref<64x128xf32, #tpu.memory_space<hbm>>
        tpu.enqueue_dma source(%dma_start3A_180 : memref<64x128xf32, #tpu.memory_space<hbm>>) target(%arg14 : memref<64x128xf32, #tpu.memory_space<vmem>>) target_semaphore(%arg20 : memref<!tpu.dma_semaphore, #tpu.memory_space<semaphore_mem>>)
      } else {
      }
    }
    %scan3A_47 = arith.constant 39 : i32
    %add3A_48 = arith.constant 4992 : i32
    %add3A_49 = arith.addi %add3A_4, %add3A_48 : i32
    "tpu.region"() ({
      %run_scoped3A = tpu.sem_alloc : memref<!tpu.dma_semaphore, #tpu.memory_space<semaphore_mem>>
      %dma_start3A_95 = tpu.memref_slice %arg5[%add3A_49] : memref<320000xi32, #tpu.memory_space<hbm>> -> memref<8xi32, #tpu.memory_space<hbm>>
      %dma_start3A_96 = tpu.memref_slice %arg5[%add3A_49] : memref<320000xi32, #tpu.memory_space<hbm>> -> memref<8xi32, #tpu.memory_space<hbm>>
      tpu.enqueue_dma source(%dma_start3A_96 : memref<8xi32, #tpu.memory_space<hbm>>) target(%arg10 : memref<8xi32, #tpu.memory_space<vmem>>) target_semaphore(%run_scoped3A : memref<!tpu.dma_semaphore, #tpu.memory_space<semaphore_mem>>)
      %dma_wait3A_97 = tpu.memref_slice %arg5[%add3A_49] : memref<320000xi32, #tpu.memory_space<hbm>> -> memref<8xi32, #tpu.memory_space<hbm>>
      %dma_wait3A_98 = tpu.memref_slice %arg5[%add3A_49] : memref<320000xi32, #tpu.memory_space<hbm>> -> memref<8xi32, #tpu.memory_space<hbm>>
      tpu.wait_dma2 semaphore(%run_scoped3A : memref<!tpu.dma_semaphore, #tpu.memory_space<semaphore_mem>>) src(%dma_wait3A_98 : memref<8xi32, #tpu.memory_space<hbm>>) dst(%arg10 : memref<8xi32, #tpu.memory_space<vmem>>)
      tpu.yield
    }) : () -> ()
    %dma_start3A_50 = arith.constant 0 : i32
    %dma_start3A_51 = arith.constant 0 : i32
    %dma_start3A_52 = tpu.memref_slice %arg11[%dma_start3A_50, %dma_start3A_51] : memref<64x128xf32, #tpu.memory_space<vmem>> -> memref<8x128xf32, #tpu.memory_space<vmem>>
    %dma_start3A_53 = arith.constant 4992 : i32
    %dma_start3A_54 = tpu.memref_slice %arg7[%dma_start3A_53] : memref<5000xi32, #tpu.memory_space<vmem>> -> memref<8xi32, #tpu.memory_space<vmem>>
    %dma_start3A_55 = arith.constant 0 : i32
    %dma_start3A_56 = arith.constant 0 : i32
    %dma_start3A_57 = tpu.memref_slice %arg2[%dma_start3A_55, %dma_start3A_56] : memref<10000x128xf32, #tpu.memory_space<hbm>> -> memref<10000x128xf32, #tpu.memory_space<hbm>>
    tpu.enqueue_indirect_dma source(%dma_start3A_57 : memref<10000x128xf32, #tpu.memory_space<hbm>>) target(%dma_start3A_52 : memref<8x128xf32, #tpu.memory_space<vmem>>) offsets(%dma_start3A_54 : memref<8xi32, #tpu.memory_space<vmem>>) semaphore(%arg17 : memref<!tpu.dma_semaphore, #tpu.memory_space<semaphore_mem>>)
    %dma_wait3A = arith.constant 0 : i32
    %dma_wait3A_58 = arith.constant 0 : i32
    %dma_wait3A_59 = tpu.memref_slice %arg11[%dma_wait3A, %dma_wait3A_58] : memref<64x128xf32, #tpu.memory_space<vmem>> -> memref<8x128xf32, #tpu.memory_space<vmem>>
    %dma_wait3A_60 = arith.constant 4992 : i32
    %dma_wait3A_61 = tpu.memref_slice %arg7[%dma_wait3A_60] : memref<5000xi32, #tpu.memory_space<vmem>> -> memref<8xi32, #tpu.memory_space<vmem>>
    %dma_wait3A_62 = arith.constant 0 : i32
    %dma_wait3A_63 = arith.constant 0 : i32
    %dma_wait3A_64 = tpu.memref_slice %arg2[%dma_wait3A_62, %dma_wait3A_63] : memref<10000x128xf32, #tpu.memory_space<hbm>> -> memref<10000x128xf32, #tpu.memory_space<hbm>>
    tpu.wait_indirect_dma semaphore(%arg17 : memref<!tpu.dma_semaphore, #tpu.memory_space<semaphore_mem>>) src(%dma_wait3A_64 : memref<10000x128xf32, #tpu.memory_space<hbm>>) dst(%dma_wait3A_59 : memref<8x128xf32, #tpu.memory_space<vmem>>)
    %add3A_65 = arith.constant 4992 : i32
    %add3A_66 = arith.addi %mul3A_2, %add3A_65 : i32
    %dma_start3A_67 = arith.constant 0 : i32
    %dma_start3A_68 = arith.constant 0 : i32
    %dma_start3A_69 = tpu.memref_slice %arg13[%dma_start3A_67, %dma_start3A_68] : memref<64x128xf32, #tpu.memory_space<vmem>> -> memref<8x128xf32, #tpu.memory_space<vmem>>
    %dma_start3A_70 = arith.constant 0 : i32
    %dma_start3A_71 = tpu.memref_slice %arg3[%add3A_66, %dma_start3A_70] : memref<160000x128xf32, #tpu.memory_space<hbm>> -> memref<8x128xf32, #tpu.memory_space<hbm>>
    %dma_start3A_72 = arith.constant 0 : i32
    %dma_start3A_73 = arith.constant 0 : i32
    %dma_start3A_74 = tpu.memref_slice %arg13[%dma_start3A_72, %dma_start3A_73] : memref<64x128xf32, #tpu.memory_space<vmem>> -> memref<8x128xf32, #tpu.memory_space<vmem>>
    %dma_start3A_75 = arith.constant 0 : i32
    %dma_start3A_76 = tpu.memref_slice %arg3[%add3A_66, %dma_start3A_75] : memref<160000x128xf32, #tpu.memory_space<hbm>> -> memref<8x128xf32, #tpu.memory_space<hbm>>
    tpu.enqueue_dma source(%dma_start3A_76 : memref<8x128xf32, #tpu.memory_space<hbm>>) target(%dma_start3A_74 : memref<8x128xf32, #tpu.memory_space<vmem>>) target_semaphore(%arg19 : memref<!tpu.dma_semaphore, #tpu.memory_space<semaphore_mem>>)
    %dma_wait3A_77 = arith.constant 0 : i32
    %dma_wait3A_78 = arith.constant 0 : i32
    %dma_wait3A_79 = tpu.memref_slice %arg13[%dma_wait3A_77, %dma_wait3A_78] : memref<64x128xf32, #tpu.memory_space<vmem>> -> memref<8x128xf32, #tpu.memory_space<vmem>>
    %dma_wait3A_80 = arith.constant 0 : i32
    %dma_wait3A_81 = tpu.memref_slice %arg3[%add3A_66, %dma_wait3A_80] : memref<160000x128xf32, #tpu.memory_space<hbm>> -> memref<8x128xf32, #tpu.memory_space<hbm>>
    %dma_wait3A_82 = arith.constant 0 : i32
    %dma_wait3A_83 = arith.constant 0 : i32
    %dma_wait3A_84 = tpu.memref_slice %arg13[%dma_wait3A_82, %dma_wait3A_83] : memref<64x128xf32, #tpu.memory_space<vmem>> -> memref<8x128xf32, #tpu.memory_space<vmem>>
    %dma_wait3A_85 = arith.constant 0 : i32
    %dma_wait3A_86 = tpu.memref_slice %arg3[%add3A_66, %dma_wait3A_85] : memref<160000x128xf32, #tpu.memory_space<hbm>> -> memref<8x128xf32, #tpu.memory_space<hbm>>
    tpu.wait_dma2 semaphore(%arg19 : memref<!tpu.dma_semaphore, #tpu.memory_space<semaphore_mem>>) src(%dma_wait3A_86 : memref<8x128xf32, #tpu.memory_space<hbm>>) dst(%dma_wait3A_84 : memref<8x128xf32, #tpu.memory_space<vmem>>)
    %parallel_loop3A = arith.constant 0 : i32
    %parallel_loop3A_87 = arith.constant 8 : i32
    %parallel_loop3A_88 = arith.constant 1 : i32
    scf.for %parallel_loop3A_95 = %parallel_loop3A to %parallel_loop3A_87 step %parallel_loop3A_88  : i32 {
      %parallel_loop3A_96 = arith.index_cast %parallel_loop3A_95 : i32 to index
      %parallel_loop3A_97 = arith.constant 0 : index
      %parallel_loop3A_98 = tpu.vector_load %arg11[%parallel_loop3A_96, %parallel_loop3A_97] {strides = array<i32>} : memref<64x128xf32, #tpu.memory_space<vmem>>, vector<16xf32>,
      %parallel_loop3A_99 = arith.index_cast %parallel_loop3A_95 : i32 to index
      %parallel_loop3A_100 = arith.constant 0 : index
      %parallel_loop3A_101 = tpu.vector_load %arg13[%parallel_loop3A_99, %parallel_loop3A_100] {strides = array<i32>} : memref<64x128xf32, #tpu.memory_space<vmem>>, vector<16xf32>,
      %parallel_loop3A_102 = arith.mulf %parallel_loop3A_98, %parallel_loop3A_101 : vector<16xf32>
      %parallel_loop3A_103 = arith.index_cast %parallel_loop3A_95 : i32 to index
      %parallel_loop3A_104 = arith.constant 0 : index
      %parallel_loop3A_105 = tpu.vector_load %arg11[%parallel_loop3A_103, %parallel_loop3A_104] {strides = array<i32>} : memref<64x128xf32, #tpu.memory_space<vmem>>, vector<16xf32>,
      tpu.vector_store %arg11[%parallel_loop3A_103, %parallel_loop3A_104], %parallel_loop3A_102 {strides = array<i32>} : memref<64x128xf32, #tpu.memory_space<vmem>>, vector<16xf32>,
      %parallel_loop3A_106 = arith.index_cast %parallel_loop3A_95 : i32 to index
      %parallel_loop3A_107 = arith.constant 16 : index
      %parallel_loop3A_108 = tpu.vector_load %arg11[%parallel_loop3A_106, %parallel_loop3A_107] {strides = array<i32>} : memref<64x128xf32, #tpu.memory_space<vmem>>, vector<16xf32>,
      %parallel_loop3A_109 = arith.index_cast %parallel_loop3A_95 : i32 to index
      %parallel_loop3A_110 = arith.constant 16 : index
      %parallel_loop3A_111 = tpu.vector_load %arg13[%parallel_loop3A_109, %parallel_loop3A_110] {strides = array<i32>} : memref<64x128xf32, #tpu.memory_space<vmem>>, vector<16xf32>,
      %parallel_loop3A_112 = arith.mulf %parallel_loop3A_108, %parallel_loop3A_111 : vector<16xf32>
      %parallel_loop3A_113 = arith.index_cast %parallel_loop3A_95 : i32 to index
      %parallel_loop3A_114 = arith.constant 16 : index
      %parallel_loop3A_115 = tpu.vector_load %arg11[%parallel_loop3A_113, %parallel_loop3A_114] {strides = array<i32>} : memref<64x128xf32, #tpu.memory_space<vmem>>, vector<16xf32>,
      tpu.vector_store %arg11[%parallel_loop3A_113, %parallel_loop3A_114], %parallel_loop3A_112 {strides = array<i32>} : memref<64x128xf32, #tpu.memory_space<vmem>>, vector<16xf32>,
      %parallel_loop3A_116 = arith.index_cast %parallel_loop3A_95 : i32 to index
      %parallel_loop3A_117 = arith.constant 32 : index
      %parallel_loop3A_118 = tpu.vector_load %arg11[%parallel_loop3A_116, %parallel_loop3A_117] {strides = array<i32>} : memref<64x128xf32, #tpu.memory_space<vmem>>, vector<16xf32>,
      %parallel_loop3A_119 = arith.index_cast %parallel_loop3A_95 : i32 to index
      %parallel_loop3A_120 = arith.constant 32 : index
      %parallel_loop3A_121 = tpu.vector_load %arg13[%parallel_loop3A_119, %parallel_loop3A_120] {strides = array<i32>} : memref<64x128xf32, #tpu.memory_space<vmem>>, vector<16xf32>,
      %parallel_loop3A_122 = arith.mulf %parallel_loop3A_118, %parallel_loop3A_121 : vector<16xf32>
      %parallel_loop3A_123 = arith.index_cast %parallel_loop3A_95 : i32 to index
      %parallel_loop3A_124 = arith.constant 32 : index
      %parallel_loop3A_125 = tpu.vector_load %arg11[%parallel_loop3A_123, %parallel_loop3A_124] {strides = array<i32>} : memref<64x128xf32, #tpu.memory_space<vmem>>, vector<16xf32>,
      tpu.vector_store %arg11[%parallel_loop3A_123, %parallel_loop3A_124], %parallel_loop3A_122 {strides = array<i32>} : memref<64x128xf32, #tpu.memory_space<vmem>>, vector<16xf32>,
      %parallel_loop3A_126 = arith.index_cast %parallel_loop3A_95 : i32 to index
      %parallel_loop3A_127 = arith.constant 48 : index
      %parallel_loop3A_128 = tpu.vector_load %arg11[%parallel_loop3A_126, %parallel_loop3A_127] {strides = array<i32>} : memref<64x128xf32, #tpu.memory_space<vmem>>, vector<16xf32>,
      %parallel_loop3A_129 = arith.index_cast %parallel_loop3A_95 : i32 to index
      %parallel_loop3A_130 = arith.constant 48 : index
      %parallel_loop3A_131 = tpu.vector_load %arg13[%parallel_loop3A_129, %parallel_loop3A_130] {strides = array<i32>} : memref<64x128xf32, #tpu.memory_space<vmem>>, vector<16xf32>,
      %parallel_loop3A_132 = arith.mulf %parallel_loop3A_128, %parallel_loop3A_131 : vector<16xf32>
      %parallel_loop3A_133 = arith.index_cast %parallel_loop3A_95 : i32 to index
      %parallel_loop3A_134 = arith.constant 48 : index
      %parallel_loop3A_135 = tpu.vector_load %arg11[%parallel_loop3A_133, %parallel_loop3A_134] {strides = array<i32>} : memref<64x128xf32, #tpu.memory_space<vmem>>, vector<16xf32>,
      tpu.vector_store %arg11[%parallel_loop3A_133, %parallel_loop3A_134], %parallel_loop3A_132 {strides = array<i32>} : memref<64x128xf32, #tpu.memory_space<vmem>>, vector<16xf32>,
      %parallel_loop3A_136 = arith.index_cast %parallel_loop3A_95 : i32 to index
      %parallel_loop3A_137 = arith.constant 64 : index
      %parallel_loop3A_138 = tpu.vector_load %arg11[%parallel_loop3A_136, %parallel_loop3A_137] {strides = array<i32>} : memref<64x128xf32, #tpu.memory_space<vmem>>, vector<16xf32>,
      %parallel_loop3A_139 = arith.index_cast %parallel_loop3A_95 : i32 to index
      %parallel_loop3A_140 = arith.constant 64 : index
      %parallel_loop3A_141 = tpu.vector_load %arg13[%parallel_loop3A_139, %parallel_loop3A_140] {strides = array<i32>} : memref<64x128xf32, #tpu.memory_space<vmem>>, vector<16xf32>,
      %parallel_loop3A_142 = arith.mulf %parallel_loop3A_138, %parallel_loop3A_141 : vector<16xf32>
      %parallel_loop3A_143 = arith.index_cast %parallel_loop3A_95 : i32 to index
      %parallel_loop3A_144 = arith.constant 64 : index
      %parallel_loop3A_145 = tpu.vector_load %arg11[%parallel_loop3A_143, %parallel_loop3A_144] {strides = array<i32>} : memref<64x128xf32, #tpu.memory_space<vmem>>, vector<16xf32>,
      tpu.vector_store %arg11[%parallel_loop3A_143, %parallel_loop3A_144], %parallel_loop3A_142 {strides = array<i32>} : memref<64x128xf32, #tpu.memory_space<vmem>>, vector<16xf32>,
      %parallel_loop3A_146 = arith.index_cast %parallel_loop3A_95 : i32 to index
      %parallel_loop3A_147 = arith.constant 80 : index
      %parallel_loop3A_148 = tpu.vector_load %arg11[%parallel_loop3A_146, %parallel_loop3A_147] {strides = array<i32>} : memref<64x128xf32, #tpu.memory_space<vmem>>, vector<16xf32>,
      %parallel_loop3A_149 = arith.index_cast %parallel_loop3A_95 : i32 to index
      %parallel_loop3A_150 = arith.constant 80 : index
      %parallel_loop3A_151 = tpu.vector_load %arg13[%parallel_loop3A_149, %parallel_loop3A_150] {strides = array<i32>} : memref<64x128xf32, #tpu.memory_space<vmem>>, vector<16xf32>,
      %parallel_loop3A_152 = arith.mulf %parallel_loop3A_148, %parallel_loop3A_151 : vector<16xf32>
      %parallel_loop3A_153 = arith.index_cast %parallel_loop3A_95 : i32 to index
      %parallel_loop3A_154 = arith.constant 80 : index
      %parallel_loop3A_155 = tpu.vector_load %arg11[%parallel_loop3A_153, %parallel_loop3A_154] {strides = array<i32>} : memref<64x128xf32, #tpu.memory_space<vmem>>, vector<16xf32>,
      tpu.vector_store %arg11[%parallel_loop3A_153, %parallel_loop3A_154], %parallel_loop3A_152 {strides = array<i32>} : memref<64x128xf32, #tpu.memory_space<vmem>>, vector<16xf32>,
      %parallel_loop3A_156 = arith.index_cast %parallel_loop3A_95 : i32 to index
      %parallel_loop3A_157 = arith.constant 96 : index
      %parallel_loop3A_158 = tpu.vector_load %arg11[%parallel_loop3A_156, %parallel_loop3A_157] {strides = array<i32>} : memref<64x128xf32, #tpu.memory_space<vmem>>, vector<16xf32>,
      %parallel_loop3A_159 = arith.index_cast %parallel_loop3A_95 : i32 to index
      %parallel_loop3A_160 = arith.constant 96 : index
      %parallel_loop3A_161 = tpu.vector_load %arg13[%parallel_loop3A_159, %parallel_loop3A_160] {strides = array<i32>} : memref<64x128xf32, #tpu.memory_space<vmem>>, vector<16xf32>,
      %parallel_loop3A_162 = arith.mulf %parallel_loop3A_158, %parallel_loop3A_161 : vector<16xf32>
      %parallel_loop3A_163 = arith.index_cast %parallel_loop3A_95 : i32 to index
      %parallel_loop3A_164 = arith.constant 96 : index
      %parallel_loop3A_165 = tpu.vector_load %arg11[%parallel_loop3A_163, %parallel_loop3A_164] {strides = array<i32>} : memref<64x128xf32, #tpu.memory_space<vmem>>, vector<16xf32>,
      tpu.vector_store %arg11[%parallel_loop3A_163, %parallel_loop3A_164], %parallel_loop3A_162 {strides = array<i32>} : memref<64x128xf32, #tpu.memory_space<vmem>>, vector<16xf32>,
      %parallel_loop3A_166 = arith.index_cast %parallel_loop3A_95 : i32 to index
      %parallel_loop3A_167 = arith.constant 112 : index
      %parallel_loop3A_168 = tpu.vector_load %arg11[%parallel_loop3A_166, %parallel_loop3A_167] {strides = array<i32>} : memref<64x128xf32, #tpu.memory_space<vmem>>, vector<16xf32>,
      %parallel_loop3A_169 = arith.index_cast %parallel_loop3A_95 : i32 to index
      %parallel_loop3A_170 = arith.constant 112 : index
      %parallel_loop3A_171 = tpu.vector_load %arg13[%parallel_loop3A_169, %parallel_loop3A_170] {strides = array<i32>} : memref<64x128xf32, #tpu.memory_space<vmem>>, vector<16xf32>,
      %parallel_loop3A_172 = arith.mulf %parallel_loop3A_168, %parallel_loop3A_171 : vector<16xf32>
      %parallel_loop3A_173 = arith.index_cast %parallel_loop3A_95 : i32 to index
      %parallel_loop3A_174 = arith.constant 112 : index
      %parallel_loop3A_175 = tpu.vector_load %arg11[%parallel_loop3A_173, %parallel_loop3A_174] {strides = array<i32>} : memref<64x128xf32, #tpu.memory_space<vmem>>, vector<16xf32>,
      tpu.vector_store %arg11[%parallel_loop3A_173, %parallel_loop3A_174], %parallel_loop3A_172 {strides = array<i32>} : memref<64x128xf32, #tpu.memory_space<vmem>>, vector<16xf32>,
    } {sc.loop_unroll_factor = 1 : i64, sc.parallel_access}
    "tpu.region"() ({
      %run_scoped3A = tpu.sem_alloc : memref<!tpu.dma_semaphore, #tpu.memory_space<semaphore_mem>>
      %dma_start3A_95 = arith.constant 0 : i32
      %dma_start3A_96 = arith.constant 0 : i32
      %dma_start3A_97 = tpu.memref_slice %arg11[%dma_start3A_95, %dma_start3A_96] : memref<64x128xf32, #tpu.memory_space<vmem>> -> memref<8x128xf32, #tpu.memory_space<vmem>>
      %dma_start3A_98 = arith.constant 0 : i32
      %dma_start3A_99 = arith.constant 0 : i32
      %dma_start3A_100 = tpu.memref_slice %arg16[%dma_start3A_98, %dma_start3A_99] : memref<10000x128xf32, #tpu.memory_space<vmem_shared>> -> memref<10000x128xf32, #tpu.memory_space<vmem_shared>>
      tpu.enqueue_indirect_dma source(%dma_start3A_97 : memref<8x128xf32, #tpu.memory_space<vmem>>) target(%dma_start3A_100 : memref<10000x128xf32, #tpu.memory_space<vmem_shared>>) offsets(%arg10 : memref<8xi32, #tpu.memory_space<vmem>>) semaphore(%run_scoped3A : memref<!tpu.dma_semaphore, #tpu.memory_space<semaphore_mem>>) {add = true}
      %dma_wait3A_101 = arith.constant 0 : i32
      %dma_wait3A_102 = arith.constant 0 : i32
      %dma_wait3A_103 = tpu.memref_slice %arg11[%dma_wait3A_101, %dma_wait3A_102] : memref<64x128xf32, #tpu.memory_space<vmem>> -> memref<8x128xf32, #tpu.memory_space<vmem>>
      %dma_wait3A_104 = arith.constant 0 : i32
      %dma_wait3A_105 = arith.constant 0 : i32
      %dma_wait3A_106 = tpu.memref_slice %arg16[%dma_wait3A_104, %dma_wait3A_105] : memref<10000x128xf32, #tpu.memory_space<vmem_shared>> -> memref<10000x128xf32, #tpu.memory_space<vmem_shared>>
      tpu.wait_indirect_dma semaphore(%run_scoped3A : memref<!tpu.dma_semaphore, #tpu.memory_space<semaphore_mem>>) src(%dma_wait3A_103 : memref<8x128xf32, #tpu.memory_space<vmem>>) dst(%dma_wait3A_106 : memref<10000x128xf32, #tpu.memory_space<vmem_shared>>)
      tpu.yield
    }) : () -> ()
    %barrier3A_89 = arith.constant 0 : index
    tpu.barrier barrier_id(%barrier3A_89)
    %scan3A_90 = arith.constant 0 : i32
    %scan3A_91 = arith.constant 16 : i32
    %scan3A_92 = arith.addi %scan3A_90, %scan3A_91 : i32
    %scan3A_93 = arith.constant 1 : i32
    scf.for %scan3A_95 = %scan3A_90 to %scan3A_92 step %scan3A_93  : i32 {
      %mul3A_96 = arith.constant 1 : i32
      %mul3A_97 = arith.muli %scan3A_95, %mul3A_96 : i32
      %add3A_98 = arith.constant 0 : i32
      %add3A_99 = arith.addi %add3A_98, %mul3A_97 : i32
      %mul3A_100 = arith.constant 16 : i32
      %mul3A_101 = arith.muli %mul3A_100, %add3A_99 : i32
      %add3A_102 = arith.addi %arg1, %mul3A_101 : i32
      %lt3A = arith.constant 250 : i32
      %lt3A_103 = arith.cmpi slt, %add3A_102, %lt3A : i32
      %convert_element_type3A = arith.extui %lt3A_103 : i1 to i32
      %cond3A = arith.constant 0 : i32
      %cond3A_104 = arith.cmpi ne, %convert_element_type3A, %cond3A : i32
      scf.if %cond3A_104 {
        %mul3A_105 = arith.constant 40 : i32
        %mul3A_106 = arith.muli %add3A_102, %mul3A_105 : i32
        %mul3A_107 = arith.constant 10000 : i32
        %mul3A_108 = arith.muli %arg0, %mul3A_107 : i32
        %mul3A_109 = arith.constant 40 : i32
        %mul3A_110 = arith.muli %add3A_102, %mul3A_109 : i32
        %add3A_111 = arith.addi %mul3A_108, %mul3A_110 : i32
        "tpu.region"() ({
          %run_scoped3A = tpu.sem_alloc : memref<!tpu.dma_semaphore, #tpu.memory_space<semaphore_mem>>
          %dma_start3A_112 = arith.constant 0 : i32
          %dma_start3A_113 = tpu.memref_slice %arg6[%add3A_111, %dma_start3A_112] : memref<20000x128xf32, #tpu.memory_space<hbm>> -> memref<40x128xf32, #tpu.memory_space<hbm>>
          %dma_start3A_114 = arith.constant 0 : i32
          %dma_start3A_115 = tpu.memref_slice %arg16[%mul3A_106, %dma_start3A_114] : memref<10000x128xf32, #tpu.memory_space<vmem_shared>> -> memref<40x128xf32, #tpu.memory_space<vmem_shared>>
          tpu.enqueue_dma source(%dma_start3A_115 : memref<40x128xf32, #tpu.memory_space<vmem_shared>>) target(%dma_start3A_113 : memref<40x128xf32, #tpu.memory_space<hbm>>) target_semaphore(%run_scoped3A : memref<!tpu.dma_semaphore, #tpu.memory_space<semaphore_mem>>)
          %dma_wait3A_116 = arith.constant 0 : i32
          %dma_wait3A_117 = tpu.memref_slice %arg6[%add3A_111, %dma_wait3A_116] : memref<20000x128xf32, #tpu.memory_space<hbm>> -> memref<40x128xf32, #tpu.memory_space<hbm>>
          %dma_wait3A_118 = arith.constant 0 : i32
          %dma_wait3A_119 = tpu.memref_slice %arg16[%mul3A_106, %dma_wait3A_118] : memref<10000x128xf32, #tpu.memory_space<vmem_shared>> -> memref<40x128xf32, #tpu.memory_space<vmem_shared>>
          tpu.wait_dma2 semaphore(%run_scoped3A : memref<!tpu.dma_semaphore, #tpu.memory_space<semaphore_mem>>) src(%dma_wait3A_119 : memref<40x128xf32, #tpu.memory_space<vmem_shared>>) dst(%dma_wait3A_117 : memref<40x128xf32, #tpu.memory_space<hbm>>)
          tpu.yield
        }) : () -> ()
      } else {
      }
    }
    %scan3A_94 = arith.constant 16 : i32
    return
  }
}

#map = affine_map<(d0, d1) -> (0, 0)>
#map1 = affine_map<(d0, d1) -> (0)>
module attributes {stable_mosaic.version = 14 : i64} {
  func.func @k(%arg0: i32, %arg1: i32, %arg2: memref<10000x128xf32, #tpu.memory_space<hbm>>, %arg3: memref<160000x128xf32, #tpu.memory_space<hbm>>, %arg4: memref<320000xi32, #tpu.memory_space<hbm>>, %arg5: memref<320000xi32, #tpu.memory_space<hbm>>, %arg6: memref<20000x128xf32, #tpu.memory_space<hbm>>, %arg7: memref<5000xi32, #tpu.memory_space<vmem>>, %arg8: memref<64xi32, #tpu.memory_space<vmem>>, %arg9: memref<64xi32, #tpu.memory_space<vmem>>, %arg10: memref<8xi32, #tpu.memory_space<vmem>>, %arg11: memref<64x128xf32, #tpu.memory_space<vmem>>, %arg12: memref<64x128xf32, #tpu.memory_space<vmem>>, %arg13: memref<64x128xf32, #tpu.memory_space<vmem>>, %arg14: memref<64x128xf32, #tpu.memory_space<vmem>>, %arg15: memref<40x128xf32, #tpu.memory_space<vmem>>, %arg16: memref<10000x128xf32, #tpu.memory_space<vmem_shared>>, %arg17: memref<!tpu.dma_semaphore, #tpu.memory_space<semaphore_mem>>, %arg18: memref<!tpu.dma_semaphore, #tpu.memory_space<semaphore_mem>>, %arg19: memref<!tpu.dma_semaphore, #tpu.memory_space<semaphore_mem>>, %arg20: memref<!tpu.dma_semaphore, #tpu.memory_space<semaphore_mem>>, %arg21: memref<!tpu.dma_semaphore, #tpu.memory_space<semaphore_mem>>, %arg22: memref<!tpu.dma_semaphore, #tpu.memory_space<semaphore_mem>>) attributes {dimension_semantics = [#tpu.dimension_semantics<core_parallel>, #tpu.dimension_semantics<subcore_parallel>], iteration_bounds = array<i64: 2, 16>, scalar_prefetch = 0 : i64, scratch_operands = 16 : i64, tpu.core_type = #tpu.core_type<sc_vector_subcore>, window_params = [{transform_indices = #map}, {transform_indices = #map}, {transform_indices = #map1}, {transform_indices = #map1}, {transform_indices = #map}]} {
    %mul3A = arith.constant 2 : i32
    %mul3A_0 = arith.muli %arg1, %mul3A : i32
    %add3A = arith.addi %mul3A_0, %arg0 : i32
    %mul3A_1 = arith.constant 5000 : i32
    %mul3A_2 = arith.muli %add3A, %mul3A_1 : i32
    %add3A_3 = arith.constant 0 : i32
    %add3A_4 = arith.addi %add3A_3, %mul3A_2 : i32
    "tpu.region"() ({
      %run_scoped3A = tpu.sem_alloc : memref<!tpu.dma_semaphore, #tpu.memory_space<semaphore_mem>>
      %dma_start3A_95 = tpu.memref_slice %arg4[%add3A_4] : memref<320000xi32, #tpu.memory_space<hbm>> -> memref<5000xi32, #tpu.memory_space<hbm>>
      %dma_start3A_96 = tpu.memref_slice %arg4[%add3A_4] : memref<320000xi32, #tpu.memory_space<hbm>> -> memref<5000xi32, #tpu.memory_space<hbm>>
      tpu.enqueue_dma source(%dma_start3A_96 : memref<5000xi32, #tpu.memory_space<hbm>>) target(%arg7 : memref<5000xi32, #tpu.memory_space<vmem>>) target_semaphore(%run_scoped3A : memref<!tpu.dma_semaphore, #tpu.memory_space<semaphore_mem>>)
      %dma_wait3A_97 = tpu.memref_slice %arg4[%add3A_4] : memref<320000xi32, #tpu.memory_space<hbm>> -> memref<5000xi32, #tpu.memory_space<hbm>>
      %dma_wait3A_98 = tpu.memref_slice %arg4[%add3A_4] : memref<320000xi32, #tpu.memory_space<hbm>> -> memref<5000xi32, #tpu.memory_space<hbm>>
      tpu.wait_dma2 semaphore(%run_scoped3A : memref<!tpu.dma_semaphore, #tpu.memory_space<semaphore_mem>>) src(%dma_wait3A_98 : memref<5000xi32, #tpu.memory_space<hbm>>) dst(%arg7 : memref<5000xi32, #tpu.memory_space<vmem>>)
      tpu.yield
    }) : () -> ()
    %add3A_5 = arith.constant 0 : i32
    %add3A_6 = arith.addi %add3A_4, %add3A_5 : i32
    %dma_start3A = tpu.memref_slice %arg5[%add3A_6] : memref<320000xi32, #tpu.memory_space<hbm>> -> memref<64xi32, #tpu.memory_space<hbm>>
    %dma_start3A_7 = tpu.memref_slice %arg5[%add3A_6] : memref<320000xi32, #tpu.memory_space<hbm>> -> memref<64xi32, #tpu.memory_space<hbm>>
    tpu.enqueue_dma source(%dma_start3A_7 : memref<64xi32, #tpu.memory_space<hbm>>) target(%arg8 : memref<64xi32, #tpu.memory_space<vmem>>) target_semaphore(%arg21 : memref<!tpu.dma_semaphore, #tpu.memory_space<semaphore_mem>>)
    %dma_start3A_8 = arith.constant 0 : i32
    %dma_start3A_9 = tpu.memref_slice %arg7[%dma_start3A_8] : memref<5000xi32, #tpu.memory_space<vmem>> -> memref<64xi32, #tpu.memory_space<vmem>>
    %dma_start3A_10 = arith.constant 0 : i32
    %dma_start3A_11 = arith.constant 0 : i32
    %dma_start3A_12 = tpu.memref_slice %arg2[%dma_start3A_10, %dma_start3A_11] : memref<10000x128xf32, #tpu.memory_space<hbm>> -> memref<10000x128xf32, #tpu.memory_space<hbm>>
    tpu.enqueue_indirect_dma source(%dma_start3A_12 : memref<10000x128xf32, #tpu.memory_space<hbm>>) target(%arg11 : memref<64x128xf32, #tpu.memory_space<vmem>>) offsets(%dma_start3A_9 : memref<64xi32, #tpu.memory_space<vmem>>) semaphore(%arg17 : memref<!tpu.dma_semaphore, #tpu.memory_space<semaphore_mem>>)
    %add3A_13 = arith.constant 0 : i32
    %add3A_14 = arith.addi %mul3A_2, %add3A_13 : i32
    %dma_start3A_15 = arith.constant 0 : i32
    %dma_start3A_16 = tpu.memref_slice %arg3[%add3A_14, %dma_start3A_15] : memref<160000x128xf32, #tpu.memory_space<hbm>> -> memref<64x128xf32, #tpu.memory_space<hbm>>
    %dma_start3A_17 = arith.constant 0 : i32
    %dma_start3A_18 = tpu.memref_slice %arg3[%add3A_14, %dma_start3A_17] : memref<160000x128xf32, #tpu.memory_space<hbm>> -> memref<64x128xf32, #tpu.memory_space<hbm>>
    tpu.enqueue_dma source(%dma_start3A_18 : memref<64x128xf32, #tpu.memory_space<hbm>>) target(%arg13 : memref<64x128xf32, #tpu.memory_space<vmem>>) target_semaphore(%arg19 : memref<!tpu.dma_semaphore, #tpu.memory_space<semaphore_mem>>)
    %add3A_19 = arith.constant 64 : i32
    %add3A_20 = arith.addi %add3A_4, %add3A_19 : i32
    %dma_start3A_21 = tpu.memref_slice %arg5[%add3A_20] : memref<320000xi32, #tpu.memory_space<hbm>> -> memref<64xi32, #tpu.memory_space<hbm>>
    %dma_start3A_22 = tpu.memref_slice %arg5[%add3A_20] : memref<320000xi32, #tpu.memory_space<hbm>> -> memref<64xi32, #tpu.memory_space<hbm>>
    tpu.enqueue_dma source(%dma_start3A_22 : memref<64xi32, #tpu.memory_space<hbm>>) target(%arg9 : memref<64xi32, #tpu.memory_space<vmem>>) target_semaphore(%arg22 : memref<!tpu.dma_semaphore, #tpu.memory_space<semaphore_mem>>)
    %dma_start3A_23 = arith.constant 64 : i32
    %dma_start3A_24 = tpu.memref_slice %arg7[%dma_start3A_23] : memref<5000xi32, #tpu.memory_space<vmem>> -> memref<64xi32, #tpu.memory_space<vmem>>
    %dma_start3A_25 = arith.constant 0 : i32
    %dma_start3A_26 = arith.constant 0 : i32
    %dma_start3A_27 = tpu.memref_slice %arg2[%dma_start3A_25, %dma_start3A_26] : memref<10000x128xf32, #tpu.memory_space<hbm>> -> memref<10000x128xf32, #tpu.memory_space<hbm>>
    tpu.enqueue_indirect_dma source(%dma_start3A_27 : memref<10000x128xf32, #tpu.memory_space<hbm>>) target(%arg12 : memref<64x128xf32, #tpu.memory_space<vmem>>) offsets(%dma_start3A_24 : memref<64xi32, #tpu.memory_space<vmem>>) semaphore(%arg18 : memref<!tpu.dma_semaphore, #tpu.memory_space<semaphore_mem>>)
    %add3A_28 = arith.constant 64 : i32
    %add3A_29 = arith.addi %mul3A_2, %add3A_28 : i32
    %dma_start3A_30 = arith.constant 0 : i32
    %dma_start3A_31 = tpu.memref_slice %arg3[%add3A_29, %dma_start3A_30] : memref<160000x128xf32, #tpu.memory_space<hbm>> -> memref<64x128xf32, #tpu.memory_space<hbm>>
    %dma_start3A_32 = arith.constant 0 : i32
    %dma_start3A_33 = tpu.memref_slice %arg3[%add3A_29, %dma_start3A_32] : memref<160000x128xf32, #tpu.memory_space<hbm>> -> memref<64x128xf32, #tpu.memory_space<hbm>>
    tpu.enqueue_dma source(%dma_start3A_33 : memref<64x128xf32, #tpu.memory_space<hbm>>) target(%arg14 : memref<64x128xf32, #tpu.memory_space<vmem>>) target_semaphore(%arg20 : memref<!tpu.dma_semaphore, #tpu.memory_space<semaphore_mem>>)
    %scan3A = arith.constant 0 : i32
    %scan3A_34 = arith.constant 40 : i32
    %scan3A_35 = arith.addi %scan3A, %scan3A_34 : i32
    %scan3A_36 = arith.constant 1 : i32
    scf.for %scan3A_95 = %scan3A to %scan3A_35 step %scan3A_36  : i32 {
      %mul3A_96 = arith.constant 1 : i32
      %mul3A_97 = arith.muli %scan3A_95, %mul3A_96 : i32
      %add3A_98 = arith.constant 0 : i32
      %add3A_99 = arith.addi %add3A_98, %mul3A_97 : i32
      %broadcast_in_dim3A = arith.constant 0.000000e+00 : f32
      %broadcast_in_dim3A_100 = vector.broadcast %broadcast_in_dim3A : f32 to vector<16xf32>
      %swap3A = arith.index_cast %add3A_99 : i32 to index
      %swap3A_101 = arith.constant 0 : index
      %swap3A_102 = tpu.vector_load %arg15[%swap3A, %swap3A_101] {strides = array<i32>} : memref<40x128xf32, #tpu.memory_space<vmem>>, vector<16xf32>,
      tpu.vector_store %arg15[%swap3A, %swap3A_101], %broadcast_in_dim3A_100 {strides = array<i32>} : memref<40x128xf32, #tpu.memory_space<vmem>>, vector<16xf32>,
      %broadcast_in_dim3A_103 = arith.constant 0.000000e+00 : f32
      %broadcast_in_dim3A_104 = vector.broadcast %broadcast_in_dim3A_103 : f32 to vector<16xf32>
      %swap3A_105 = arith.index_cast %add3A_99 : i32 to index
      %swap3A_106 = arith.constant 16 : index
      %swap3A_107 = tpu.vector_load %arg15[%swap3A_105, %swap3A_106] {strides = array<i32>} : memref<40x128xf32, #tpu.memory_space<vmem>>, vector<16xf32>,
      tpu.vector_store %arg15[%swap3A_105, %swap3A_106], %broadcast_in_dim3A_104 {strides = array<i32>} : memref<40x128xf32, #tpu.memory_space<vmem>>, vector<16xf32>,
      %broadcast_in_dim3A_108 = arith.constant 0.000000e+00 : f32
      %broadcast_in_dim3A_109 = vector.broadcast %broadcast_in_dim3A_108 : f32 to vector<16xf32>
      %swap3A_110 = arith.index_cast %add3A_99 : i32 to index
      %swap3A_111 = arith.constant 32 : index
      %swap3A_112 = tpu.vector_load %arg15[%swap3A_110, %swap3A_111] {strides = array<i32>} : memref<40x128xf32, #tpu.memory_space<vmem>>, vector<16xf32>,
      tpu.vector_store %arg15[%swap3A_110, %swap3A_111], %broadcast_in_dim3A_109 {strides = array<i32>} : memref<40x128xf32, #tpu.memory_space<vmem>>, vector<16xf32>,
      %broadcast_in_dim3A_113 = arith.constant 0.000000e+00 : f32
      %broadcast_in_dim3A_114 = vector.broadcast %broadcast_in_dim3A_113 : f32 to vector<16xf32>
      %swap3A_115 = arith.index_cast %add3A_99 : i32 to index
      %swap3A_116 = arith.constant 48 : index
      %swap3A_117 = tpu.vector_load %arg15[%swap3A_115, %swap3A_116] {strides = array<i32>} : memref<40x128xf32, #tpu.memory_space<vmem>>, vector<16xf32>,
      tpu.vector_store %arg15[%swap3A_115, %swap3A_116], %broadcast_in_dim3A_114 {strides = array<i32>} : memref<40x128xf32, #tpu.memory_space<vmem>>, vector<16xf32>,
      %broadcast_in_dim3A_118 = arith.constant 0.000000e+00 : f32
      %broadcast_in_dim3A_119 = vector.broadcast %broadcast_in_dim3A_118 : f32 to vector<16xf32>
      %swap3A_120 = arith.index_cast %add3A_99 : i32 to index
      %swap3A_121 = arith.constant 64 : index
      %swap3A_122 = tpu.vector_load %arg15[%swap3A_120, %swap3A_121] {strides = array<i32>} : memref<40x128xf32, #tpu.memory_space<vmem>>, vector<16xf32>,
      tpu.vector_store %arg15[%swap3A_120, %swap3A_121], %broadcast_in_dim3A_119 {strides = array<i32>} : memref<40x128xf32, #tpu.memory_space<vmem>>, vector<16xf32>,
      %broadcast_in_dim3A_123 = arith.constant 0.000000e+00 : f32
      %broadcast_in_dim3A_124 = vector.broadcast %broadcast_in_dim3A_123 : f32 to vector<16xf32>
      %swap3A_125 = arith.index_cast %add3A_99 : i32 to index
      %swap3A_126 = arith.constant 80 : index
      %swap3A_127 = tpu.vector_load %arg15[%swap3A_125, %swap3A_126] {strides = array<i32>} : memref<40x128xf32, #tpu.memory_space<vmem>>, vector<16xf32>,
      tpu.vector_store %arg15[%swap3A_125, %swap3A_126], %broadcast_in_dim3A_124 {strides = array<i32>} : memref<40x128xf32, #tpu.memory_space<vmem>>, vector<16xf32>,
      %broadcast_in_dim3A_128 = arith.constant 0.000000e+00 : f32
      %broadcast_in_dim3A_129 = vector.broadcast %broadcast_in_dim3A_128 : f32 to vector<16xf32>
      %swap3A_130 = arith.index_cast %add3A_99 : i32 to index
      %swap3A_131 = arith.constant 96 : index
      %swap3A_132 = tpu.vector_load %arg15[%swap3A_130, %swap3A_131] {strides = array<i32>} : memref<40x128xf32, #tpu.memory_space<vmem>>, vector<16xf32>,
      tpu.vector_store %arg15[%swap3A_130, %swap3A_131], %broadcast_in_dim3A_129 {strides = array<i32>} : memref<40x128xf32, #tpu.memory_space<vmem>>, vector<16xf32>,
      %broadcast_in_dim3A_133 = arith.constant 0.000000e+00 : f32
      %broadcast_in_dim3A_134 = vector.broadcast %broadcast_in_dim3A_133 : f32 to vector<16xf32>
      %swap3A_135 = arith.index_cast %add3A_99 : i32 to index
      %swap3A_136 = arith.constant 112 : index
      %swap3A_137 = tpu.vector_load %arg15[%swap3A_135, %swap3A_136] {strides = array<i32>} : memref<40x128xf32, #tpu.memory_space<vmem>>, vector<16xf32>,
      tpu.vector_store %arg15[%swap3A_135, %swap3A_136], %broadcast_in_dim3A_134 {strides = array<i32>} : memref<40x128xf32, #tpu.memory_space<vmem>>, vector<16xf32>,
    }
    %scan3A_37 = arith.constant 40 : i32
    %scan3A_38 = arith.constant 0 : i32
    %scan3A_39 = arith.constant 16 : i32
    %scan3A_40 = arith.addi %scan3A_38, %scan3A_39 : i32
    %scan3A_41 = arith.constant 1 : i32
    scf.for %scan3A_95 = %scan3A_38 to %scan3A_40 step %scan3A_41  : i32 {
      %mul3A_96 = arith.constant 1 : i32
      %mul3A_97 = arith.muli %scan3A_95, %mul3A_96 : i32
      %add3A_98 = arith.constant 0 : i32
      %add3A_99 = arith.addi %add3A_98, %mul3A_97 : i32
      %mul3A_100 = arith.constant 16 : i32
      %mul3A_101 = arith.muli %mul3A_100, %add3A_99 : i32
      %add3A_102 = arith.addi %arg1, %mul3A_101 : i32
      %lt3A = arith.constant 250 : i32
      %lt3A_103 = arith.cmpi slt, %add3A_102, %lt3A : i32
      %convert_element_type3A = arith.extui %lt3A_103 : i1 to i32
      %cond3A = arith.constant 0 : i32
      %cond3A_104 = arith.cmpi ne, %convert_element_type3A, %cond3A : i32
      scf.if %cond3A_104 {
        %mul3A_105 = arith.constant 40 : i32
        %mul3A_106 = arith.muli %add3A_102, %mul3A_105 : i32
        "tpu.region"() ({
          %run_scoped3A = tpu.sem_alloc : memref<!tpu.dma_semaphore, #tpu.memory_space<semaphore_mem>>
          %dma_start3A_107 = arith.constant 0 : i32
          %dma_start3A_108 = tpu.memref_slice %arg16[%mul3A_106, %dma_start3A_107] : memref<10000x128xf32, #tpu.memory_space<vmem_shared>> -> memref<40x128xf32, #tpu.memory_space<vmem_shared>>
          %dma_start3A_109 = arith.constant 0 : i32
          %dma_start3A_110 = tpu.memref_slice %arg16[%mul3A_106, %dma_start3A_109] : memref<10000x128xf32, #tpu.memory_space<vmem_shared>> -> memref<40x128xf32, #tpu.memory_space<vmem_shared>>
          tpu.enqueue_dma source(%arg15 : memref<40x128xf32, #tpu.memory_space<vmem>>) target(%dma_start3A_110 : memref<40x128xf32, #tpu.memory_space<vmem_shared>>) target_semaphore(%run_scoped3A : memref<!tpu.dma_semaphore, #tpu.memory_space<semaphore_mem>>)
          %dma_wait3A_111 = arith.constant 0 : i32
          %dma_wait3A_112 = tpu.memref_slice %arg16[%mul3A_106, %dma_wait3A_111] : memref<10000x128xf32, #tpu.memory_space<vmem_shared>> -> memref<40x128xf32, #tpu.memory_space<vmem_shared>>
          %dma_wait3A_113 = arith.constant 0 : i32
          %dma_wait3A_114 = tpu.memref_slice %arg16[%mul3A_106, %dma_wait3A_113] : memref<10000x128xf32, #tpu.memory_space<vmem_shared>> -> memref<40x128xf32, #tpu.memory_space<vmem_shared>>
          tpu.wait_dma2 semaphore(%run_scoped3A : memref<!tpu.dma_semaphore, #tpu.memory_space<semaphore_mem>>) src(%arg15 : memref<40x128xf32, #tpu.memory_space<vmem>>) dst(%dma_wait3A_114 : memref<40x128xf32, #tpu.memory_space<vmem_shared>>)
          tpu.yield
        }) : () -> ()
      } else {
      }
    }
    %scan3A_42 = arith.constant 16 : i32
    %barrier3A = arith.constant 0 : index
    tpu.barrier barrier_id(%barrier3A)
    %scan3A_43 = arith.constant 0 : i32
    %scan3A_44 = arith.constant 39 : i32
    %scan3A_45 = arith.addi %scan3A_43, %scan3A_44 : i32
    %scan3A_46 = arith.constant 1 : i32
    scf.for %scan3A_95 = %scan3A_43 to %scan3A_45 step %scan3A_46  : i32 {
      %mul3A_96 = arith.constant 1 : i32
      %mul3A_97 = arith.muli %scan3A_95, %mul3A_96 : i32
      %add3A_98 = arith.constant 0 : i32
      %add3A_99 = arith.addi %add3A_98, %mul3A_97 : i32
      %mul3A_100 = arith.constant 2 : i32
      %mul3A_101 = arith.muli %mul3A_100, %add3A_99 : i32
      %add3A_102 = arith.constant 0 : i32
      %add3A_103 = arith.addi %mul3A_101, %add3A_102 : i32
      %mul3A_104 = arith.constant 64 : i32
      %mul3A_105 = arith.muli %add3A_103, %mul3A_104 : i32
      %add3A_106 = arith.addi %add3A_4, %mul3A_105 : i32
      %dma_wait3A_107 = tpu.memref_slice %arg5[%add3A_106] : memref<320000xi32, #tpu.memory_space<hbm>> -> memref<64xi32, #tpu.memory_space<hbm>>
      %dma_wait3A_108 = tpu.memref_slice %arg5[%add3A_106] : memref<320000xi32, #tpu.memory_space<hbm>> -> memref<64xi32, #tpu.memory_space<hbm>>
      tpu.wait_dma2 semaphore(%arg21 : memref<!tpu.dma_semaphore, #tpu.memory_space<semaphore_mem>>) src(%dma_wait3A_108 : memref<64xi32, #tpu.memory_space<hbm>>) dst(%arg8 : memref<64xi32, #tpu.memory_space<vmem>>)
      %mul3A_109 = arith.constant 64 : i32
      %mul3A_110 = arith.muli %add3A_103, %mul3A_109 : i32
      %dma_wait3A_111 = tpu.memref_slice %arg7[%mul3A_110] : memref<5000xi32, #tpu.memory_space<vmem>> -> memref<64xi32, #tpu.memory_space<vmem>>
      %dma_wait3A_112 = arith.constant 0 : i32
      %dma_wait3A_113 = arith.constant 0 : i32
      %dma_wait3A_114 = tpu.memref_slice %arg2[%dma_wait3A_112, %dma_wait3A_113] : memref<10000x128xf32, #tpu.memory_space<hbm>> -> memref<10000x128xf32, #tpu.memory_space<hbm>>
      tpu.wait_indirect_dma semaphore(%arg17 : memref<!tpu.dma_semaphore, #tpu.memory_space<semaphore_mem>>) src(%dma_wait3A_114 : memref<10000x128xf32, #tpu.memory_space<hbm>>) dst(%arg11 : memref<64x128xf32, #tpu.memory_space<vmem>>)
      %mul3A_115 = arith.constant 64 : i32
      %mul3A_116 = arith.muli %add3A_103, %mul3A_115 : i32
      %add3A_117 = arith.addi %mul3A_2, %mul3A_116 : i32
      %dma_wait3A_118 = arith.constant 0 : i32
      %dma_wait3A_119 = tpu.memref_slice %arg3[%add3A_117, %dma_wait3A_118] : memref<160000x128xf32, #tpu.memory_space<hbm>> -> memref<64x128xf32, #tpu.memory_space<hbm>>
      %dma_wait3A_120 = arith.constant 0 : i32
      %dma_wait3A_121 = tpu.memref_slice %arg3[%add3A_117, %dma_wait3A_120] : memref<160000x128xf32, #tpu.memory_space<hbm>> -> memref<64x128xf32, #tpu.memory_space<hbm>>
      tpu.wait_dma2 semaphore(%arg19 : memref<!tpu.dma_semaphore, #tpu.memory_space<semaphore_mem>>) src(%dma_wait3A_121 : memref<64x128xf32, #tpu.memory_space<hbm>>) dst(%arg13 : memref<64x128xf32, #tpu.memory_space<vmem>>)
      %parallel_loop3A_122 = arith.constant 0 : i32
      %parallel_loop3A_123 = arith.constant 64 : i32
      %parallel_loop3A_124 = arith.constant 1 : i32
      scf.for %parallel_loop3A_161 = %parallel_loop3A_122 to %parallel_loop3A_123 step %parallel_loop3A_124  : i32 {
        %parallel_loop3A_162 = arith.index_cast %parallel_loop3A_161 : i32 to index
        %parallel_loop3A_163 = arith.constant 0 : index
        %parallel_loop3A_164 = tpu.vector_load %arg11[%parallel_loop3A_162, %parallel_loop3A_163] {strides = array<i32>} : memref<64x128xf32, #tpu.memory_space<vmem>>, vector<16xf32>,
        %parallel_loop3A_165 = arith.index_cast %parallel_loop3A_161 : i32 to index
        %parallel_loop3A_166 = arith.constant 0 : index
        %parallel_loop3A_167 = tpu.vector_load %arg13[%parallel_loop3A_165, %parallel_loop3A_166] {strides = array<i32>} : memref<64x128xf32, #tpu.memory_space<vmem>>, vector<16xf32>,
        %parallel_loop3A_168 = arith.mulf %parallel_loop3A_164, %parallel_loop3A_167 : vector<16xf32>
        %parallel_loop3A_169 = arith.index_cast %parallel_loop3A_161 : i32 to index
        %parallel_loop3A_170 = arith.constant 0 : index
        %parallel_loop3A_171 = tpu.vector_load %arg11[%parallel_loop3A_169, %parallel_loop3A_170] {strides = array<i32>} : memref<64x128xf32, #tpu.memory_space<vmem>>, vector<16xf32>,
        tpu.vector_store %arg11[%parallel_loop3A_169, %parallel_loop3A_170], %parallel_loop3A_168 {strides = array<i32>} : memref<64x128xf32, #tpu.memory_space<vmem>>, vector<16xf32>,
        %parallel_loop3A_172 = arith.index_cast %parallel_loop3A_161 : i32 to index
        %parallel_loop3A_173 = arith.constant 16 : index
        %parallel_loop3A_174 = tpu.vector_load %arg11[%parallel_loop3A_172, %parallel_loop3A_173] {strides = array<i32>} : memref<64x128xf32, #tpu.memory_space<vmem>>, vector<16xf32>,
        %parallel_loop3A_175 = arith.index_cast %parallel_loop3A_161 : i32 to index
        %parallel_loop3A_176 = arith.constant 16 : index
        %parallel_loop3A_177 = tpu.vector_load %arg13[%parallel_loop3A_175, %parallel_loop3A_176] {strides = array<i32>} : memref<64x128xf32, #tpu.memory_space<vmem>>, vector<16xf32>,
        %parallel_loop3A_178 = arith.mulf %parallel_loop3A_174, %parallel_loop3A_177 : vector<16xf32>
        %parallel_loop3A_179 = arith.index_cast %parallel_loop3A_161 : i32 to index
        %parallel_loop3A_180 = arith.constant 16 : index
        %parallel_loop3A_181 = tpu.vector_load %arg11[%parallel_loop3A_179, %parallel_loop3A_180] {strides = array<i32>} : memref<64x128xf32, #tpu.memory_space<vmem>>, vector<16xf32>,
        tpu.vector_store %arg11[%parallel_loop3A_179, %parallel_loop3A_180], %parallel_loop3A_178 {strides = array<i32>} : memref<64x128xf32, #tpu.memory_space<vmem>>, vector<16xf32>,
        %parallel_loop3A_182 = arith.index_cast %parallel_loop3A_161 : i32 to index
        %parallel_loop3A_183 = arith.constant 32 : index
        %parallel_loop3A_184 = tpu.vector_load %arg11[%parallel_loop3A_182, %parallel_loop3A_183] {strides = array<i32>} : memref<64x128xf32, #tpu.memory_space<vmem>>, vector<16xf32>,
        %parallel_loop3A_185 = arith.index_cast %parallel_loop3A_161 : i32 to index
        %parallel_loop3A_186 = arith.constant 32 : index
        %parallel_loop3A_187 = tpu.vector_load %arg13[%parallel_loop3A_185, %parallel_loop3A_186] {strides = array<i32>} : memref<64x128xf32, #tpu.memory_space<vmem>>, vector<16xf32>,
        %parallel_loop3A_188 = arith.mulf %parallel_loop3A_184, %parallel_loop3A_187 : vector<16xf32>
        %parallel_loop3A_189 = arith.index_cast %parallel_loop3A_161 : i32 to index
        %parallel_loop3A_190 = arith.constant 32 : index
        %parallel_loop3A_191 = tpu.vector_load %arg11[%parallel_loop3A_189, %parallel_loop3A_190] {strides = array<i32>} : memref<64x128xf32, #tpu.memory_space<vmem>>, vector<16xf32>,
        tpu.vector_store %arg11[%parallel_loop3A_189, %parallel_loop3A_190], %parallel_loop3A_188 {strides = array<i32>} : memref<64x128xf32, #tpu.memory_space<vmem>>, vector<16xf32>,
        %parallel_loop3A_192 = arith.index_cast %parallel_loop3A_161 : i32 to index
        %parallel_loop3A_193 = arith.constant 48 : index
        %parallel_loop3A_194 = tpu.vector_load %arg11[%parallel_loop3A_192, %parallel_loop3A_193] {strides = array<i32>} : memref<64x128xf32, #tpu.memory_space<vmem>>, vector<16xf32>,
        %parallel_loop3A_195 = arith.index_cast %parallel_loop3A_161 : i32 to index
        %parallel_loop3A_196 = arith.constant 48 : index
        %parallel_loop3A_197 = tpu.vector_load %arg13[%parallel_loop3A_195, %parallel_loop3A_196] {strides = array<i32>} : memref<64x128xf32, #tpu.memory_space<vmem>>, vector<16xf32>,
        %parallel_loop3A_198 = arith.mulf %parallel_loop3A_194, %parallel_loop3A_197 : vector<16xf32>
        %parallel_loop3A_199 = arith.index_cast %parallel_loop3A_161 : i32 to index
        %parallel_loop3A_200 = arith.constant 48 : index
        %parallel_loop3A_201 = tpu.vector_load %arg11[%parallel_loop3A_199, %parallel_loop3A_200] {strides = array<i32>} : memref<64x128xf32, #tpu.memory_space<vmem>>, vector<16xf32>,
        tpu.vector_store %arg11[%parallel_loop3A_199, %parallel_loop3A_200], %parallel_loop3A_198 {strides = array<i32>} : memref<64x128xf32, #tpu.memory_space<vmem>>, vector<16xf32>,
        %parallel_loop3A_202 = arith.index_cast %parallel_loop3A_161 : i32 to index
        %parallel_loop3A_203 = arith.constant 64 : index
        %parallel_loop3A_204 = tpu.vector_load %arg11[%parallel_loop3A_202, %parallel_loop3A_203] {strides = array<i32>} : memref<64x128xf32, #tpu.memory_space<vmem>>, vector<16xf32>,
        %parallel_loop3A_205 = arith.index_cast %parallel_loop3A_161 : i32 to index
        %parallel_loop3A_206 = arith.constant 64 : index
        %parallel_loop3A_207 = tpu.vector_load %arg13[%parallel_loop3A_205, %parallel_loop3A_206] {strides = array<i32>} : memref<64x128xf32, #tpu.memory_space<vmem>>, vector<16xf32>,
        %parallel_loop3A_208 = arith.mulf %parallel_loop3A_204, %parallel_loop3A_207 : vector<16xf32>
        %parallel_loop3A_209 = arith.index_cast %parallel_loop3A_161 : i32 to index
        %parallel_loop3A_210 = arith.constant 64 : index
        %parallel_loop3A_211 = tpu.vector_load %arg11[%parallel_loop3A_209, %parallel_loop3A_210] {strides = array<i32>} : memref<64x128xf32, #tpu.memory_space<vmem>>, vector<16xf32>,
        tpu.vector_store %arg11[%parallel_loop3A_209, %parallel_loop3A_210], %parallel_loop3A_208 {strides = array<i32>} : memref<64x128xf32, #tpu.memory_space<vmem>>, vector<16xf32>,
        %parallel_loop3A_212 = arith.index_cast %parallel_loop3A_161 : i32 to index
        %parallel_loop3A_213 = arith.constant 80 : index
        %parallel_loop3A_214 = tpu.vector_load %arg11[%parallel_loop3A_212, %parallel_loop3A_213] {strides = array<i32>} : memref<64x128xf32, #tpu.memory_space<vmem>>, vector<16xf32>,
        %parallel_loop3A_215 = arith.index_cast %parallel_loop3A_161 : i32 to index
        %parallel_loop3A_216 = arith.constant 80 : index
        %parallel_loop3A_217 = tpu.vector_load %arg13[%parallel_loop3A_215, %parallel_loop3A_216] {strides = array<i32>} : memref<64x128xf32, #tpu.memory_space<vmem>>, vector<16xf32>,
        %parallel_loop3A_218 = arith.mulf %parallel_loop3A_214, %parallel_loop3A_217 : vector<16xf32>
        %parallel_loop3A_219 = arith.index_cast %parallel_loop3A_161 : i32 to index
        %parallel_loop3A_220 = arith.constant 80 : index
        %parallel_loop3A_221 = tpu.vector_load %arg11[%parallel_loop3A_219, %parallel_loop3A_220] {strides = array<i32>} : memref<64x128xf32, #tpu.memory_space<vmem>>, vector<16xf32>,
        tpu.vector_store %arg11[%parallel_loop3A_219, %parallel_loop3A_220], %parallel_loop3A_218 {strides = array<i32>} : memref<64x128xf32, #tpu.memory_space<vmem>>, vector<16xf32>,
        %parallel_loop3A_222 = arith.index_cast %parallel_loop3A_161 : i32 to index
        %parallel_loop3A_223 = arith.constant 96 : index
        %parallel_loop3A_224 = tpu.vector_load %arg11[%parallel_loop3A_222, %parallel_loop3A_223] {strides = array<i32>} : memref<64x128xf32, #tpu.memory_space<vmem>>, vector<16xf32>,
        %parallel_loop3A_225 = arith.index_cast %parallel_loop3A_161 : i32 to index
        %parallel_loop3A_226 = arith.constant 96 : index
        %parallel_loop3A_227 = tpu.vector_load %arg13[%parallel_loop3A_225, %parallel_loop3A_226] {strides = array<i32>} : memref<64x128xf32, #tpu.memory_space<vmem>>, vector<16xf32>,
        %parallel_loop3A_228 = arith.mulf %parallel_loop3A_224, %parallel_loop3A_227 : vector<16xf32>
        %parallel_loop3A_229 = arith.index_cast %parallel_loop3A_161 : i32 to index
        %parallel_loop3A_230 = arith.constant 96 : index
        %parallel_loop3A_231 = tpu.vector_load %arg11[%parallel_loop3A_229, %parallel_loop3A_230] {strides = array<i32>} : memref<64x128xf32, #tpu.memory_space<vmem>>, vector<16xf32>,
        tpu.vector_store %arg11[%parallel_loop3A_229, %parallel_loop3A_230], %parallel_loop3A_228 {strides = array<i32>} : memref<64x128xf32, #tpu.memory_space<vmem>>, vector<16xf32>,
        %parallel_loop3A_232 = arith.index_cast %parallel_loop3A_161 : i32 to index
        %parallel_loop3A_233 = arith.constant 112 : index
        %parallel_loop3A_234 = tpu.vector_load %arg11[%parallel_loop3A_232, %parallel_loop3A_233] {strides = array<i32>} : memref<64x128xf32, #tpu.memory_space<vmem>>, vector<16xf32>,
        %parallel_loop3A_235 = arith.index_cast %parallel_loop3A_161 : i32 to index
        %parallel_loop3A_236 = arith.constant 112 : index
        %parallel_loop3A_237 = tpu.vector_load %arg13[%parallel_loop3A_235, %parallel_loop3A_236] {strides = array<i32>} : memref<64x128xf32, #tpu.memory_space<vmem>>, vector<16xf32>,
        %parallel_loop3A_238 = arith.mulf %parallel_loop3A_234, %parallel_loop3A_237 : vector<16xf32>
        %parallel_loop3A_239 = arith.index_cast %parallel_loop3A_161 : i32 to index
        %parallel_loop3A_240 = arith.constant 112 : index
        %parallel_loop3A_241 = tpu.vector_load %arg11[%parallel_loop3A_239, %parallel_loop3A_240] {strides = array<i32>} : memref<64x128xf32, #tpu.memory_space<vmem>>, vector<16xf32>,
        tpu.vector_store %arg11[%parallel_loop3A_239, %parallel_loop3A_240], %parallel_loop3A_238 {strides = array<i32>} : memref<64x128xf32, #tpu.memory_space<vmem>>, vector<16xf32>,
      } {sc.loop_unroll_factor = 1 : i64, sc.parallel_access}
      "tpu.region"() ({
        %run_scoped3A = tpu.sem_alloc : memref<!tpu.dma_semaphore, #tpu.memory_space<semaphore_mem>>
        %dma_start3A_161 = arith.constant 0 : i32
        %dma_start3A_162 = arith.constant 0 : i32
        %dma_start3A_163 = tpu.memref_slice %arg16[%dma_start3A_161, %dma_start3A_162] : memref<10000x128xf32, #tpu.memory_space<vmem_shared>> -> memref<10000x128xf32, #tpu.memory_space<vmem_shared>>
        tpu.enqueue_indirect_dma source(%arg11 : memref<64x128xf32, #tpu.memory_space<vmem>>) target(%dma_start3A_163 : memref<10000x128xf32, #tpu.memory_space<vmem_shared>>) offsets(%arg8 : memref<64xi32, #tpu.memory_space<vmem>>) semaphore(%run_scoped3A : memref<!tpu.dma_semaphore, #tpu.memory_space<semaphore_mem>>) {add = true}
        %dma_wait3A_164 = arith.constant 0 : i32
        %dma_wait3A_165 = arith.constant 0 : i32
        %dma_wait3A_166 = tpu.memref_slice %arg16[%dma_wait3A_164, %dma_wait3A_165] : memref<10000x128xf32, #tpu.memory_space<vmem_shared>> -> memref<10000x128xf32, #tpu.memory_space<vmem_shared>>
        tpu.wait_indirect_dma semaphore(%run_scoped3A : memref<!tpu.dma_semaphore, #tpu.memory_space<semaphore_mem>>) src(%arg11 : memref<64x128xf32, #tpu.memory_space<vmem>>) dst(%dma_wait3A_166 : memref<10000x128xf32, #tpu.memory_space<vmem_shared>>)
        tpu.yield
      }) : () -> ()
      %add3A_125 = arith.constant 2 : i32
      %add3A_126 = arith.addi %add3A_103, %add3A_125 : i32
      %lt3A = arith.constant 78 : i32
      %lt3A_127 = arith.cmpi slt, %add3A_126, %lt3A : i32
      %convert_element_type3A = arith.extui %lt3A_127 : i1 to i32
      %cond3A = arith.constant 0 : i32
      %cond3A_128 = arith.cmpi ne, %convert_element_type3A, %cond3A : i32
      scf.if %cond3A_128 {
        %add3A_161 = arith.constant 2 : i32
        %add3A_162 = arith.addi %add3A_103, %add3A_161 : i32
        %mul3A_163 = arith.constant 64 : i32
        %mul3A_164 = arith.muli %add3A_162, %mul3A_163 : i32
        %add3A_165 = arith.addi %add3A_4, %mul3A_164 : i32
        %dma_start3A_166 = tpu.memref_slice %arg5[%add3A_165] : memref<320000xi32, #tpu.memory_space<hbm>> -> memref<64xi32, #tpu.memory_space<hbm>>
        %dma_start3A_167 = tpu.memref_slice %arg5[%add3A_165] : memref<320000xi32, #tpu.memory_space<hbm>> -> memref<64xi32, #tpu.memory_space<hbm>>
        tpu.enqueue_dma source(%dma_start3A_167 : memref<64xi32, #tpu.memory_space<hbm>>) target(%arg8 : memref<64xi32, #tpu.memory_space<vmem>>) target_semaphore(%arg21 : memref<!tpu.dma_semaphore, #tpu.memory_space<semaphore_mem>>)
        %mul3A_168 = arith.constant 64 : i32
        %mul3A_169 = arith.muli %add3A_162, %mul3A_168 : i32
        %dma_start3A_170 = tpu.memref_slice %arg7[%mul3A_169] : memref<5000xi32, #tpu.memory_space<vmem>> -> memref<64xi32, #tpu.memory_space<vmem>>
        %dma_start3A_171 = arith.constant 0 : i32
        %dma_start3A_172 = arith.constant 0 : i32
        %dma_start3A_173 = tpu.memref_slice %arg2[%dma_start3A_171, %dma_start3A_172] : memref<10000x128xf32, #tpu.memory_space<hbm>> -> memref<10000x128xf32, #tpu.memory_space<hbm>>
        tpu.enqueue_indirect_dma source(%dma_start3A_173 : memref<10000x128xf32, #tpu.memory_space<hbm>>) target(%arg11 : memref<64x128xf32, #tpu.memory_space<vmem>>) offsets(%dma_start3A_170 : memref<64xi32, #tpu.memory_space<vmem>>) semaphore(%arg17 : memref<!tpu.dma_semaphore, #tpu.memory_space<semaphore_mem>>)
        %mul3A_174 = arith.constant 64 : i32
        %mul3A_175 = arith.muli %add3A_162, %mul3A_174 : i32
        %add3A_176 = arith.addi %mul3A_2, %mul3A_175 : i32
        %dma_start3A_177 = arith.constant 0 : i32
        %dma_start3A_178 = tpu.memref_slice %arg3[%add3A_176, %dma_start3A_177] : memref<160000x128xf32, #tpu.memory_space<hbm>> -> memref<64x128xf32, #tpu.memory_space<hbm>>
        %dma_start3A_179 = arith.constant 0 : i32
        %dma_start3A_180 = tpu.memref_slice %arg3[%add3A_176, %dma_start3A_179] : memref<160000x128xf32, #tpu.memory_space<hbm>> -> memref<64x128xf32, #tpu.memory_space<hbm>>
        tpu.enqueue_dma source(%dma_start3A_180 : memref<64x128xf32, #tpu.memory_space<hbm>>) target(%arg13 : memref<64x128xf32, #tpu.memory_space<vmem>>) target_semaphore(%arg19 : memref<!tpu.dma_semaphore, #tpu.memory_space<semaphore_mem>>)
      } else {
      }
      %mul3A_129 = arith.constant 2 : i32
      %mul3A_130 = arith.muli %mul3A_129, %add3A_99 : i32
      %add3A_131 = arith.constant 1 : i32
      %add3A_132 = arith.addi %mul3A_130, %add3A_131 : i32
      %mul3A_133 = arith.constant 64 : i32
      %mul3A_134 = arith.muli %add3A_132, %mul3A_133 : i32
      %add3A_135 = arith.addi %add3A_4, %mul3A_134 : i32
      %dma_wait3A_136 = tpu.memref_slice %arg5[%add3A_135] : memref<320000xi32, #tpu.memory_space<hbm>> -> memref<64xi32, #tpu.memory_space<hbm>>
      %dma_wait3A_137 = tpu.memref_slice %arg5[%add3A_135] : memref<320000xi32, #tpu.memory_space<hbm>> -> memref<64xi32, #tpu.memory_space<hbm>>
      tpu.wait_dma2 semaphore(%arg22 : memref<!tpu.dma_semaphore, #tpu.memory_space<semaphore_mem>>) src(%dma_wait3A_137 : memref<64xi32, #tpu.memory_space<hbm>>) dst(%arg9 : memref<64xi32, #tpu.memory_space<vmem>>)
      %mul3A_138 = arith.constant 64 : i32
      %mul3A_139 = arith.muli %add3A_132, %mul3A_138 : i32
      %dma_wait3A_140 = tpu.memref_slice %arg7[%mul3A_139] : memref<5000xi32, #tpu.memory_space<vmem>> -> memref<64xi32, #tpu.memory_space<vmem>>
      %dma_wait3A_141 = arith.constant 0 : i32
      %dma_wait3A_142 = arith.constant 0 : i32
      %dma_wait3A_143 = tpu.memref_slice %arg2[%dma_wait3A_141, %dma_wait3A_142] : memref<10000x128xf32, #tpu.memory_space<hbm>> -> memref<10000x128xf32, #tpu.memory_space<hbm>>
      tpu.wait_indirect_dma semaphore(%arg18 : memref<!tpu.dma_semaphore, #tpu.memory_space<semaphore_mem>>) src(%dma_wait3A_143 : memref<10000x128xf32, #tpu.memory_space<hbm>>) dst(%arg12 : memref<64x128xf32, #tpu.memory_space<vmem>>)
      %mul3A_144 = arith.constant 64 : i32
      %mul3A_145 = arith.muli %add3A_132, %mul3A_144 : i32
      %add3A_146 = arith.addi %mul3A_2, %mul3A_145 : i32
      %dma_wait3A_147 = arith.constant 0 : i32
      %dma_wait3A_148 = tpu.memref_slice %arg3[%add3A_146, %dma_wait3A_147] : memref<160000x128xf32, #tpu.memory_space<hbm>> -> memref<64x128xf32, #tpu.memory_space<hbm>>
      %dma_wait3A_149 = arith.constant 0 : i32
      %dma_wait3A_150 = tpu.memref_slice %arg3[%add3A_146, %dma_wait3A_149] : memref<160000x128xf32, #tpu.memory_space<hbm>> -> memref<64x128xf32, #tpu.memory_space<hbm>>
      tpu.wait_dma2 semaphore(%arg20 : memref<!tpu.dma_semaphore, #tpu.memory_space<semaphore_mem>>) src(%dma_wait3A_150 : memref<64x128xf32, #tpu.memory_space<hbm>>) dst(%arg14 : memref<64x128xf32, #tpu.memory_space<vmem>>)
      %parallel_loop3A_151 = arith.constant 0 : i32
      %parallel_loop3A_152 = arith.constant 64 : i32
      %parallel_loop3A_153 = arith.constant 1 : i32
      scf.for %parallel_loop3A_161 = %parallel_loop3A_151 to %parallel_loop3A_152 step %parallel_loop3A_153  : i32 {
        %parallel_loop3A_162 = arith.index_cast %parallel_loop3A_161 : i32 to index
        %parallel_loop3A_163 = arith.constant 0 : index
        %parallel_loop3A_164 = tpu.vector_load %arg12[%parallel_loop3A_162, %parallel_loop3A_163] {strides = array<i32>} : memref<64x128xf32, #tpu.memory_space<vmem>>, vector<16xf32>,
        %parallel_loop3A_165 = arith.index_cast %parallel_loop3A_161 : i32 to index
        %parallel_loop3A_166 = arith.constant 0 : index
        %parallel_loop3A_167 = tpu.vector_load %arg14[%parallel_loop3A_165, %parallel_loop3A_166] {strides = array<i32>} : memref<64x128xf32, #tpu.memory_space<vmem>>, vector<16xf32>,
        %parallel_loop3A_168 = arith.mulf %parallel_loop3A_164, %parallel_loop3A_167 : vector<16xf32>
        %parallel_loop3A_169 = arith.index_cast %parallel_loop3A_161 : i32 to index
        %parallel_loop3A_170 = arith.constant 0 : index
        %parallel_loop3A_171 = tpu.vector_load %arg12[%parallel_loop3A_169, %parallel_loop3A_170] {strides = array<i32>} : memref<64x128xf32, #tpu.memory_space<vmem>>, vector<16xf32>,
        tpu.vector_store %arg12[%parallel_loop3A_169, %parallel_loop3A_170], %parallel_loop3A_168 {strides = array<i32>} : memref<64x128xf32, #tpu.memory_space<vmem>>, vector<16xf32>,
        %parallel_loop3A_172 = arith.index_cast %parallel_loop3A_161 : i32 to index
        %parallel_loop3A_173 = arith.constant 16 : index
        %parallel_loop3A_174 = tpu.vector_load %arg12[%parallel_loop3A_172, %parallel_loop3A_173] {strides = array<i32>} : memref<64x128xf32, #tpu.memory_space<vmem>>, vector<16xf32>,
        %parallel_loop3A_175 = arith.index_cast %parallel_loop3A_161 : i32 to index
        %parallel_loop3A_176 = arith.constant 16 : index
        %parallel_loop3A_177 = tpu.vector_load %arg14[%parallel_loop3A_175, %parallel_loop3A_176] {strides = array<i32>} : memref<64x128xf32, #tpu.memory_space<vmem>>, vector<16xf32>,
        %parallel_loop3A_178 = arith.mulf %parallel_loop3A_174, %parallel_loop3A_177 : vector<16xf32>
        %parallel_loop3A_179 = arith.index_cast %parallel_loop3A_161 : i32 to index
        %parallel_loop3A_180 = arith.constant 16 : index
        %parallel_loop3A_181 = tpu.vector_load %arg12[%parallel_loop3A_179, %parallel_loop3A_180] {strides = array<i32>} : memref<64x128xf32, #tpu.memory_space<vmem>>, vector<16xf32>,
        tpu.vector_store %arg12[%parallel_loop3A_179, %parallel_loop3A_180], %parallel_loop3A_178 {strides = array<i32>} : memref<64x128xf32, #tpu.memory_space<vmem>>, vector<16xf32>,
        %parallel_loop3A_182 = arith.index_cast %parallel_loop3A_161 : i32 to index
        %parallel_loop3A_183 = arith.constant 32 : index
        %parallel_loop3A_184 = tpu.vector_load %arg12[%parallel_loop3A_182, %parallel_loop3A_183] {strides = array<i32>} : memref<64x128xf32, #tpu.memory_space<vmem>>, vector<16xf32>,
        %parallel_loop3A_185 = arith.index_cast %parallel_loop3A_161 : i32 to index
        %parallel_loop3A_186 = arith.constant 32 : index
        %parallel_loop3A_187 = tpu.vector_load %arg14[%parallel_loop3A_185, %parallel_loop3A_186] {strides = array<i32>} : memref<64x128xf32, #tpu.memory_space<vmem>>, vector<16xf32>,
        %parallel_loop3A_188 = arith.mulf %parallel_loop3A_184, %parallel_loop3A_187 : vector<16xf32>
        %parallel_loop3A_189 = arith.index_cast %parallel_loop3A_161 : i32 to index
        %parallel_loop3A_190 = arith.constant 32 : index
        %parallel_loop3A_191 = tpu.vector_load %arg12[%parallel_loop3A_189, %parallel_loop3A_190] {strides = array<i32>} : memref<64x128xf32, #tpu.memory_space<vmem>>, vector<16xf32>,
        tpu.vector_store %arg12[%parallel_loop3A_189, %parallel_loop3A_190], %parallel_loop3A_188 {strides = array<i32>} : memref<64x128xf32, #tpu.memory_space<vmem>>, vector<16xf32>,
        %parallel_loop3A_192 = arith.index_cast %parallel_loop3A_161 : i32 to index
        %parallel_loop3A_193 = arith.constant 48 : index
        %parallel_loop3A_194 = tpu.vector_load %arg12[%parallel_loop3A_192, %parallel_loop3A_193] {strides = array<i32>} : memref<64x128xf32, #tpu.memory_space<vmem>>, vector<16xf32>,
        %parallel_loop3A_195 = arith.index_cast %parallel_loop3A_161 : i32 to index
        %parallel_loop3A_196 = arith.constant 48 : index
        %parallel_loop3A_197 = tpu.vector_load %arg14[%parallel_loop3A_195, %parallel_loop3A_196] {strides = array<i32>} : memref<64x128xf32, #tpu.memory_space<vmem>>, vector<16xf32>,
        %parallel_loop3A_198 = arith.mulf %parallel_loop3A_194, %parallel_loop3A_197 : vector<16xf32>
        %parallel_loop3A_199 = arith.index_cast %parallel_loop3A_161 : i32 to index
        %parallel_loop3A_200 = arith.constant 48 : index
        %parallel_loop3A_201 = tpu.vector_load %arg12[%parallel_loop3A_199, %parallel_loop3A_200] {strides = array<i32>} : memref<64x128xf32, #tpu.memory_space<vmem>>, vector<16xf32>,
        tpu.vector_store %arg12[%parallel_loop3A_199, %parallel_loop3A_200], %parallel_loop3A_198 {strides = array<i32>} : memref<64x128xf32, #tpu.memory_space<vmem>>, vector<16xf32>,
        %parallel_loop3A_202 = arith.index_cast %parallel_loop3A_161 : i32 to index
        %parallel_loop3A_203 = arith.constant 64 : index
        %parallel_loop3A_204 = tpu.vector_load %arg12[%parallel_loop3A_202, %parallel_loop3A_203] {strides = array<i32>} : memref<64x128xf32, #tpu.memory_space<vmem>>, vector<16xf32>,
        %parallel_loop3A_205 = arith.index_cast %parallel_loop3A_161 : i32 to index
        %parallel_loop3A_206 = arith.constant 64 : index
        %parallel_loop3A_207 = tpu.vector_load %arg14[%parallel_loop3A_205, %parallel_loop3A_206] {strides = array<i32>} : memref<64x128xf32, #tpu.memory_space<vmem>>, vector<16xf32>,
        %parallel_loop3A_208 = arith.mulf %parallel_loop3A_204, %parallel_loop3A_207 : vector<16xf32>
        %parallel_loop3A_209 = arith.index_cast %parallel_loop3A_161 : i32 to index
        %parallel_loop3A_210 = arith.constant 64 : index
        %parallel_loop3A_211 = tpu.vector_load %arg12[%parallel_loop3A_209, %parallel_loop3A_210] {strides = array<i32>} : memref<64x128xf32, #tpu.memory_space<vmem>>, vector<16xf32>,
        tpu.vector_store %arg12[%parallel_loop3A_209, %parallel_loop3A_210], %parallel_loop3A_208 {strides = array<i32>} : memref<64x128xf32, #tpu.memory_space<vmem>>, vector<16xf32>,
        %parallel_loop3A_212 = arith.index_cast %parallel_loop3A_161 : i32 to index
        %parallel_loop3A_213 = arith.constant 80 : index
        %parallel_loop3A_214 = tpu.vector_load %arg12[%parallel_loop3A_212, %parallel_loop3A_213] {strides = array<i32>} : memref<64x128xf32, #tpu.memory_space<vmem>>, vector<16xf32>,
        %parallel_loop3A_215 = arith.index_cast %parallel_loop3A_161 : i32 to index
        %parallel_loop3A_216 = arith.constant 80 : index
        %parallel_loop3A_217 = tpu.vector_load %arg14[%parallel_loop3A_215, %parallel_loop3A_216] {strides = array<i32>} : memref<64x128xf32, #tpu.memory_space<vmem>>, vector<16xf32>,
        %parallel_loop3A_218 = arith.mulf %parallel_loop3A_214, %parallel_loop3A_217 : vector<16xf32>
        %parallel_loop3A_219 = arith.index_cast %parallel_loop3A_161 : i32 to index
        %parallel_loop3A_220 = arith.constant 80 : index
        %parallel_loop3A_221 = tpu.vector_load %arg12[%parallel_loop3A_219, %parallel_loop3A_220] {strides = array<i32>} : memref<64x128xf32, #tpu.memory_space<vmem>>, vector<16xf32>,
        tpu.vector_store %arg12[%parallel_loop3A_219, %parallel_loop3A_220], %parallel_loop3A_218 {strides = array<i32>} : memref<64x128xf32, #tpu.memory_space<vmem>>, vector<16xf32>,
        %parallel_loop3A_222 = arith.index_cast %parallel_loop3A_161 : i32 to index
        %parallel_loop3A_223 = arith.constant 96 : index
        %parallel_loop3A_224 = tpu.vector_load %arg12[%parallel_loop3A_222, %parallel_loop3A_223] {strides = array<i32>} : memref<64x128xf32, #tpu.memory_space<vmem>>, vector<16xf32>,
        %parallel_loop3A_225 = arith.index_cast %parallel_loop3A_161 : i32 to index
        %parallel_loop3A_226 = arith.constant 96 : index
        %parallel_loop3A_227 = tpu.vector_load %arg14[%parallel_loop3A_225, %parallel_loop3A_226] {strides = array<i32>} : memref<64x128xf32, #tpu.memory_space<vmem>>, vector<16xf32>,
        %parallel_loop3A_228 = arith.mulf %parallel_loop3A_224, %parallel_loop3A_227 : vector<16xf32>
        %parallel_loop3A_229 = arith.index_cast %parallel_loop3A_161 : i32 to index
        %parallel_loop3A_230 = arith.constant 96 : index
        %parallel_loop3A_231 = tpu.vector_load %arg12[%parallel_loop3A_229, %parallel_loop3A_230] {strides = array<i32>} : memref<64x128xf32, #tpu.memory_space<vmem>>, vector<16xf32>,
        tpu.vector_store %arg12[%parallel_loop3A_229, %parallel_loop3A_230], %parallel_loop3A_228 {strides = array<i32>} : memref<64x128xf32, #tpu.memory_space<vmem>>, vector<16xf32>,
        %parallel_loop3A_232 = arith.index_cast %parallel_loop3A_161 : i32 to index
        %parallel_loop3A_233 = arith.constant 112 : index
        %parallel_loop3A_234 = tpu.vector_load %arg12[%parallel_loop3A_232, %parallel_loop3A_233] {strides = array<i32>} : memref<64x128xf32, #tpu.memory_space<vmem>>, vector<16xf32>,
        %parallel_loop3A_235 = arith.index_cast %parallel_loop3A_161 : i32 to index
        %parallel_loop3A_236 = arith.constant 112 : index
        %parallel_loop3A_237 = tpu.vector_load %arg14[%parallel_loop3A_235, %parallel_loop3A_236] {strides = array<i32>} : memref<64x128xf32, #tpu.memory_space<vmem>>, vector<16xf32>,
        %parallel_loop3A_238 = arith.mulf %parallel_loop3A_234, %parallel_loop3A_237 : vector<16xf32>
        %parallel_loop3A_239 = arith.index_cast %parallel_loop3A_161 : i32 to index
        %parallel_loop3A_240 = arith.constant 112 : index
        %parallel_loop3A_241 = tpu.vector_load %arg12[%parallel_loop3A_239, %parallel_loop3A_240] {strides = array<i32>} : memref<64x128xf32, #tpu.memory_space<vmem>>, vector<16xf32>,
        tpu.vector_store %arg12[%parallel_loop3A_239, %parallel_loop3A_240], %parallel_loop3A_238 {strides = array<i32>} : memref<64x128xf32, #tpu.memory_space<vmem>>, vector<16xf32>,
      } {sc.loop_unroll_factor = 1 : i64, sc.parallel_access}
      "tpu.region"() ({
        %run_scoped3A = tpu.sem_alloc : memref<!tpu.dma_semaphore, #tpu.memory_space<semaphore_mem>>
        %dma_start3A_161 = arith.constant 0 : i32
        %dma_start3A_162 = arith.constant 0 : i32
        %dma_start3A_163 = tpu.memref_slice %arg16[%dma_start3A_161, %dma_start3A_162] : memref<10000x128xf32, #tpu.memory_space<vmem_shared>> -> memref<10000x128xf32, #tpu.memory_space<vmem_shared>>
        tpu.enqueue_indirect_dma source(%arg12 : memref<64x128xf32, #tpu.memory_space<vmem>>) target(%dma_start3A_163 : memref<10000x128xf32, #tpu.memory_space<vmem_shared>>) offsets(%arg9 : memref<64xi32, #tpu.memory_space<vmem>>) semaphore(%run_scoped3A : memref<!tpu.dma_semaphore, #tpu.memory_space<semaphore_mem>>) {add = true}
        %dma_wait3A_164 = arith.constant 0 : i32
        %dma_wait3A_165 = arith.constant 0 : i32
        %dma_wait3A_166 = tpu.memref_slice %arg16[%dma_wait3A_164, %dma_wait3A_165] : memref<10000x128xf32, #tpu.memory_space<vmem_shared>> -> memref<10000x128xf32, #tpu.memory_space<vmem_shared>>
        tpu.wait_indirect_dma semaphore(%run_scoped3A : memref<!tpu.dma_semaphore, #tpu.memory_space<semaphore_mem>>) src(%arg12 : memref<64x128xf32, #tpu.memory_space<vmem>>) dst(%dma_wait3A_166 : memref<10000x128xf32, #tpu.memory_space<vmem_shared>>)
        tpu.yield
      }) : () -> ()
      %add3A_154 = arith.constant 2 : i32
      %add3A_155 = arith.addi %add3A_132, %add3A_154 : i32
      %lt3A_156 = arith.constant 78 : i32
      %lt3A_157 = arith.cmpi slt, %add3A_155, %lt3A_156 : i32
      %convert_element_type3A_158 = arith.extui %lt3A_157 : i1 to i32
      %cond3A_159 = arith.constant 0 : i32
      %cond3A_160 = arith.cmpi ne, %convert_element_type3A_158, %cond3A_159 : i32
      scf.if %cond3A_160 {
        %add3A_161 = arith.constant 2 : i32
        %add3A_162 = arith.addi %add3A_132, %add3A_161 : i32
        %mul3A_163 = arith.constant 64 : i32
        %mul3A_164 = arith.muli %add3A_162, %mul3A_163 : i32
        %add3A_165 = arith.addi %add3A_4, %mul3A_164 : i32
        %dma_start3A_166 = tpu.memref_slice %arg5[%add3A_165] : memref<320000xi32, #tpu.memory_space<hbm>> -> memref<64xi32, #tpu.memory_space<hbm>>
        %dma_start3A_167 = tpu.memref_slice %arg5[%add3A_165] : memref<320000xi32, #tpu.memory_space<hbm>> -> memref<64xi32, #tpu.memory_space<hbm>>
        tpu.enqueue_dma source(%dma_start3A_167 : memref<64xi32, #tpu.memory_space<hbm>>) target(%arg9 : memref<64xi32, #tpu.memory_space<vmem>>) target_semaphore(%arg22 : memref<!tpu.dma_semaphore, #tpu.memory_space<semaphore_mem>>)
        %mul3A_168 = arith.constant 64 : i32
        %mul3A_169 = arith.muli %add3A_162, %mul3A_168 : i32
        %dma_start3A_170 = tpu.memref_slice %arg7[%mul3A_169] : memref<5000xi32, #tpu.memory_space<vmem>> -> memref<64xi32, #tpu.memory_space<vmem>>
        %dma_start3A_171 = arith.constant 0 : i32
        %dma_start3A_172 = arith.constant 0 : i32
        %dma_start3A_173 = tpu.memref_slice %arg2[%dma_start3A_171, %dma_start3A_172] : memref<10000x128xf32, #tpu.memory_space<hbm>> -> memref<10000x128xf32, #tpu.memory_space<hbm>>
        tpu.enqueue_indirect_dma source(%dma_start3A_173 : memref<10000x128xf32, #tpu.memory_space<hbm>>) target(%arg12 : memref<64x128xf32, #tpu.memory_space<vmem>>) offsets(%dma_start3A_170 : memref<64xi32, #tpu.memory_space<vmem>>) semaphore(%arg18 : memref<!tpu.dma_semaphore, #tpu.memory_space<semaphore_mem>>)
        %mul3A_174 = arith.constant 64 : i32
        %mul3A_175 = arith.muli %add3A_162, %mul3A_174 : i32
        %add3A_176 = arith.addi %mul3A_2, %mul3A_175 : i32
        %dma_start3A_177 = arith.constant 0 : i32
        %dma_start3A_178 = tpu.memref_slice %arg3[%add3A_176, %dma_start3A_177] : memref<160000x128xf32, #tpu.memory_space<hbm>> -> memref<64x128xf32, #tpu.memory_space<hbm>>
        %dma_start3A_179 = arith.constant 0 : i32
        %dma_start3A_180 = tpu.memref_slice %arg3[%add3A_176, %dma_start3A_179] : memref<160000x128xf32, #tpu.memory_space<hbm>> -> memref<64x128xf32, #tpu.memory_space<hbm>>
        tpu.enqueue_dma source(%dma_start3A_180 : memref<64x128xf32, #tpu.memory_space<hbm>>) target(%arg14 : memref<64x128xf32, #tpu.memory_space<vmem>>) target_semaphore(%arg20 : memref<!tpu.dma_semaphore, #tpu.memory_space<semaphore_mem>>)
      } else {
      }
    }
    %scan3A_47 = arith.constant 39 : i32
    %add3A_48 = arith.constant 4992 : i32
    %add3A_49 = arith.addi %add3A_4, %add3A_48 : i32
    "tpu.region"() ({
      %run_scoped3A = tpu.sem_alloc : memref<!tpu.dma_semaphore, #tpu.memory_space<semaphore_mem>>
      %dma_start3A_95 = tpu.memref_slice %arg5[%add3A_49] : memref<320000xi32, #tpu.memory_space<hbm>> -> memref<8xi32, #tpu.memory_space<hbm>>
      %dma_start3A_96 = tpu.memref_slice %arg5[%add3A_49] : memref<320000xi32, #tpu.memory_space<hbm>> -> memref<8xi32, #tpu.memory_space<hbm>>
      tpu.enqueue_dma source(%dma_start3A_96 : memref<8xi32, #tpu.memory_space<hbm>>) target(%arg10 : memref<8xi32, #tpu.memory_space<vmem>>) target_semaphore(%run_scoped3A : memref<!tpu.dma_semaphore, #tpu.memory_space<semaphore_mem>>)
      %dma_wait3A_97 = tpu.memref_slice %arg5[%add3A_49] : memref<320000xi32, #tpu.memory_space<hbm>> -> memref<8xi32, #tpu.memory_space<hbm>>
      %dma_wait3A_98 = tpu.memref_slice %arg5[%add3A_49] : memref<320000xi32, #tpu.memory_space<hbm>> -> memref<8xi32, #tpu.memory_space<hbm>>
      tpu.wait_dma2 semaphore(%run_scoped3A : memref<!tpu.dma_semaphore, #tpu.memory_space<semaphore_mem>>) src(%dma_wait3A_98 : memref<8xi32, #tpu.memory_space<hbm>>) dst(%arg10 : memref<8xi32, #tpu.memory_space<vmem>>)
      tpu.yield
    }) : () -> ()
    %dma_start3A_50 = arith.constant 0 : i32
    %dma_start3A_51 = arith.constant 0 : i32
    %dma_start3A_52 = tpu.memref_slice %arg11[%dma_start3A_50, %dma_start3A_51] : memref<64x128xf32, #tpu.memory_space<vmem>> -> memref<8x128xf32, #tpu.memory_space<vmem>>
    %dma_start3A_53 = arith.constant 4992 : i32
    %dma_start3A_54 = tpu.memref_slice %arg7[%dma_start3A_53] : memref<5000xi32, #tpu.memory_space<vmem>> -> memref<8xi32, #tpu.memory_space<vmem>>
    %dma_start3A_55 = arith.constant 0 : i32
    %dma_start3A_56 = arith.constant 0 : i32
    %dma_start3A_57 = tpu.memref_slice %arg2[%dma_start3A_55, %dma_start3A_56] : memref<10000x128xf32, #tpu.memory_space<hbm>> -> memref<10000x128xf32, #tpu.memory_space<hbm>>
    tpu.enqueue_indirect_dma source(%dma_start3A_57 : memref<10000x128xf32, #tpu.memory_space<hbm>>) target(%dma_start3A_52 : memref<8x128xf32, #tpu.memory_space<vmem>>) offsets(%dma_start3A_54 : memref<8xi32, #tpu.memory_space<vmem>>) semaphore(%arg17 : memref<!tpu.dma_semaphore, #tpu.memory_space<semaphore_mem>>)
    %dma_wait3A = arith.constant 0 : i32
    %dma_wait3A_58 = arith.constant 0 : i32
    %dma_wait3A_59 = tpu.memref_slice %arg11[%dma_wait3A, %dma_wait3A_58] : memref<64x128xf32, #tpu.memory_space<vmem>> -> memref<8x128xf32, #tpu.memory_space<vmem>>
    %dma_wait3A_60 = arith.constant 4992 : i32
    %dma_wait3A_61 = tpu.memref_slice %arg7[%dma_wait3A_60] : memref<5000xi32, #tpu.memory_space<vmem>> -> memref<8xi32, #tpu.memory_space<vmem>>
    %dma_wait3A_62 = arith.constant 0 : i32
    %dma_wait3A_63 = arith.constant 0 : i32
    %dma_wait3A_64 = tpu.memref_slice %arg2[%dma_wait3A_62, %dma_wait3A_63] : memref<10000x128xf32, #tpu.memory_space<hbm>> -> memref<10000x128xf32, #tpu.memory_space<hbm>>
    tpu.wait_indirect_dma semaphore(%arg17 : memref<!tpu.dma_semaphore, #tpu.memory_space<semaphore_mem>>) src(%dma_wait3A_64 : memref<10000x128xf32, #tpu.memory_space<hbm>>) dst(%dma_wait3A_59 : memref<8x128xf32, #tpu.memory_space<vmem>>)
    %add3A_65 = arith.constant 4992 : i32
    %add3A_66 = arith.addi %mul3A_2, %add3A_65 : i32
    %dma_start3A_67 = arith.constant 0 : i32
    %dma_start3A_68 = arith.constant 0 : i32
    %dma_start3A_69 = tpu.memref_slice %arg13[%dma_start3A_67, %dma_start3A_68] : memref<64x128xf32, #tpu.memory_space<vmem>> -> memref<8x128xf32, #tpu.memory_space<vmem>>
    %dma_start3A_70 = arith.constant 0 : i32
    %dma_start3A_71 = tpu.memref_slice %arg3[%add3A_66, %dma_start3A_70] : memref<160000x128xf32, #tpu.memory_space<hbm>> -> memref<8x128xf32, #tpu.memory_space<hbm>>
    %dma_start3A_72 = arith.constant 0 : i32
    %dma_start3A_73 = arith.constant 0 : i32
    %dma_start3A_74 = tpu.memref_slice %arg13[%dma_start3A_72, %dma_start3A_73] : memref<64x128xf32, #tpu.memory_space<vmem>> -> memref<8x128xf32, #tpu.memory_space<vmem>>
    %dma_start3A_75 = arith.constant 0 : i32
    %dma_start3A_76 = tpu.memref_slice %arg3[%add3A_66, %dma_start3A_75] : memref<160000x128xf32, #tpu.memory_space<hbm>> -> memref<8x128xf32, #tpu.memory_space<hbm>>
    tpu.enqueue_dma source(%dma_start3A_76 : memref<8x128xf32, #tpu.memory_space<hbm>>) target(%dma_start3A_74 : memref<8x128xf32, #tpu.memory_space<vmem>>) target_semaphore(%arg19 : memref<!tpu.dma_semaphore, #tpu.memory_space<semaphore_mem>>)
    %dma_wait3A_77 = arith.constant 0 : i32
    %dma_wait3A_78 = arith.constant 0 : i32
    %dma_wait3A_79 = tpu.memref_slice %arg13[%dma_wait3A_77, %dma_wait3A_78] : memref<64x128xf32, #tpu.memory_space<vmem>> -> memref<8x128xf32, #tpu.memory_space<vmem>>
    %dma_wait3A_80 = arith.constant 0 : i32
    %dma_wait3A_81 = tpu.memref_slice %arg3[%add3A_66, %dma_wait3A_80] : memref<160000x128xf32, #tpu.memory_space<hbm>> -> memref<8x128xf32, #tpu.memory_space<hbm>>
    %dma_wait3A_82 = arith.constant 0 : i32
    %dma_wait3A_83 = arith.constant 0 : i32
    %dma_wait3A_84 = tpu.memref_slice %arg13[%dma_wait3A_82, %dma_wait3A_83] : memref<64x128xf32, #tpu.memory_space<vmem>> -> memref<8x128xf32, #tpu.memory_space<vmem>>
    %dma_wait3A_85 = arith.constant 0 : i32
    %dma_wait3A_86 = tpu.memref_slice %arg3[%add3A_66, %dma_wait3A_85] : memref<160000x128xf32, #tpu.memory_space<hbm>> -> memref<8x128xf32, #tpu.memory_space<hbm>>
    tpu.wait_dma2 semaphore(%arg19 : memref<!tpu.dma_semaphore, #tpu.memory_space<semaphore_mem>>) src(%dma_wait3A_86 : memref<8x128xf32, #tpu.memory_space<hbm>>) dst(%dma_wait3A_84 : memref<8x128xf32, #tpu.memory_space<vmem>>)
    %parallel_loop3A = arith.constant 0 : i32
    %parallel_loop3A_87 = arith.constant 8 : i32
    %parallel_loop3A_88 = arith.constant 1 : i32
    scf.for %parallel_loop3A_95 = %parallel_loop3A to %parallel_loop3A_87 step %parallel_loop3A_88  : i32 {
      %parallel_loop3A_96 = arith.index_cast %parallel_loop3A_95 : i32 to index
      %parallel_loop3A_97 = arith.constant 0 : index
      %parallel_loop3A_98 = tpu.vector_load %arg11[%parallel_loop3A_96, %parallel_loop3A_97] {strides = array<i32>} : memref<64x128xf32, #tpu.memory_space<vmem>>, vector<16xf32>,
      %parallel_loop3A_99 = arith.index_cast %parallel_loop3A_95 : i32 to index
      %parallel_loop3A_100 = arith.constant 0 : index
      %parallel_loop3A_101 = tpu.vector_load %arg13[%parallel_loop3A_99, %parallel_loop3A_100] {strides = array<i32>} : memref<64x128xf32, #tpu.memory_space<vmem>>, vector<16xf32>,
      %parallel_loop3A_102 = arith.mulf %parallel_loop3A_98, %parallel_loop3A_101 : vector<16xf32>
      %parallel_loop3A_103 = arith.index_cast %parallel_loop3A_95 : i32 to index
      %parallel_loop3A_104 = arith.constant 0 : index
      %parallel_loop3A_105 = tpu.vector_load %arg11[%parallel_loop3A_103, %parallel_loop3A_104] {strides = array<i32>} : memref<64x128xf32, #tpu.memory_space<vmem>>, vector<16xf32>,
      tpu.vector_store %arg11[%parallel_loop3A_103, %parallel_loop3A_104], %parallel_loop3A_102 {strides = array<i32>} : memref<64x128xf32, #tpu.memory_space<vmem>>, vector<16xf32>,
      %parallel_loop3A_106 = arith.index_cast %parallel_loop3A_95 : i32 to index
      %parallel_loop3A_107 = arith.constant 16 : index
      %parallel_loop3A_108 = tpu.vector_load %arg11[%parallel_loop3A_106, %parallel_loop3A_107] {strides = array<i32>} : memref<64x128xf32, #tpu.memory_space<vmem>>, vector<16xf32>,
      %parallel_loop3A_109 = arith.index_cast %parallel_loop3A_95 : i32 to index
      %parallel_loop3A_110 = arith.constant 16 : index
      %parallel_loop3A_111 = tpu.vector_load %arg13[%parallel_loop3A_109, %parallel_loop3A_110] {strides = array<i32>} : memref<64x128xf32, #tpu.memory_space<vmem>>, vector<16xf32>,
      %parallel_loop3A_112 = arith.mulf %parallel_loop3A_108, %parallel_loop3A_111 : vector<16xf32>
      %parallel_loop3A_113 = arith.index_cast %parallel_loop3A_95 : i32 to index
      %parallel_loop3A_114 = arith.constant 16 : index
      %parallel_loop3A_115 = tpu.vector_load %arg11[%parallel_loop3A_113, %parallel_loop3A_114] {strides = array<i32>} : memref<64x128xf32, #tpu.memory_space<vmem>>, vector<16xf32>,
      tpu.vector_store %arg11[%parallel_loop3A_113, %parallel_loop3A_114], %parallel_loop3A_112 {strides = array<i32>} : memref<64x128xf32, #tpu.memory_space<vmem>>, vector<16xf32>,
      %parallel_loop3A_116 = arith.index_cast %parallel_loop3A_95 : i32 to index
      %parallel_loop3A_117 = arith.constant 32 : index
      %parallel_loop3A_118 = tpu.vector_load %arg11[%parallel_loop3A_116, %parallel_loop3A_117] {strides = array<i32>} : memref<64x128xf32, #tpu.memory_space<vmem>>, vector<16xf32>,
      %parallel_loop3A_119 = arith.index_cast %parallel_loop3A_95 : i32 to index
      %parallel_loop3A_120 = arith.constant 32 : index
      %parallel_loop3A_121 = tpu.vector_load %arg13[%parallel_loop3A_119, %parallel_loop3A_120] {strides = array<i32>} : memref<64x128xf32, #tpu.memory_space<vmem>>, vector<16xf32>,
      %parallel_loop3A_122 = arith.mulf %parallel_loop3A_118, %parallel_loop3A_121 : vector<16xf32>
      %parallel_loop3A_123 = arith.index_cast %parallel_loop3A_95 : i32 to index
      %parallel_loop3A_124 = arith.constant 32 : index
      %parallel_loop3A_125 = tpu.vector_load %arg11[%parallel_loop3A_123, %parallel_loop3A_124] {strides = array<i32>} : memref<64x128xf32, #tpu.memory_space<vmem>>, vector<16xf32>,
      tpu.vector_store %arg11[%parallel_loop3A_123, %parallel_loop3A_124], %parallel_loop3A_122 {strides = array<i32>} : memref<64x128xf32, #tpu.memory_space<vmem>>, vector<16xf32>,
      %parallel_loop3A_126 = arith.index_cast %parallel_loop3A_95 : i32 to index
      %parallel_loop3A_127 = arith.constant 48 : index
      %parallel_loop3A_128 = tpu.vector_load %arg11[%parallel_loop3A_126, %parallel_loop3A_127] {strides = array<i32>} : memref<64x128xf32, #tpu.memory_space<vmem>>, vector<16xf32>,
      %parallel_loop3A_129 = arith.index_cast %parallel_loop3A_95 : i32 to index
      %parallel_loop3A_130 = arith.constant 48 : index
      %parallel_loop3A_131 = tpu.vector_load %arg13[%parallel_loop3A_129, %parallel_loop3A_130] {strides = array<i32>} : memref<64x128xf32, #tpu.memory_space<vmem>>, vector<16xf32>,
      %parallel_loop3A_132 = arith.mulf %parallel_loop3A_128, %parallel_loop3A_131 : vector<16xf32>
      %parallel_loop3A_133 = arith.index_cast %parallel_loop3A_95 : i32 to index
      %parallel_loop3A_134 = arith.constant 48 : index
      %parallel_loop3A_135 = tpu.vector_load %arg11[%parallel_loop3A_133, %parallel_loop3A_134] {strides = array<i32>} : memref<64x128xf32, #tpu.memory_space<vmem>>, vector<16xf32>,
      tpu.vector_store %arg11[%parallel_loop3A_133, %parallel_loop3A_134], %parallel_loop3A_132 {strides = array<i32>} : memref<64x128xf32, #tpu.memory_space<vmem>>, vector<16xf32>,
      %parallel_loop3A_136 = arith.index_cast %parallel_loop3A_95 : i32 to index
      %parallel_loop3A_137 = arith.constant 64 : index
      %parallel_loop3A_138 = tpu.vector_load %arg11[%parallel_loop3A_136, %parallel_loop3A_137] {strides = array<i32>} : memref<64x128xf32, #tpu.memory_space<vmem>>, vector<16xf32>,
      %parallel_loop3A_139 = arith.index_cast %parallel_loop3A_95 : i32 to index
      %parallel_loop3A_140 = arith.constant 64 : index
      %parallel_loop3A_141 = tpu.vector_load %arg13[%parallel_loop3A_139, %parallel_loop3A_140] {strides = array<i32>} : memref<64x128xf32, #tpu.memory_space<vmem>>, vector<16xf32>,
      %parallel_loop3A_142 = arith.mulf %parallel_loop3A_138, %parallel_loop3A_141 : vector<16xf32>
      %parallel_loop3A_143 = arith.index_cast %parallel_loop3A_95 : i32 to index
      %parallel_loop3A_144 = arith.constant 64 : index
      %parallel_loop3A_145 = tpu.vector_load %arg11[%parallel_loop3A_143, %parallel_loop3A_144] {strides = array<i32>} : memref<64x128xf32, #tpu.memory_space<vmem>>, vector<16xf32>,
      tpu.vector_store %arg11[%parallel_loop3A_143, %parallel_loop3A_144], %parallel_loop3A_142 {strides = array<i32>} : memref<64x128xf32, #tpu.memory_space<vmem>>, vector<16xf32>,
      %parallel_loop3A_146 = arith.index_cast %parallel_loop3A_95 : i32 to index
      %parallel_loop3A_147 = arith.constant 80 : index
      %parallel_loop3A_148 = tpu.vector_load %arg11[%parallel_loop3A_146, %parallel_loop3A_147] {strides = array<i32>} : memref<64x128xf32, #tpu.memory_space<vmem>>, vector<16xf32>,
      %parallel_loop3A_149 = arith.index_cast %parallel_loop3A_95 : i32 to index
      %parallel_loop3A_150 = arith.constant 80 : index
      %parallel_loop3A_151 = tpu.vector_load %arg13[%parallel_loop3A_149, %parallel_loop3A_150] {strides = array<i32>} : memref<64x128xf32, #tpu.memory_space<vmem>>, vector<16xf32>,
      %parallel_loop3A_152 = arith.mulf %parallel_loop3A_148, %parallel_loop3A_151 : vector<16xf32>
      %parallel_loop3A_153 = arith.index_cast %parallel_loop3A_95 : i32 to index
      %parallel_loop3A_154 = arith.constant 80 : index
      %parallel_loop3A_155 = tpu.vector_load %arg11[%parallel_loop3A_153, %parallel_loop3A_154] {strides = array<i32>} : memref<64x128xf32, #tpu.memory_space<vmem>>, vector<16xf32>,
      tpu.vector_store %arg11[%parallel_loop3A_153, %parallel_loop3A_154], %parallel_loop3A_152 {strides = array<i32>} : memref<64x128xf32, #tpu.memory_space<vmem>>, vector<16xf32>,
      %parallel_loop3A_156 = arith.index_cast %parallel_loop3A_95 : i32 to index
      %parallel_loop3A_157 = arith.constant 96 : index
      %parallel_loop3A_158 = tpu.vector_load %arg11[%parallel_loop3A_156, %parallel_loop3A_157] {strides = array<i32>} : memref<64x128xf32, #tpu.memory_space<vmem>>, vector<16xf32>,
      %parallel_loop3A_159 = arith.index_cast %parallel_loop3A_95 : i32 to index
      %parallel_loop3A_160 = arith.constant 96 : index
      %parallel_loop3A_161 = tpu.vector_load %arg13[%parallel_loop3A_159, %parallel_loop3A_160] {strides = array<i32>} : memref<64x128xf32, #tpu.memory_space<vmem>>, vector<16xf32>,
      %parallel_loop3A_162 = arith.mulf %parallel_loop3A_158, %parallel_loop3A_161 : vector<16xf32>
      %parallel_loop3A_163 = arith.index_cast %parallel_loop3A_95 : i32 to index
      %parallel_loop3A_164 = arith.constant 96 : index
      %parallel_loop3A_165 = tpu.vector_load %arg11[%parallel_loop3A_163, %parallel_loop3A_164] {strides = array<i32>} : memref<64x128xf32, #tpu.memory_space<vmem>>, vector<16xf32>,
      tpu.vector_store %arg11[%parallel_loop3A_163, %parallel_loop3A_164], %parallel_loop3A_162 {strides = array<i32>} : memref<64x128xf32, #tpu.memory_space<vmem>>, vector<16xf32>,
      %parallel_loop3A_166 = arith.index_cast %parallel_loop3A_95 : i32 to index
      %parallel_loop3A_167 = arith.constant 112 : index
      %parallel_loop3A_168 = tpu.vector_load %arg11[%parallel_loop3A_166, %parallel_loop3A_167] {strides = array<i32>} : memref<64x128xf32, #tpu.memory_space<vmem>>, vector<16xf32>,
      %parallel_loop3A_169 = arith.index_cast %parallel_loop3A_95 : i32 to index
      %parallel_loop3A_170 = arith.constant 112 : index
      %parallel_loop3A_171 = tpu.vector_load %arg13[%parallel_loop3A_169, %parallel_loop3A_170] {strides = array<i32>} : memref<64x128xf32, #tpu.memory_space<vmem>>, vector<16xf32>,
      %parallel_loop3A_172 = arith.mulf %parallel_loop3A_168, %parallel_loop3A_171 : vector<16xf32>
      %parallel_loop3A_173 = arith.index_cast %parallel_loop3A_95 : i32 to index
      %parallel_loop3A_174 = arith.constant 112 : index
      %parallel_loop3A_175 = tpu.vector_load %arg11[%parallel_loop3A_173, %parallel_loop3A_174] {strides = array<i32>} : memref<64x128xf32, #tpu.memory_space<vmem>>, vector<16xf32>,
      tpu.vector_store %arg11[%parallel_loop3A_173, %parallel_loop3A_174], %parallel_loop3A_172 {strides = array<i32>} : memref<64x128xf32, #tpu.memory_space<vmem>>, vector<16xf32>,
    } {sc.loop_unroll_factor = 1 : i64, sc.parallel_access}
    "tpu.region"() ({
      %run_scoped3A = tpu.sem_alloc : memref<!tpu.dma_semaphore, #tpu.memory_space<semaphore_mem>>
      %dma_start3A_95 = arith.constant 0 : i32
      %dma_start3A_96 = arith.constant 0 : i32
      %dma_start3A_97 = tpu.memref_slice %arg11[%dma_start3A_95, %dma_start3A_96] : memref<64x128xf32, #tpu.memory_space<vmem>> -> memref<8x128xf32, #tpu.memory_space<vmem>>
      %dma_start3A_98 = arith.constant 0 : i32
      %dma_start3A_99 = arith.constant 0 : i32
      %dma_start3A_100 = tpu.memref_slice %arg16[%dma_start3A_98, %dma_start3A_99] : memref<10000x128xf32, #tpu.memory_space<vmem_shared>> -> memref<10000x128xf32, #tpu.memory_space<vmem_shared>>
      tpu.enqueue_indirect_dma source(%dma_start3A_97 : memref<8x128xf32, #tpu.memory_space<vmem>>) target(%dma_start3A_100 : memref<10000x128xf32, #tpu.memory_space<vmem_shared>>) offsets(%arg10 : memref<8xi32, #tpu.memory_space<vmem>>) semaphore(%run_scoped3A : memref<!tpu.dma_semaphore, #tpu.memory_space<semaphore_mem>>) {add = true}
      %dma_wait3A_101 = arith.constant 0 : i32
      %dma_wait3A_102 = arith.constant 0 : i32
      %dma_wait3A_103 = tpu.memref_slice %arg11[%dma_wait3A_101, %dma_wait3A_102] : memref<64x128xf32, #tpu.memory_space<vmem>> -> memref<8x128xf32, #tpu.memory_space<vmem>>
      %dma_wait3A_104 = arith.constant 0 : i32
      %dma_wait3A_105 = arith.constant 0 : i32
      %dma_wait3A_106 = tpu.memref_slice %arg16[%dma_wait3A_104, %dma_wait3A_105] : memref<10000x128xf32, #tpu.memory_space<vmem_shared>> -> memref<10000x128xf32, #tpu.memory_space<vmem_shared>>
      tpu.wait_indirect_dma semaphore(%run_scoped3A : memref<!tpu.dma_semaphore, #tpu.memory_space<semaphore_mem>>) src(%dma_wait3A_103 : memref<8x128xf32, #tpu.memory_space<vmem>>) dst(%dma_wait3A_106 : memref<10000x128xf32, #tpu.memory_space<vmem_shared>>)
      tpu.yield
    }) : () -> ()
    %barrier3A_89 = arith.constant 0 : index
    tpu.barrier barrier_id(%barrier3A_89)
    %scan3A_90 = arith.constant 0 : i32
    %scan3A_91 = arith.constant 16 : i32
    %scan3A_92 = arith.addi %scan3A_90, %scan3A_91 : i32
    %scan3A_93 = arith.constant 1 : i32
    scf.for %scan3A_95 = %scan3A_90 to %scan3A_92 step %scan3A_93  : i32 {
      %mul3A_96 = arith.constant 1 : i32
      %mul3A_97 = arith.muli %scan3A_95, %mul3A_96 : i32
      %add3A_98 = arith.constant 0 : i32
      %add3A_99 = arith.addi %add3A_98, %mul3A_97 : i32
      %mul3A_100 = arith.constant 16 : i32
      %mul3A_101 = arith.muli %mul3A_100, %add3A_99 : i32
      %add3A_102 = arith.addi %arg1, %mul3A_101 : i32
      %lt3A = arith.constant 250 : i32
      %lt3A_103 = arith.cmpi slt, %add3A_102, %lt3A : i32
      %convert_element_type3A = arith.extui %lt3A_103 : i1 to i32
      %cond3A = arith.constant 0 : i32
      %cond3A_104 = arith.cmpi ne, %convert_element_type3A, %cond3A : i32
      scf.if %cond3A_104 {
        %mul3A_105 = arith.constant 40 : i32
        %mul3A_106 = arith.muli %add3A_102, %mul3A_105 : i32
        %mul3A_107 = arith.constant 10000 : i32
        %mul3A_108 = arith.muli %arg0, %mul3A_107 : i32
        %mul3A_109 = arith.constant 40 : i32
        %mul3A_110 = arith.muli %add3A_102, %mul3A_109 : i32
        %add3A_111 = arith.addi %mul3A_108, %mul3A_110 : i32
        "tpu.region"() ({
          %run_scoped3A = tpu.sem_alloc : memref<!tpu.dma_semaphore, #tpu.memory_space<semaphore_mem>>
          %dma_start3A_112 = arith.constant 0 : i32
          %dma_start3A_113 = tpu.memref_slice %arg6[%add3A_111, %dma_start3A_112] : memref<20000x128xf32, #tpu.memory_space<hbm>> -> memref<40x128xf32, #tpu.memory_space<hbm>>
          %dma_start3A_114 = arith.constant 0 : i32
          %dma_start3A_115 = tpu.memref_slice %arg16[%mul3A_106, %dma_start3A_114] : memref<10000x128xf32, #tpu.memory_space<vmem_shared>> -> memref<40x128xf32, #tpu.memory_space<vmem_shared>>
          tpu.enqueue_dma source(%dma_start3A_115 : memref<40x128xf32, #tpu.memory_space<vmem_shared>>) target(%dma_start3A_113 : memref<40x128xf32, #tpu.memory_space<hbm>>) target_semaphore(%run_scoped3A : memref<!tpu.dma_semaphore, #tpu.memory_space<semaphore_mem>>)
          %dma_wait3A_116 = arith.constant 0 : i32
          %dma_wait3A_117 = tpu.memref_slice %arg6[%add3A_111, %dma_wait3A_116] : memref<20000x128xf32, #tpu.memory_space<hbm>> -> memref<40x128xf32, #tpu.memory_space<hbm>>
          %dma_wait3A_118 = arith.constant 0 : i32
          %dma_wait3A_119 = tpu.memref_slice %arg16[%mul3A_106, %dma_wait3A_118] : memref<10000x128xf32, #tpu.memory_space<vmem_shared>> -> memref<40x128xf32, #tpu.memory_space<vmem_shared>>
          tpu.wait_dma2 semaphore(%run_scoped3A : memref<!tpu.dma_semaphore, #tpu.memory_space<semaphore_mem>>) src(%dma_wait3A_119 : memref<40x128xf32, #tpu.memory_space<vmem_shared>>) dst(%dma_wait3A_117 : memref<40x128xf32, #tpu.memory_space<hbm>>)
          tpu.yield
        }) : () -> ()
      } else {
      }
    }
    %scan3A_94 = arith.constant 16 : i32
    return
  }
}

module attributes {stable_mosaic.version = 14 : i64} {
  func.func @_node_mm_body(%arg0: i32, %arg1: memref<2000x128xf32, #tpu.memory_space<vmem>>, %arg2: memref<128x128xbf16, #tpu.memory_space<vmem>>, %arg3: memref<2000x128xf32, #tpu.memory_space<vmem>>) attributes {dimension_semantics = [#tpu.dimension_semantics<parallel>], iteration_bounds = array<i64: 5>, scalar_prefetch = 0 : i64, scratch_operands = 0 : i64, tpu.core_type = #tpu.core_type<tc>, window_params = [{transform_indices = @transform_0, window_bounds = array<i64: 2000, 128>}, {pipeline_mode = #tpu.pipeline_mode<synchronous>, transform_indices = @transform_1, window_bounds = array<i64: 128, 128>}, {transform_indices = @transform_2, window_bounds = array<i64: 2000, 128>}]} {
    %get3A = arith.constant 0 : index
    %get3A_0 = arith.constant 0 : index
    %get3A_1 = vector.load %arg1[%get3A, %get3A_0] : memref<2000x128xf32, #tpu.memory_space<vmem>>, vector<2000x128xf32>
    %convert_element_type3A = arith.truncf %get3A_1 : vector<2000x128xf32> to vector<2000x128xbf16>
    %get3A_2 = arith.constant 0 : index
    %get3A_3 = arith.constant 0 : index
    %get3A_4 = vector.load %arg2[%get3A_2, %get3A_3] : memref<128x128xbf16, #tpu.memory_space<vmem>>, vector<128x128xbf16>
    %dot_general3A = arith.constant dense<0.000000e+00> : vector<2000x128xf32>
    %dot_general3A_5 = tpu.matmul %convert_element_type3A, %get3A_4, %dot_general3A {dimension_numbers = #tpu.dot_dimension_numbers<[1], [0], [0], [1], [0, 0, 1, 1], [], []>, transpose_lhs_hint = false} : vector<2000x128xbf16>, vector<128x128xbf16>, vector<2000x128xf32> -> vector<2000x128xf32>
    %swap3A = arith.constant 0 : index
    %swap3A_6 = arith.constant 0 : index
    %swap3A_7 = vector.load %arg3[%swap3A, %swap3A_6] : memref<2000x128xf32, #tpu.memory_space<vmem>>, vector<2000x128xf32>
    tpu.vector_store %arg3[%swap3A, %swap3A_6], %dot_general3A_5 {strides = array<i32>} : memref<2000x128xf32, #tpu.memory_space<vmem>>, vector<2000x128xf32>,
    return
  }
  func.func @transform_0(%arg0: i32) -> (i32, i32) {
    %c0_i32 = arith.constant 0 : i32
    %c0_i32_0 = arith.constant 0 : i32
    return %arg0, %c0_i32 : i32, i32
  }
  func.func @transform_1(%arg0: i32) -> (i32, i32) {
    %c0_i32 = arith.constant 0 : i32
    %c0_i32_0 = arith.constant 0 : i32
    %c0_i32_1 = arith.constant 0 : i32
    return %c0_i32, %c0_i32_0 : i32, i32
  }
  func.func @transform_2(%arg0: i32) -> (i32, i32) {
    %c0_i32 = arith.constant 0 : i32
    %c0_i32_0 = arith.constant 0 : i32
    return %arg0, %c0_i32 : i32, i32
  }
}

module attributes {stable_mosaic.version = 14 : i64} {
  func.func @_edge_mlp_body(%arg0: i32, %arg1: memref<2000x64xbf16, #tpu.memory_space<vmem>>, %arg2: memref<64x128xbf16, #tpu.memory_space<vmem>>, %arg3: memref<1x128xf32, #tpu.memory_space<vmem>>, %arg4: memref<128x128xbf16, #tpu.memory_space<vmem>>, %arg5: memref<1x128xf32, #tpu.memory_space<vmem>>, %arg6: memref<2000x128xf32, #tpu.memory_space<vmem>>) attributes {dimension_semantics = [#tpu.dimension_semantics<parallel>], iteration_bounds = array<i64: 80>, scalar_prefetch = 0 : i64, scratch_operands = 0 : i64, tpu.core_type = #tpu.core_type<tc>, window_params = [{transform_indices = @transform_0, window_bounds = array<i64: 2000, 64>}, {pipeline_mode = #tpu.pipeline_mode<synchronous>, transform_indices = @transform_1, window_bounds = array<i64: 64, 128>}, {pipeline_mode = #tpu.pipeline_mode<synchronous>, transform_indices = @transform_2, window_bounds = array<i64: 1, 128>}, {pipeline_mode = #tpu.pipeline_mode<synchronous>, transform_indices = @transform_3, window_bounds = array<i64: 128, 128>}, {pipeline_mode = #tpu.pipeline_mode<synchronous>, transform_indices = @transform_4, window_bounds = array<i64: 1, 128>}, {transform_indices = @transform_5, window_bounds = array<i64: 2000, 128>}]} {
    %get3A = arith.constant 0 : index
    %get3A_0 = arith.constant 0 : index
    %get3A_1 = vector.load %arg1[%get3A, %get3A_0] : memref<2000x64xbf16, #tpu.memory_space<vmem>>, vector<2000x64xbf16>
    %get3A_2 = arith.constant 0 : index
    %get3A_3 = arith.constant 0 : index
    %get3A_4 = vector.load %arg2[%get3A_2, %get3A_3] : memref<64x128xbf16, #tpu.memory_space<vmem>>, vector<64x128xbf16>
    %dot_general3A = arith.constant dense<0.000000e+00> : vector<2000x128xf32>
    %dot_general3A_5 = tpu.matmul %get3A_1, %get3A_4, %dot_general3A {dimension_numbers = #tpu.dot_dimension_numbers<[1], [0], [0], [1], [0, 0, 1, 1], [], []>, transpose_lhs_hint = false} : vector<2000x64xbf16>, vector<64x128xbf16>, vector<2000x128xf32> -> vector<2000x128xf32>
    %get3A_6 = arith.constant 0 : index
    %get3A_7 = arith.constant 0 : index
    %get3A_8 = vector.load %arg3[%get3A_6, %get3A_7] : memref<1x128xf32, #tpu.memory_space<vmem>>, vector<1x128xf32>
    %add3A = vector.broadcast %get3A_8 : vector<1x128xf32> to vector<2000x128xf32>
    %add3A_9 = arith.addf %dot_general3A_5, %add3A : vector<2000x128xf32>
    %max3A = arith.constant 0.000000e+00 : f32
    %max3A_10 = vector.broadcast %max3A : f32 to vector<2000x128xf32>
    %max3A_11 = arith.maximumf %add3A_9, %max3A_10 : vector<2000x128xf32>
    %abs3A = math.absf %add3A_9 : vector<2000x128xf32>
    %neg3A = arith.constant 0.000000e+00 : f32
    %neg3A_12 = vector.broadcast %neg3A : f32 to vector<2000x128xf32>
    %neg3A_13 = arith.subf %neg3A_12, %abs3A : vector<2000x128xf32>
    %exp3A = math.exp %neg3A_13 : vector<2000x128xf32>
    %add3A_14 = arith.constant 1.000000e+00 : f32
    %add3A_15 = vector.broadcast %add3A_14 : f32 to vector<2000x128xf32>
    %add3A_16 = arith.addf %add3A_15, %exp3A : vector<2000x128xf32>
    %log3A = math.log %add3A_16 : vector<2000x128xf32>
    %add3A_17 = arith.addf %max3A_11, %log3A : vector<2000x128xf32>
    %convert_element_type3A = arith.truncf %add3A_17 : vector<2000x128xf32> to vector<2000x128xbf16>
    %get3A_18 = arith.constant 0 : index
    %get3A_19 = arith.constant 0 : index
    %get3A_20 = vector.load %arg4[%get3A_18, %get3A_19] : memref<128x128xbf16, #tpu.memory_space<vmem>>, vector<128x128xbf16>
    %dot_general3A_21 = arith.constant dense<0.000000e+00> : vector<2000x128xf32>
    %dot_general3A_22 = tpu.matmul %convert_element_type3A, %get3A_20, %dot_general3A_21 {dimension_numbers = #tpu.dot_dimension_numbers<[1], [0], [0], [1], [0, 0, 1, 1], [], []>, transpose_lhs_hint = false} : vector<2000x128xbf16>, vector<128x128xbf16>, vector<2000x128xf32> -> vector<2000x128xf32>
    %get3A_23 = arith.constant 0 : index
    %get3A_24 = arith.constant 0 : index
    %get3A_25 = vector.load %arg5[%get3A_23, %get3A_24] : memref<1x128xf32, #tpu.memory_space<vmem>>, vector<1x128xf32>
    %add3A_26 = vector.broadcast %get3A_25 : vector<1x128xf32> to vector<2000x128xf32>
    %add3A_27 = arith.addf %dot_general3A_22, %add3A_26 : vector<2000x128xf32>
    %swap3A = arith.constant 0 : index
    %swap3A_28 = arith.constant 0 : index
    %swap3A_29 = vector.load %arg6[%swap3A, %swap3A_28] : memref<2000x128xf32, #tpu.memory_space<vmem>>, vector<2000x128xf32>
    tpu.vector_store %arg6[%swap3A, %swap3A_28], %add3A_27 {strides = array<i32>} : memref<2000x128xf32, #tpu.memory_space<vmem>>, vector<2000x128xf32>,
    return
  }
  func.func @transform_0(%arg0: i32) -> (i32, i32) {
    %add3A = arith.constant 0 : i32
    %add3A_0 = arith.addi %arg0, %add3A : i32
    %c0_i32 = arith.constant 0 : i32
    %c0_i32_1 = arith.constant 0 : i32
    return %add3A_0, %c0_i32 : i32, i32
  }
  func.func @transform_1(%arg0: i32) -> (i32, i32) {
    %c0_i32 = arith.constant 0 : i32
    %c0_i32_0 = arith.constant 0 : i32
    %c0_i32_1 = arith.constant 0 : i32
    return %c0_i32, %c0_i32_0 : i32, i32
  }
  func.func @transform_2(%arg0: i32) -> (i32, i32) {
    %c0_i32 = arith.constant 0 : i32
    %c0_i32_0 = arith.constant 0 : i32
    %c0_i32_1 = arith.constant 0 : i32
    return %c0_i32, %c0_i32_0 : i32, i32
  }
  func.func @transform_3(%arg0: i32) -> (i32, i32) {
    %c0_i32 = arith.constant 0 : i32
    %c0_i32_0 = arith.constant 0 : i32
    %c0_i32_1 = arith.constant 0 : i32
    return %c0_i32, %c0_i32_0 : i32, i32
  }
  func.func @transform_4(%arg0: i32) -> (i32, i32) {
    %c0_i32 = arith.constant 0 : i32
    %c0_i32_0 = arith.constant 0 : i32
    %c0_i32_1 = arith.constant 0 : i32
    return %c0_i32, %c0_i32_0 : i32, i32
  }
  func.func @transform_5(%arg0: i32) -> (i32, i32) {
    %c0_i32 = arith.constant 0 : i32
    %c0_i32_0 = arith.constant 0 : i32
    return %arg0, %c0_i32 : i32, i32
  }
}

module attributes {stable_mosaic.version = 14 : i64} {
  func.func @_edge_mlp_body(%arg0: i32, %arg1: memref<2000x64xbf16, #tpu.memory_space<vmem>>, %arg2: memref<64x128xbf16, #tpu.memory_space<vmem>>, %arg3: memref<1x128xf32, #tpu.memory_space<vmem>>, %arg4: memref<128x128xbf16, #tpu.memory_space<vmem>>, %arg5: memref<1x128xf32, #tpu.memory_space<vmem>>, %arg6: memref<2000x128xf32, #tpu.memory_space<vmem>>) attributes {dimension_semantics = [#tpu.dimension_semantics<parallel>], iteration_bounds = array<i64: 80>, scalar_prefetch = 0 : i64, scratch_operands = 0 : i64, tpu.core_type = #tpu.core_type<tc>, window_params = [{transform_indices = @transform_0, window_bounds = array<i64: 2000, 64>}, {pipeline_mode = #tpu.pipeline_mode<synchronous>, transform_indices = @transform_1, window_bounds = array<i64: 64, 128>}, {pipeline_mode = #tpu.pipeline_mode<synchronous>, transform_indices = @transform_2, window_bounds = array<i64: 1, 128>}, {pipeline_mode = #tpu.pipeline_mode<synchronous>, transform_indices = @transform_3, window_bounds = array<i64: 128, 128>}, {pipeline_mode = #tpu.pipeline_mode<synchronous>, transform_indices = @transform_4, window_bounds = array<i64: 1, 128>}, {transform_indices = @transform_5, window_bounds = array<i64: 2000, 128>}]} {
    %get3A = arith.constant 0 : index
    %get3A_0 = arith.constant 0 : index
    %get3A_1 = vector.load %arg1[%get3A, %get3A_0] : memref<2000x64xbf16, #tpu.memory_space<vmem>>, vector<2000x64xbf16>
    %get3A_2 = arith.constant 0 : index
    %get3A_3 = arith.constant 0 : index
    %get3A_4 = vector.load %arg2[%get3A_2, %get3A_3] : memref<64x128xbf16, #tpu.memory_space<vmem>>, vector<64x128xbf16>
    %dot_general3A = arith.constant dense<0.000000e+00> : vector<2000x128xf32>
    %dot_general3A_5 = tpu.matmul %get3A_1, %get3A_4, %dot_general3A {dimension_numbers = #tpu.dot_dimension_numbers<[1], [0], [0], [1], [0, 0, 1, 1], [], []>, transpose_lhs_hint = false} : vector<2000x64xbf16>, vector<64x128xbf16>, vector<2000x128xf32> -> vector<2000x128xf32>
    %get3A_6 = arith.constant 0 : index
    %get3A_7 = arith.constant 0 : index
    %get3A_8 = vector.load %arg3[%get3A_6, %get3A_7] : memref<1x128xf32, #tpu.memory_space<vmem>>, vector<1x128xf32>
    %add3A = vector.broadcast %get3A_8 : vector<1x128xf32> to vector<2000x128xf32>
    %add3A_9 = arith.addf %dot_general3A_5, %add3A : vector<2000x128xf32>
    %max3A = arith.constant 0.000000e+00 : f32
    %max3A_10 = vector.broadcast %max3A : f32 to vector<2000x128xf32>
    %max3A_11 = arith.maximumf %add3A_9, %max3A_10 : vector<2000x128xf32>
    %abs3A = math.absf %add3A_9 : vector<2000x128xf32>
    %neg3A = arith.constant 0.000000e+00 : f32
    %neg3A_12 = vector.broadcast %neg3A : f32 to vector<2000x128xf32>
    %neg3A_13 = arith.subf %neg3A_12, %abs3A : vector<2000x128xf32>
    %exp3A = math.exp %neg3A_13 : vector<2000x128xf32>
    %add3A_14 = arith.constant 1.000000e+00 : f32
    %add3A_15 = vector.broadcast %add3A_14 : f32 to vector<2000x128xf32>
    %add3A_16 = arith.addf %add3A_15, %exp3A : vector<2000x128xf32>
    %log3A = math.log %add3A_16 : vector<2000x128xf32>
    %add3A_17 = arith.addf %max3A_11, %log3A : vector<2000x128xf32>
    %convert_element_type3A = arith.truncf %add3A_17 : vector<2000x128xf32> to vector<2000x128xbf16>
    %get3A_18 = arith.constant 0 : index
    %get3A_19 = arith.constant 0 : index
    %get3A_20 = vector.load %arg4[%get3A_18, %get3A_19] : memref<128x128xbf16, #tpu.memory_space<vmem>>, vector<128x128xbf16>
    %dot_general3A_21 = arith.constant dense<0.000000e+00> : vector<2000x128xf32>
    %dot_general3A_22 = tpu.matmul %convert_element_type3A, %get3A_20, %dot_general3A_21 {dimension_numbers = #tpu.dot_dimension_numbers<[1], [0], [0], [1], [0, 0, 1, 1], [], []>, transpose_lhs_hint = false} : vector<2000x128xbf16>, vector<128x128xbf16>, vector<2000x128xf32> -> vector<2000x128xf32>
    %get3A_23 = arith.constant 0 : index
    %get3A_24 = arith.constant 0 : index
    %get3A_25 = vector.load %arg5[%get3A_23, %get3A_24] : memref<1x128xf32, #tpu.memory_space<vmem>>, vector<1x128xf32>
    %add3A_26 = vector.broadcast %get3A_25 : vector<1x128xf32> to vector<2000x128xf32>
    %add3A_27 = arith.addf %dot_general3A_22, %add3A_26 : vector<2000x128xf32>
    %swap3A = arith.constant 0 : index
    %swap3A_28 = arith.constant 0 : index
    %swap3A_29 = vector.load %arg6[%swap3A, %swap3A_28] : memref<2000x128xf32, #tpu.memory_space<vmem>>, vector<2000x128xf32>
    tpu.vector_store %arg6[%swap3A, %swap3A_28], %add3A_27 {strides = array<i32>} : memref<2000x128xf32, #tpu.memory_space<vmem>>, vector<2000x128xf32>,
    return
  }
  func.func @transform_0(%arg0: i32) -> (i32, i32) {
    %add3A = arith.constant 80 : i32
    %add3A_0 = arith.addi %arg0, %add3A : i32
    %c0_i32 = arith.constant 0 : i32
    %c0_i32_1 = arith.constant 0 : i32
    return %add3A_0, %c0_i32 : i32, i32
  }
  func.func @transform_1(%arg0: i32) -> (i32, i32) {
    %c0_i32 = arith.constant 0 : i32
    %c0_i32_0 = arith.constant 0 : i32
    %c0_i32_1 = arith.constant 0 : i32
    return %c0_i32, %c0_i32_0 : i32, i32
  }
  func.func @transform_2(%arg0: i32) -> (i32, i32) {
    %c0_i32 = arith.constant 0 : i32
    %c0_i32_0 = arith.constant 0 : i32
    %c0_i32_1 = arith.constant 0 : i32
    return %c0_i32, %c0_i32_0 : i32, i32
  }
  func.func @transform_3(%arg0: i32) -> (i32, i32) {
    %c0_i32 = arith.constant 0 : i32
    %c0_i32_0 = arith.constant 0 : i32
    %c0_i32_1 = arith.constant 0 : i32
    return %c0_i32, %c0_i32_0 : i32, i32
  }
  func.func @transform_4(%arg0: i32) -> (i32, i32) {
    %c0_i32 = arith.constant 0 : i32
    %c0_i32_0 = arith.constant 0 : i32
    %c0_i32_1 = arith.constant 0 : i32
    return %c0_i32, %c0_i32_0 : i32, i32
  }
  func.func @transform_5(%arg0: i32) -> (i32, i32) {
    %c0_i32 = arith.constant 0 : i32
    %c0_i32_0 = arith.constant 0 : i32
    return %arg0, %c0_i32 : i32, i32
  }
}

module attributes {stable_mosaic.version = 14 : i64} {
  func.func @_final_body(%arg0: i32, %arg1: memref<2000x128xf32, #tpu.memory_space<vmem>>, %arg2: memref<2000x128xf32, #tpu.memory_space<vmem>>, %arg3: memref<2000x128xf32, #tpu.memory_space<vmem>>, %arg4: memref<2000x128xf32, #tpu.memory_space<vmem>>, %arg5: memref<2000x128xf32, #tpu.memory_space<vmem>>, %arg6: memref<128x128xbf16, #tpu.memory_space<vmem>>, %arg7: memref<1x128xf32, #tpu.memory_space<vmem>>, %arg8: memref<128x128xbf16, #tpu.memory_space<vmem>>, %arg9: memref<1x128xf32, #tpu.memory_space<vmem>>, %arg10: memref<2000x128xf32, #tpu.memory_space<vmem>>) attributes {dimension_semantics = [#tpu.dimension_semantics<parallel>], iteration_bounds = array<i64: 5>, scalar_prefetch = 0 : i64, scratch_operands = 0 : i64, tpu.core_type = #tpu.core_type<tc>, window_params = [{transform_indices = @transform_0, window_bounds = array<i64: 2000, 128>}, {transform_indices = @transform_1, window_bounds = array<i64: 2000, 128>}, {transform_indices = @transform_2, window_bounds = array<i64: 2000, 128>}, {transform_indices = @transform_3, window_bounds = array<i64: 2000, 128>}, {transform_indices = @transform_4, window_bounds = array<i64: 2000, 128>}, {pipeline_mode = #tpu.pipeline_mode<synchronous>, transform_indices = @transform_5, window_bounds = array<i64: 128, 128>}, {pipeline_mode = #tpu.pipeline_mode<synchronous>, transform_indices = @transform_6, window_bounds = array<i64: 1, 128>}, {pipeline_mode = #tpu.pipeline_mode<synchronous>, transform_indices = @transform_7, window_bounds = array<i64: 128, 128>}, {pipeline_mode = #tpu.pipeline_mode<synchronous>, transform_indices = @transform_8, window_bounds = array<i64: 1, 128>}, {transform_indices = @transform_9, window_bounds = array<i64: 2000, 128>}]} {
    %get3A = arith.constant 0 : index
    %get3A_0 = arith.constant 0 : index
    %get3A_1 = vector.load %arg2[%get3A, %get3A_0] : memref<2000x128xf32, #tpu.memory_space<vmem>>, vector<2000x128xf32>
    %get3A_2 = arith.constant 0 : index
    %get3A_3 = arith.constant 0 : index
    %get3A_4 = vector.load %arg3[%get3A_2, %get3A_3] : memref<2000x128xf32, #tpu.memory_space<vmem>>, vector<2000x128xf32>
    %add3A = arith.addf %get3A_1, %get3A_4 : vector<2000x128xf32>
    %get3A_5 = arith.constant 0 : index
    %get3A_6 = arith.constant 0 : index
    %get3A_7 = vector.load %arg4[%get3A_5, %get3A_6] : memref<2000x128xf32, #tpu.memory_space<vmem>>, vector<2000x128xf32>
    %get3A_8 = arith.constant 0 : index
    %get3A_9 = arith.constant 0 : index
    %get3A_10 = vector.load %arg5[%get3A_8, %get3A_9] : memref<2000x128xf32, #tpu.memory_space<vmem>>, vector<2000x128xf32>
    %add3A_11 = arith.addf %get3A_7, %get3A_10 : vector<2000x128xf32>
    %add3A_12 = arith.addf %add3A, %add3A_11 : vector<2000x128xf32>
    %convert_element_type3A = arith.truncf %add3A_12 : vector<2000x128xf32> to vector<2000x128xbf16>
    %get3A_13 = arith.constant 0 : index
    %get3A_14 = arith.constant 0 : index
    %get3A_15 = vector.load %arg6[%get3A_13, %get3A_14] : memref<128x128xbf16, #tpu.memory_space<vmem>>, vector<128x128xbf16>
    %dot_general3A = arith.constant dense<0.000000e+00> : vector<2000x128xf32>
    %dot_general3A_16 = tpu.matmul %convert_element_type3A, %get3A_15, %dot_general3A {dimension_numbers = #tpu.dot_dimension_numbers<[1], [0], [0], [1], [0, 0, 1, 1], [], []>, transpose_lhs_hint = false} : vector<2000x128xbf16>, vector<128x128xbf16>, vector<2000x128xf32> -> vector<2000x128xf32>
    %get3A_17 = arith.constant 0 : index
    %get3A_18 = arith.constant 0 : index
    %get3A_19 = vector.load %arg7[%get3A_17, %get3A_18] : memref<1x128xf32, #tpu.memory_space<vmem>>, vector<1x128xf32>
    %add3A_20 = vector.broadcast %get3A_19 : vector<1x128xf32> to vector<2000x128xf32>
    %add3A_21 = arith.addf %dot_general3A_16, %add3A_20 : vector<2000x128xf32>
    %max3A = arith.constant 0.000000e+00 : f32
    %max3A_22 = vector.broadcast %max3A : f32 to vector<2000x128xf32>
    %max3A_23 = arith.maximumf %add3A_21, %max3A_22 : vector<2000x128xf32>
    %abs3A = math.absf %add3A_21 : vector<2000x128xf32>
    %neg3A = arith.constant 0.000000e+00 : f32
    %neg3A_24 = vector.broadcast %neg3A : f32 to vector<2000x128xf32>
    %neg3A_25 = arith.subf %neg3A_24, %abs3A : vector<2000x128xf32>
    %exp3A = math.exp %neg3A_25 : vector<2000x128xf32>
    %add3A_26 = arith.constant 1.000000e+00 : f32
    %add3A_27 = vector.broadcast %add3A_26 : f32 to vector<2000x128xf32>
    %add3A_28 = arith.addf %add3A_27, %exp3A : vector<2000x128xf32>
    %log3A = math.log %add3A_28 : vector<2000x128xf32>
    %add3A_29 = arith.addf %max3A_23, %log3A : vector<2000x128xf32>
    %get3A_30 = arith.constant 0 : index
    %get3A_31 = arith.constant 0 : index
    %get3A_32 = vector.load %arg1[%get3A_30, %get3A_31] : memref<2000x128xf32, #tpu.memory_space<vmem>>, vector<2000x128xf32>
    %convert_element_type3A_33 = arith.truncf %add3A_29 : vector<2000x128xf32> to vector<2000x128xbf16>
    %get3A_34 = arith.constant 0 : index
    %get3A_35 = arith.constant 0 : index
    %get3A_36 = vector.load %arg8[%get3A_34, %get3A_35] : memref<128x128xbf16, #tpu.memory_space<vmem>>, vector<128x128xbf16>
    %dot_general3A_37 = arith.constant dense<0.000000e+00> : vector<2000x128xf32>
    %dot_general3A_38 = tpu.matmul %convert_element_type3A_33, %get3A_36, %dot_general3A_37 {dimension_numbers = #tpu.dot_dimension_numbers<[1], [0], [0], [1], [0, 0, 1, 1], [], []>, transpose_lhs_hint = false} : vector<2000x128xbf16>, vector<128x128xbf16>, vector<2000x128xf32> -> vector<2000x128xf32>
    %add3A_39 = arith.addf %get3A_32, %dot_general3A_38 : vector<2000x128xf32>
    %get3A_40 = arith.constant 0 : index
    %get3A_41 = arith.constant 0 : index
    %get3A_42 = vector.load %arg9[%get3A_40, %get3A_41] : memref<1x128xf32, #tpu.memory_space<vmem>>, vector<1x128xf32>
    %add3A_43 = vector.broadcast %get3A_42 : vector<1x128xf32> to vector<2000x128xf32>
    %add3A_44 = arith.addf %add3A_39, %add3A_43 : vector<2000x128xf32>
    %swap3A = arith.constant 0 : index
    %swap3A_45 = arith.constant 0 : index
    %swap3A_46 = vector.load %arg10[%swap3A, %swap3A_45] : memref<2000x128xf32, #tpu.memory_space<vmem>>, vector<2000x128xf32>
    tpu.vector_store %arg10[%swap3A, %swap3A_45], %add3A_44 {strides = array<i32>} : memref<2000x128xf32, #tpu.memory_space<vmem>>, vector<2000x128xf32>,
    return
  }
  func.func @transform_0(%arg0: i32) -> (i32, i32) {
    %c0_i32 = arith.constant 0 : i32
    %c0_i32_0 = arith.constant 0 : i32
    return %arg0, %c0_i32 : i32, i32
  }
  func.func @transform_1(%arg0: i32) -> (i32, i32) {
    %c0_i32 = arith.constant 0 : i32
    %c0_i32_0 = arith.constant 0 : i32
    return %arg0, %c0_i32 : i32, i32
  }
  func.func @transform_2(%arg0: i32) -> (i32, i32) {
    %c0_i32 = arith.constant 0 : i32
    %c0_i32_0 = arith.constant 0 : i32
    return %arg0, %c0_i32 : i32, i32
  }
  func.func @transform_3(%arg0: i32) -> (i32, i32) {
    %c0_i32 = arith.constant 0 : i32
    %c0_i32_0 = arith.constant 0 : i32
    return %arg0, %c0_i32 : i32, i32
  }
  func.func @transform_4(%arg0: i32) -> (i32, i32) {
    %c0_i32 = arith.constant 0 : i32
    %c0_i32_0 = arith.constant 0 : i32
    return %arg0, %c0_i32 : i32, i32
  }
  func.func @transform_5(%arg0: i32) -> (i32, i32) {
    %c0_i32 = arith.constant 0 : i32
    %c0_i32_0 = arith.constant 0 : i32
    %c0_i32_1 = arith.constant 0 : i32
    return %c0_i32, %c0_i32_0 : i32, i32
  }
  func.func @transform_6(%arg0: i32) -> (i32, i32) {
    %c0_i32 = arith.constant 0 : i32
    %c0_i32_0 = arith.constant 0 : i32
    %c0_i32_1 = arith.constant 0 : i32
    return %c0_i32, %c0_i32_0 : i32, i32
  }
  func.func @transform_7(%arg0: i32) -> (i32, i32) {
    %c0_i32 = arith.constant 0 : i32
    %c0_i32_0 = arith.constant 0 : i32
    %c0_i32_1 = arith.constant 0 : i32
    return %c0_i32, %c0_i32_0 : i32, i32
  }
  func.func @transform_8(%arg0: i32) -> (i32, i32) {
    %c0_i32 = arith.constant 0 : i32
    %c0_i32_0 = arith.constant 0 : i32
    %c0_i32_1 = arith.constant 0 : i32
    return %c0_i32, %c0_i32_0 : i32, i32
  }
  func.func @transform_9(%arg0: i32) -> (i32, i32) {
    %c0_i32 = arith.constant 0 : i32
    %c0_i32_0 = arith.constant 0 : i32
    return %arg0, %c0_i32 : i32, i32
  }
}

</mosaic_0001>

<sc_bundles>
// kernel: kernel.11.cloned.1.call-start
scs
__scs_entry_jumppad:
0x0: {  	(pc) =	sbr.rel $0x88, $3  }
0x1: {  	(tag) =	ssettag $0x0;
	lr =	simm.s32 $0x1  }
0x2: {  	[smem:$0x3F95] =	sst lr;
	_ =	strace $0xD0000000  }
0x3: {  	_ = 	snop  }
0x4: {  	_ = 	snop  }
0x5: {  	_ = 	snop  }
0x6: {  	_ = 	snop  }
0x7: {  	_ = 	snop  }
__scs_overlays_trampoline_lowered:
0x8: {  	[smem:$0x3FA4] =	sst s0  }
0x9: {  	[smem:$0x3FA5] =	sst s1  }
0xa: {  	[smem:$0x3FA6] =	sst s2  }
0xb: {  	[smem:$0x3FA7] =	sst s3  }
0xc: {  	[smem:$0x3FA8] =	sst s4  }
0xd: {  	[smem:$0x3FA9] =	sst s5  }
0xe: {  	[smem:$0x3FAA] =	sst s6  }
0xf: {  	[smem:$0x3FAB] =	sst s7  }
0x10: {  	[smem:$0x3FAC] =	sst s8  }
0x11: {  	[smem:$0x3FAD] =	sst s9;
	s0 =	simm.s32 @!p0 $0x0  }
0x12: {  	s1 =	sld [smem:$0x3F93];
	s0 =	simm.s32 @p0 $0x1  }
0x13: {  	[smem:$0x3FAE] =	sst s0;
	s0 =	simm.s32 @!p1 $0x0  }
0x14: {  	s2 =	sld [smem:$0x3F92];
	s0 =	simm.s32 @p1 $0x1  }
0x15: {  	[smem:$0x3FAF] =	sst s0;
	s0 =	simm.s32 @!p2 $0x0  }
0x16: {  	s3 =	sld [smem:$0x3FDB];
	s0 =	simm.s32 @p2 $0x1  }
0x17: {  	s4 =	simm.s32 $0x1BF5;
	[smem:$0x3FB1] =	sst s0  }
0x18: {  	s0 =	sld [smem:$0x3F94];
	_ =	swait.ge [sflag:s4], $0x0  }
0x19: {  	s7 =	sld [smem:$0x3F95]  }
0x1a: {  	s8 =	sadd.s32 $0xFFFFE003, lr  }
0x1b: {  	s9 =	sadd.s32 $0xFFFFFEF7, lr;
	s5 =	simm.s32 $0xFFFFFFFF;
	p2 =	slt.u32 s8, $0xFFFFF086  }
0x1c: {  	p1 =	slt.u32 s9, $0xF7A;
	s5 =	simm.s32 @!p2 $0x0  }
0x1d: {  	s5 =	simm.s32 @p1 $0x1;
	p0 =	seq.s32 s7, s2  }
0x1e: {  	s7 =	smul.u32 @!p0 $0xF7A, s2;
	p2 =	seq.s32 @!p0 s5, $0x0  }
0x1f: {  	s9 =	smul.u32 $0xF7A, s1;
	s8 =	simm.s32 @!p0 $0x1BF5;
	p2 =	por !p2, p0  }
0x20: {  	[sflag:s8] =	ssyncset.s32 @!p0 $0xFFFFF086;
	s6 =	sadd.s32 @!p0 s3, s7;
	s7 =	simm.s32 @!p0 $0x108  }
0x21: {  	s3 =	sadd.s32 s3, s9;
	s6 =	sadd.s32 @!p0 $0x88, s6;
	s7 =	simm.s32 @p2 $0x1082  }
0x22: {  	[simem:s7], [sflag:s8] =	dma.local @!p0 [hbm:s6], $0xF7A  }
0x23: {  	s9 =	sor.u32 $0xD0000000, s2;
	s6 =	simm.s32 $0x108;
	_ =	swait.ge @!p0 [sflag:s8], $0x0  }
0x24: {  	s3 =	sadd.s32 $0x88, s3;
	s6 =	simm.s32 @!p1 $0x1082;
	[sflag:s4] =	ssyncset.s32 $0xFFFFF086  }
0x25: {  	[simem:s6], [sflag:s4] =	dma.local [hbm:s3], $0xF7A  }
0x26: {  	[smem:$0x3F95] =	sst s1;
	(tag) =	ssettag s2;
	_ =	strace s9  }
0x27: {  	s1 =	sld [smem:$0x3FA5]  }
0x28: {  	s2 =	sld [smem:$0x3FA6]  }
0x29: {  	s4 =	sld [smem:$0x3FA8]  }
0x2a: {  	p0 =	seq.s32 s5, $0x0;
	s5 =	sld [smem:$0x3FA9]  }
0x2b: {  	s6 =	sld [smem:$0x3FAA]  }
0x2c: {  	s7 =	sld [smem:$0x3FAB]  }
0x2d: {  	s3 =	simm.s32 $0x108;
	s8 =	sld [smem:$0x3FAC]  }
0x2e: {  	s3 =	simm.s32 @!p0 $0x1082;
	s9 =	sld [smem:$0x3FAD]  }
0x2f: {  	lr =	sadd.s32 s0, s3;
	s0 =	sld [smem:$0x3FA4]  }
0x30: {  	s3 =	sld [smem:$0x3FA7]  }
0x31: {  	[smem:$0x3FB0] =	sst s10  }
0x32: {  	s10 =	sld [smem:$0x3FAE];
	_ =	sdelay $0x3  }
0x33: {  	p0 =	seq.s32 s10, $0x1;
	s10 =	sld [smem:$0x3FB0];
	_ =	sdelay $0x3  }
0x34: {  	[smem:$0x3FB0] =	sst s10  }
0x35: {  	s10 =	sld [smem:$0x3FAF];
	_ =	sdelay $0x3  }
0x36: {  	p1 =	seq.s32 s10, $0x1;
	s10 =	sld [smem:$0x3FB0];
	_ =	sdelay $0x3  }
0x37: {  	[smem:$0x3FB0] =	sst s10  }
0x38: {  	s10 =	sld [smem:$0x3FB1]  }
0x39: {  	_ = 	snop;
	(pc) =	sbr.ind lr, $3  }
0x3a: {  	_ = 	snop  }
0x3b: {  	_ = 	snop  }
0x3c: {  	p2 =	seq.s32 s10, $0x1;
	s10 =	sld [smem:$0x3FB0]  }
0x3d: {  	_ =	shalt  }
0x3e: {  	_ =	shalt  }
0x3f: {  	_ =	shalt  }
0x40: {  	_ =	shalt  }
0x41: {  	_ =	shalt  }
0x42: {  	_ =	shalt  }
0x43: {  	_ =	shalt  }
0x44: {  	_ =	shalt  }
0x45: {  	_ =	shalt  }
0x46: {  	_ =	shalt  }
0x47: {  	_ =	shalt  }
0x48: {  	_ =	shalt  }
0x49: {  	_ =	shalt  }
0x4a: {  	_ =	shalt  }
0x4b: {  	_ =	shalt  }
0x4c: {  	_ =	shalt  }
0x4d: {  	_ =	shalt  }
0x4e: {  	_ =	shalt  }
0x4f: {  	_ =	shalt  }
0x50: {  	_ =	shalt  }
0x51: {  	_ =	shalt  }
0x52: {  	_ =	shalt  }
0x53: {  	_ =	shalt  }
0x54: {  	_ =	shalt  }
0x55: {  	_ =	shalt  }
0x56: {  	_ =	shalt  }
0x57: {  	_ =	shalt  }
0x58: {  	_ =	shalt  }
0x59: {  	_ =	shalt  }
0x5a: {  	_ =	shalt  }
0x5b: {  	_ =	shalt  }
0x5c: {  	_ =	shalt  }
0x5d: {  	_ =	shalt  }
0x5e: {  	_ =	shalt  }
0x5f: {  	_ =	shalt  }
0x60: {  	_ =	shalt  }
0x61: {  	_ =	shalt  }
0x62: {  	_ =	shalt  }
0x63: {  	_ =	shalt  }
0x64: {  	_ =	shalt  }
0x65: {  	_ =	shalt  }
0x66: {  	_ =	shalt  }
0x67: {  	_ =	shalt  }
0x68: {  	_ =	shalt  }
0x69: {  	_ =	shalt  }
0x6a: {  	_ =	shalt  }
0x6b: {  	_ =	shalt  }
0x6c: {  	_ =	shalt  }
0x6d: {  	_ =	shalt  }
0x6e: {  	_ =	shalt  }
0x6f: {  	_ =	shalt  }
0x70: {  	_ =	shalt  }
0x71: {  	_ =	shalt  }
0x72: {  	_ =	shalt  }
0x73: {  	_ =	shalt  }
0x74: {  	_ =	shalt  }
0x75: {  	_ =	shalt  }
0x76: {  	_ =	shalt  }
0x77: {  	_ =	shalt  }
0x78: {  	_ =	shalt  }
0x79: {  	_ =	shalt  }
0x7a: {  	_ =	shalt  }
0x7b: {  	_ =	shalt  }
0x7c: {  	_ =	shalt  }
0x7d: {  	_ =	shalt  }
0x7e: {  	_ =	shalt  }
0x7f: {  	_ =	shalt  }
0x80: {  	_ =	shalt  }
0x81: {  	_ =	shalt  }
0x82: {  	_ =	shalt  }
0x83: {  	_ =	shalt  }
0x84: {  	_ =	shalt  }
0x85: {  	_ =	shalt  }
0x86: {  	_ =	shalt  }
0x87: {  	_ =	shalt  }
.Lfunc_end0:
.L_simem_size_0:
called_computation.1_lowered:
.L_overlay_start_0:
0x88: {  	s2 =	sld [smem:$0x3FD9]  }
0x89: {  	s3 =	sld [smem:$0x3FFE];
	_ =	sdelay $0x1  }
0x8a: {  	s1 =	srdreg.scid  }
0x8b: {  	s0 =	sand.u32 $0x1, s1  }
0x8c: {  	s17 =	sshll.u32 s0, $0xA;
	s2 =	sadd.s32 s3, s2  }
0x8d: {  	s2 =	sadd.s32 s2, s17  }
0x8e: {  	[smem:$0x3FBC] =	sst s2  }
0x8f: {  	_ = 	snop  }
0x90: {  	s18 =	sld [smem:$0x3FD0];
	(tm) =	ssettm $0x1  }
0x91: {  	s19 =	sld [smem:$0x3FFB];
	_ =	sdelay $0x3  }
0x92: {  	_ =	strace s19  }
0x93: {  	s2 =	sld [smem:$0x3FFC];
	_ =	sdelay $0x3  }
0x94: {  	_ =	strace s2  }
0x95: {  	s2 =	sld [smem:$0x3FFD];
	_ =	sdelay $0x3  }
0x96: {  	_ =	strace s2  }
0x97: {  	_ =	strace $0x8FFFFFFF  }
0x98: {  	s20 =	sld [smem:$0x3FDB];
	_ =	sdelay $0x1  }
0x99: {  	s4 =	simm.s32 $_scs_section_size  }
0x9a: {  	s5 =	simm.s32 $_size__tile_overlayer_lowered;
	s6 =	simm.s32 $_tile_overlayer_lowered  }
0x9b: {  	s7 =	simm.s32 $0x1BFF;
	s21 =	sshll.u32 s6, $0x1;
	s4 =	sadd.s32 s4, s20  }
0x9c: {  	s22 =	simm.s32 $0x0;
	s5 =	sshll.u32 s5, $0x1;
	s6 =	sadd.s32 s21, s4  }
0x9d: {  	[timem:s22], [sflag:s7] =	dma.local [hbm:s6], s5  }
0x9e: {  	_ =	swait.ge [sflag:s7], s5  }
0x9f: {  	s5 =	ssub.s32 $0x0, s5;
	[sflag:s7] =	ssyncset.done $0x0  }
0xa0: {  	[sflag:s7] =	ssyncadd.s32 s5;
	_ =	sdelay $0x1  }
0xa1: {  	s23 =	simm.s32 $0x1B8B  }
0xa2: {  	_ =	swait.ge [sflag:s23], $0x1  }
0xa3: {  	[sflag:s23] =	ssyncset.done $0x0  }
0xa4: {  	[sflag:s23] =	ssyncadd.s32 $0xFFFFFFFF  }
0xa5: {  	s5 =	sld [smem:$0x0]  }
0xa6: {  	s6 =	sand.u32 $0xFFFFFFFE, s1  }
0xa7: {  	p0 =	sne.s32 s1, s6  }
0xa8: {  	s6 =	sshll.u32 @p0 s6, $0xE  }
0xa9: {  	s6 =	sadd.s32 @p0 $0x11B8D, s6;
	s7 =	sshll.u32 @p0 s5, $0x11  }
0xaa: {  	s6 =	sor.u32 @p0 s7, s6  }
0xab: {  	[sflag:s6] =	ssyncadd.remote.s32 @p0 $0x1;
	_ =	sdelay $0x1  }
0xac: {  	s6 =	simm.s32 @p0 $0x1B8D  }
0xad: {  	_ =	swait.eq @p0 [sflag:s6], $0x1  }
0xae: {  	[sflag:s6] =	ssyncadd.s32 @p0 $0xFFFFFFFF  }
0xaf: {  	s7 =	sshll.u32 @!p0 s1, $0xE  }
0xb0: {  	s7 =	sor.u32 @!p0 $0x4000, s7;
	s6 =	simm.s32 @!p0 $0x1B8D  }
0xb1: {  	s5 =	sshll.u32 @!p0 s5, $0x11;
	s7 =	sadd.s32 @!p0 $0x11B8D, s7;
	_ =	swait.eq @!p0 [sflag:s6], $0x1  }
0xb2: {  	s5 =	sor.u32 @!p0 s5, s7;
	[sflag:s6] =	ssyncadd.s32 @!p0 $0xFFFFFFFF  }
0xb3: {  	s25 =	simm.s32 $0x1B8E;
	s24 =	sld [smem:$0x3FFE];
	[sflag:s5] =	ssyncadd.remote.s32 @!p0 $0x1  }
0xb4: {  	s26 =	simm.s32 $execute0_lowered;
	[smem:$0x3FD2] =	sst s25  }
0xb5: {  	s6 =	sshll.u32 s26, $0x1;
	_ =	strace $0x80000049;
	[dreg:$0x1] =	wrdreg $0xFFFFFFFF  }
0xb6: {  	s28 =	simm.s32 $_size_execute0_lowered;
	s4 =	sadd.s32 s4, s6;
	[dreg:$0x0] =	wrdreg $0x0  }
0xb7: {  	s6 =	sshll.u32 s28, $0x1;
	[dreg:$0x2] =	wrdreg s4  }
0xb8: {  	[dreg:$0x3] =	wrdreg s6  }
0xb9: {  	[dreg:$0x4] =	wrdreg $0xC0  }
0xba: {  	_ =	task [dreg:s22], $0x5FFFF  }
0xbb: {  	[dreg:$0x1] =	wrdreg $0xFFFFFFFF  }
0xbc: {  	[dreg:$0x0] =	wrdreg $0x60  }
0xbd: {  	[dreg:$0x2] =	wrdreg s18  }
0xbe: {  	[dreg:$0x3] =	wrdreg s24  }
0xbf: {  	[dreg:$0x4] =	wrdreg $0xA9800  }
0xc0: {  	[dreg:$0x5] =	wrdreg $0xA  }
0xc1: {  	_ =	task.clear_ibuf [dreg:s22], $0x6FFFF;
	_ =	strace $0x90000049  }
0xc2: {  	s29 =	simm.s32 $0xA;
	_ =	strace $0x8000004B  }
0xc3: {  	_ =	swait.ge [sflag:s29], $0x1  }
0xc4: {  	[sflag:s29] =	ssyncadd.s32 $0xFFFFFFFF  }
0xc5: {  	_ =	strace $0x9000004B  }
0xc6: {  	_ =	sfence  }
0xc7: {  	s30 =	sld [smem:$0x0];
	_ =	sdelay $0x2  }
0xc8: {  	s31 =	sshll.u32 s1, $0xD;
	s1 =	sshrl.u32 s1, $0x2  }
0xc9: {  	s4 =	sand.u32 $0x4000, s31;
	s1 =	sadd.s32 s1, s30  }
0xca: {  	s0 =	sor.u32 s4, s0;
	s1 =	sshll.u32 s1, $0x11  }
0xcb: {  	s0 =	sor.u32 s1, s0  }
0xcc: {  	s0 =	sadd.s32 $0x8F2B, s0  }
0xcd: {  	[sflag:s0] =	ssyncadd.remote.s32 $0x1  }
0xce: {  	_ =	sfence.sel $0xFFFF  }
0xcf: {  	[dreg:$0x0] =	wrdreg $0xFFFFFFFF;
	(pc) =	sbr.abs _section_cstart, $3  }
0xd0: {  	[dreg:$0x1] =	wrdreg $0xFFFFFFFF  }
0xd1: {  	_ =	task.clear_ibuf [dreg:s22], $0x2FFFF;
	_ =	strace $0x9FFFFFFF  }
0xd2: {  	(tm) =	ssettm $0x7FFFFFFF  }
0xd3: {  	_ =	shalt  }
tec
execute0_lowered:
.L_overlay_start_1:
0x0: {  	(tag) =	ssettag $0x1  }
0x1: {  	s2 =	srdreg.scid;
	s1 =	rddreg [dreg:$0x0]  }
0x2: {  	s0 =	stileid.u32;
	s9 =	rddreg [dreg:$0x1]  }
0x3: {  	s5 =	simm.s32 $0x0;
	s19 =	simm.s32 $0x7;
	s28 =	simm.s32 $0x5  }
0x4: {  	s29 =	simm.s32 $0x1;
	s30 =	simm.s32 $0x3;
	s31 =	simm.s32 $0x6  }
0x5: {  	s2 =	sand.u32 $0x1, s2;
	s3 =	sshll.u32 s0, $0x1;
	s22 =	smul.u32 $0x5000, s0  }
0x6: {  	[smem:$0x7FF] =	sst s5;
	s7 =	sadd.s32 $0x546800, s9;
	s23 =	smul.u32 $0x280, s0  }
0x7: {  	s8 =	sadd.s32 $0x273A00, s9;
	s10 =	sor.u32 s2, s3;
	s13 =	smul.u32 $0x27100, s2  }
0x8: {  	s3 =	rddreg [dreg:$0x2];
	s2 =	ssub.s32 $0x2, s2;
	s4 =	smul.u32 $0x1388, s10  }
0x9: {  	_ =	strace $0x8000004A;
	s14 =	sshrl.u32 s2, $0x1;
	s15 =	smul.u32 $0x13880, s10  }
0xa: {  	s10 =	smul.u32 $0x9C400, s10;
	s26 =	sshrl.u32 s22, $0x2;
	s22 =	simm.s32 $0x1580  }
0xb: {  	s2 =	ssub.s32 s2, s14;
	s17 =	sadd.s32 s26, s3;
	s26 =	simm.s32 $0x7580  }
0xc: {  	s6 =	sadd.s32 $0x27100, s4;
	s20 =	sadd.s32 s7, s15;
	s21 =	sshrl.u32 s4, $0x3  }
0xd: {  	s10 =	sshrl.u32 s10, $0x3;
	s2 =	smax.u32 s2, $0x1;
	[dreg:$0x6] =	wrdreg s20  }
0xe: {  	s11 =	sshrl.u32 s6, $0x3;
	s10 =	sadd.s32 s7, s10;
	[dreg:$0xb] =	wrdreg s2  }
0xf: {  	s20 =	simm.s32 $0x1400;
	s12 =	sadd.s32 s11, s9;
	s11 =	sadd.s32 s8, s11  }
0x10: {  	s2 =	simm.s32 $0x2;
	s25 =	sadd.s32 $0x400, s10;
	[dreg:$0x5] =	wrdreg s11  }
0x11: {  	s9 =	sadd.s32 s13, s9;
	s10 =	sadd.s32 $0x13800, s10;
	[dreg:$0x8] =	wrdreg s25  }
0x12: {  	s12 =	sadd.s32 $0x27D800, s12;
	s11 =	sadd.s32 s8, s21;
	[dreg:$0xa] =	wrdreg s10  }
0x13: {  	s9 =	sadd.s32 s23, s9;
	s21 =	simm.s32 $0x40;
	s25 =	simm.s32 $0x3580  }
0x14: {  	[dreg:$0x4] =	wrdreg s12;
	s24 =	sadd.s32 $0x4E28, s11;
	s11 =	sadd.s32 $0x5090, s11  }
0x15: {  	s18 =	sadd.s32 $0x2A00, s9;
	s9 =	simm.s32 $0x4;
	[dreg:$0x7] =	wrdreg s24  }
0x16: {  	v0 =	vimm.f32 $0.0e+00;
	s12 =	simm.s32 $0x0;
	[dreg:$0x9] =	wrdreg s11;
	s24 =	simm.s32 $0x1480  }
.LBB2_1:
0x17: {  	s10 =	rddreg [dreg:$0x4]  }
0x18: {  	[tilespmem:s5], [sflag:$0x7] =	stream.linear.gather [hbm4b:s10+s5], $0x1388, $0x38;
	[tilespmem:$0x1E200] =	vst v63  }
0x19: {  	_ =	swait.ge [sflag:s19], $0x1388  }
0x1a: {  	[sflag:s19] =	ssyncset.done $0x0  }
0x1b: {  	s14 =	rddreg [dreg:$0x5];
	[sflag:s19] =	ssyncadd.s32 $0xFFFFEC78  }
0x1c: {  	[tilespmem:s20], [sflag:$0x5] =	stream.linear.gather [hbm4b:s14+s5], $0x40, $0x38;
	[tilespmem:$0x1E200] =	vst v63  }
0x1d: {  	_ = 	snop  }
0x1e: {  	[tilespmem:s22], [sflag:$0x1] =	stream.indirect.gather [hbm4b:s1+s21], $0x80, s5, s21, $0xb8;
	[tilespmem:$0x1E200] =	vst v63  }
0x1f: {  	s11 =	simm.s32 $0x5580;
	s15 =	rddreg [dreg:$0x6]  }
0x20: {  	[tilespmem:s11], [sflag:$0x3] =	stream.linear.gather [hbm4b:s15+s5], $0x2000, $0x38;
	[tilespmem:$0x1E200] =	vst v63  }
0x21: {  	s16 =	rddreg [dreg:$0x7]  }
0x22: {  	[tilespmem:s24], [sflag:$0x6] =	stream.linear.gather [hbm4b:s16+s5], $0x40, $0x38;
	[tilespmem:$0x1E200] =	vst v63  }
0x23: {  	_ = 	snop  }
0x24: {  	[tilespmem:s25], [sflag:$0x2] =	stream.indirect.gather [hbm4b:s1+s21], $0x80, s21, s21, $0xb8;
	[tilespmem:$0x1E200] =	vst v63  }
0x25: {  	s13 =	simm.s32 $0x0;
	s23 =	rddreg [dreg:$0x8];
	s14 =	simm.s32 $0x200  }
0x26: {  	[tilespmem:s26], [sflag:$0x4] =	stream.linear.gather [hbm4b:s23+s5], $0x2000, $0x38;
	[tilespmem:$0x1E200] =	vst v63  }
.LBB2_2:
0x27: {  	p0 =	sne.s32 s14, $0x4E00;
	[tilespmem:s13+$0x95F0] =	vst v0  }
0x28: {  	[tilespmem:s13+$0x9580] =	vst v0  }
0x29: {  	[tilespmem:s13+$0x9590] =	vst v0  }
.Ltmp0:
0x2a: {  	[tilespmem:s13+$0x95A0] =	vst v0;
	(pc) =	sbr.rel @p0 .LBB2_2-.Ltmp0, $4  }
0x2b: {  	[tilespmem:s13+$0x95B0] =	vst v0  }
0x2c: {  	[tilespmem:s13+$0x95C0] =	vst v0  }
0x2d: {  	[tilespmem:s13+$0x95D0] =	vst v0  }
0x2e: {  	[tilespmem:s13+$0x95E0] =	vst v0;
	s13 =	sshra.s32 s14, $0x2;
	s14 =	sadd.s32 $0x200, s14  }
0x2f: {  	[tilespmem:s13+$0x95F0] =	vst v0  }
0x30: {  	[tilespmem:s13+$0x9580] =	vst v0  }
0x31: {  	[tilespmem:s13+$0x9590] =	vst v0  }
0x32: {  	[tilespmem:s13+$0x95A0] =	vst v0  }
0x33: {  	[tilespmem:s13+$0x95B0] =	vst v0  }
0x34: {  	[tilespmem:s13+$0x95C0] =	vst v0;
	s14 =	sadd.s32 $0x0, s0  }
0x35: {  	[tilespmem:s13+$0x95D0] =	vst v0;
	p0 =	sgt.u32 s14, $0xF9  }
0x36: {  	[tilespmem:s13+$0x95E0] =	vst v0;
	s13 =	simm.s32 @!p0 $0x9580;
	s16 =	simm.s32 @!p0 $0x7  }
0x37: {  	[spmem:s17] =	stream.linear.scatter @!p0 [tilespmem:s13], [sflag:$0x7], $0x1400, $0x38;
	[tilespmem:$0x1E200] =	vst v63  }
0x38: {  	s15 =	simm.s32 $0x20;
	_ =	swait.ge @!p0 [sflag:s16], $0x1400  }
0x39: {  	s14 =	simm.s32 $0x10;
	s13 =	sadd.s32 $0x14000, s17;
	[sflag:s16] =	ssyncset.done @!p0 $0x0  }
.LBB2_4:
0x3a: {  	s23 =	sadd.s32 s14, s0;
	s14 =	smov.u32 s15;
	s15 =	sadd.s32 $0x10, s15  }
0x3b: {  	[sflag:s16] =	ssyncadd.s32 @!p0 $0xFFFFEC00;
	p1 =	sne.s32 s15, $0x100  }
.Ltmp1:
0x3c: {  	p0 =	sgt.u32 s23, $0xF9;
	(pc) =	sbr.rel @p1 .LBB2_4-.Ltmp1, $4  }
0x3d: {  	s23 =	simm.s32 @!p0 $0x9580;
	s16 =	simm.s32 @!p0 $0x7  }
0x3e: {  	[spmem:s13] =	stream.linear.scatter @!p0 [tilespmem:s23], [sflag:$0x7], $0x1400, $0x38;
	[tilespmem:$0x1E200] =	vst v63  }
0x3f: {  	_ =	swait.ge @!p0 [sflag:s16], $0x1400  }
0x40: {  	s13 =	sadd.s32 $0x14000, s13;
	[sflag:s16] =	ssyncset.done @!p0 $0x0  }
0x41: {  	s14 =	sadd.s32 s14, s0  }
0x42: {  	p1 =	sgt.u32 s14, $0xF9  }
0x43: {  	[sflag:s16] =	ssyncadd.s32 @!p0 $0xFFFFEC00;
	s14 =	simm.s32 @!p1 $0x9580;
	s15 =	simm.s32 @!p1 $0x7  }
0x44: {  	[spmem:s13] =	stream.linear.scatter @!p1 [tilespmem:s14], [sflag:$0x7], $0x1400, $0x38;
	[tilespmem:$0x1E200] =	vst v63  }
0x45: {  	_ =	swait.ge @!p1 [sflag:s15], $0x1400  }
0x46: {  	[sflag:s15] =	ssyncset.done @!p1 $0x0  }
0x47: {  	[sflag:s15] =	ssyncadd.s32 @!p1 $0xFFFFEC00  }
0x48: {  	s13 =	simm.s32 $0x0;
	[bflag:$0x0] =	sbarrier.arrive $0xFFFF  }
.LBB2_6:
0x49: {  	_ =	swait.ge [sflag:s28], $0x40  }
0x4a: {  	[sflag:s28] =	ssyncset.done $0x0  }
0x4b: {  	[sflag:s28] =	ssyncadd.s32 $0xFFFFFFC0  }
0x4c: {  	_ =	swait.ge [sflag:s29], $0x2000  }
0x4d: {  	[sflag:s29] =	ssyncset.done $0x0  }
0x4e: {  	[sflag:s29] =	ssyncadd.s32 $0xFFFFE000  }
0x4f: {  	_ =	swait.ge [sflag:s30], $0x2000  }
0x50: {  	[sflag:s30] =	ssyncset.done $0x0  }
0x51: {  	s14 =	simm.s32 $0x0;
	[sflag:s30] =	ssyncadd.s32 $0xFFFFE000  }
0x52: {  	v1 =	vld [tilespmem:s14+$0x15F0]  }
0x53: {  	v2 =	vld [tilespmem:s14+$0x55F0]  }
0x54: {  	v3 =	vld [tilespmem:s14+$0x1580]  }
0x55: {  	v4 =	vld [tilespmem:s14+$0x5580]  }
0x56: {  	v5 =	vld [tilespmem:s14+$0x1590]  }
0x57: {  	v6 =	vld [tilespmem:s14+$0x5590]  }
0x58: {  	v7 =	vld [tilespmem:s14+$0x15A0]  }
0x59: {  	v8 =	vld [tilespmem:s14+$0x15B0]  }
0x5a: {  	v1 =	vmul.f32 v2, v1;
	v2 =	vld [tilespmem:s14+$0x55A0]  }
0x5b: {  	v3 =	vmul.f32 v4, v3;
	v4 =	vld [tilespmem:s14+$0x55B0]  }
0x5c: {  	v9 =	vld [tilespmem:s14+$0x55C0]  }
0x5d: {  	[tilespmem:s14+$0x15F0] =	vst v1;
	v1 =	vmul.f32 v6, v5;
	v5 =	vld [tilespmem:s14+$0x15C0]  }
0x5e: {  	[tilespmem:s14+$0x1580] =	vst v3;
	v3 =	vld [tilespmem:s14+$0x55D0]  }
0x5f: {  	[tilespmem:s14+$0x1590] =	vst v1;
	v1 =	vld [tilespmem:s14+$0x15D0];
	v2 =	vmul.f32 v2, v7  }
0x60: {  	v7 =	vmul.f32 v4, v8;
	v4 =	vld [tilespmem:s14+$0x55E0]  }
0x61: {  	s15 =	simm.s32 $0x80;
	[tilespmem:s14+$0x15A0] =	vst v2;
	v2 =	vld [tilespmem:s14+$0x15E0]  }
0x62: {  	s23 =	simm.s32 $0x400;
	v6 =	vld [tilespmem:s15+$0x15F0];
	[tilespmem:s14+$0x15B0] =	vst v7;
	v5 =	vmul.f32 v9, v5  }
.LBB2_7:
0x63: {  	p0 =	sne.s32 s23, $0x7E00;
	v7 =	vld [tilespmem:s15+$0x55F0]  }
0x64: {  	v8 =	vld [tilespmem:s15+$0x1580];
	[tilespmem:s14+$0x15C0] =	vst v5;
	v1 =	vmul.f32 v3, v1  }
0x65: {  	v3 =	vld [tilespmem:s15+$0x5580]  }
0x66: {  	v5 =	vld [tilespmem:s15+$0x1590];
	[tilespmem:s14+$0x15D0] =	vst v1;
	v1 =	vmul.f32 v4, v2  }
0x67: {  	v2 =	vld [tilespmem:s15+$0x5590]  }
0x68: {  	v4 =	vld [tilespmem:s15+$0x15A0];
	v6 =	vmul.f32 v7, v6;
	[tilespmem:s14+$0x15E0] =	vst v1;
	s14 =	smov.u32 s15  }
0x69: {  	v1 =	vld [tilespmem:s14+$0x55A0]  }
0x6a: {  	v3 =	vmul.f32 v3, v8;
	v7 =	vld [tilespmem:s14+$0x15B0];
	[tilespmem:s14+$0x15F0] =	vst v6  }
0x6b: {  	v6 =	vld [tilespmem:s14+$0x55B0]  }
0x6c: {  	[tilespmem:s14+$0x1580] =	vst v3;
	v2 =	vmul.f32 v2, v5;
	v5 =	vld [tilespmem:s14+$0x15C0]  }
0x6d: {  	v8 =	vld [tilespmem:s14+$0x55C0]  }
.Ltmp2:
0x6e: {  	[tilespmem:s14+$0x1590] =	vst v2;
	v2 =	vmul.f32 v1, v4;
	v1 =	vld [tilespmem:s14+$0x15D0];
	(pc) =	sbr.rel @p0 .LBB2_7-.Ltmp2, $4  }
0x6f: {  	v3 =	vld [tilespmem:s14+$0x55D0]  }
0x70: {  	[tilespmem:s14+$0x15A0] =	vst v2;
	v7 =	vmul.f32 v6, v7;
	v2 =	vld [tilespmem:s14+$0x15E0]  }
0x71: {  	s15 =	sshra.s32 s23, $0x2;
	v4 =	vld [tilespmem:s14+$0x55E0]  }
0x72: {  	s23 =	sadd.s32 $0x200, s23;
	v6 =	vld [tilespmem:s15+$0x15F0];
	[tilespmem:s14+$0x15B0] =	vst v7;
	v5 =	vmul.f32 v8, v5  }
0x73: {  	v7 =	vld [tilespmem:s15+$0x55F0]  }
0x74: {  	v8 =	vld [tilespmem:s15+$0x1580]  }
0x75: {  	v9 =	vld [tilespmem:s15+$0x5580]  }
0x76: {  	v10 =	vld [tilespmem:s15+$0x1590]  }
0x77: {  	v11 =	vld [tilespmem:s15+$0x5590]  }
0x78: {  	v12 =	vld [tilespmem:s15+$0x15A0]  }
0x79: {  	v13 =	vld [tilespmem:s15+$0x15B0]  }
0x7a: {  	v6 =	vmul.f32 v7, v6;
	v7 =	vld [tilespmem:s15+$0x55A0]  }
0x7b: {  	v60 =	vld [tilespmem:s15+$0x15C0]  }
0x7c: {  	v61 =	vld [tilespmem:s15+$0x55C0];
	v8 =	vmul.f32 v9, v8  }
0x7d: {  	v62 =	vld [tilespmem:s15+$0x55D0];
	[tilespmem:s15+$0x15F0] =	vst v6  }
0x7e: {  	v6 =	vld [tilespmem:s15+$0x55B0];
	[tilespmem:s15+$0x1580] =	vst v8;
	v8 =	vmul.f32 v11, v10  }
0x7f: {  	v1 =	vmul.f32 v3, v1;
	v3 =	vld [tilespmem:s15+$0x55E0];
	v7 =	vmul.f32 v7, v12  }
0x80: {  	[tilespmem:s15+$0x1590] =	vst v8;
	v8 =	vld [tilespmem:s15+$0x15D0]  }
0x81: {  	[tilespmem:s15+$0x15A0] =	vst v7;
	v7 =	vld [tilespmem:s15+$0x15E0]  }
0x82: {  	[tilespmem:s14+$0x15C0] =	vst v5;
	v2 =	vmul.f32 v4, v2  }
0x83: {  	[tilespmem:s14+$0x15D0] =	vst v1;
	v1 =	vmul.f32 v6, v13  }
0x84: {  	[tilespmem:s14+$0x15E0] =	vst v2;
	v2 =	vmul.f32 v61, v60  }
0x85: {  	[tilespmem:s15+$0x15B0] =	vst v1;
	v1 =	vmul.f32 v62, v8  }
0x86: {  	[tilespmem:s15+$0x15C0] =	vst v2;
	v2 =	vmul.f32 v3, v7  }
0x87: {  	p0 =	seq.s32 s13, $0x26;
	s14 =	sshll.u32 s13, $0x7;
	[tilespmem:s15+$0x15D0] =	vst v1  }
0x88: {  	[tilespmem:s15+$0x15E0] =	vst v2;
	s15 =	sadd.s32 @!p0 $0x80, s14  }
0x89: {  	[spmem:s3] =	stream.indirect.scatter.add.f32 [tilespmem:s22], [sflag:$0x7], $0x80, s20, s21, $0xb8;
	[tilespmem:$0x1E200] =	vst v63  }
0x8a: {  	s16 =	sadd.s32 @!p0 s6, s15;
	_ =	swait.ge [sflag:s19], $0x2000  }
0x8b: {  	s23 =	simm.s32 @!p0 $0x0;
	s16 =	sshrl.u32 @!p0 s16, $0x3;
	[sflag:s19] =	ssyncset.done $0x0  }
0x8c: {  	s10 =	simm.s32 @!p0 $0x1400;
	s16 =	sadd.s32 @!p0 s8, s16;
	[sflag:s19] =	ssyncadd.s32 $0xFFFFE000  }
0x8d: {  	[tilespmem:s10], [sflag:$0x5] =	stream.linear.gather @!p0 [hbm4b:s16+s23], $0x40, $0x38;
	[tilespmem:$0x1E200] =	vst v63  }
0x8e: {  	s10 =	simm.s32 @!p0 $0x40;
	s16 =	simm.s32 @!p0 $0x1580  }
0x8f: {  	[tilespmem:s16], [sflag:$0x1] =	stream.indirect.gather @!p0 [hbm4b:s1+s10], $0x80, s15, s10, $0xb8;
	[tilespmem:$0x1E200] =	vst v63  }
0x90: {  	s10 =	sadd.s32 @!p0 s4, s15  }
0x91: {  	s10 =	sshll.u32 @!p0 s10, $0x4  }
0x92: {  	s15 =	simm.s32 @!p0 $0x5580;
	s10 =	sadd.s32 @!p0 s7, s10  }
0x93: {  	[tilespmem:s15], [sflag:$0x3] =	stream.linear.gather @!p0 [hbm4b:s10+s23], $0x2000, $0x38;
	[tilespmem:$0x1E200] =	vst v63  }
0x94: {  	_ =	swait.ge [sflag:s31], $0x40  }
0x95: {  	[sflag:s31] =	ssyncset.done $0x0  }
0x96: {  	[sflag:s31] =	ssyncadd.s32 $0xFFFFFFC0  }
0x97: {  	_ =	swait.ge [sflag:s2], $0x2000  }
0x98: {  	[sflag:s2] =	ssyncset.done $0x0  }
0x99: {  	[sflag:s2] =	ssyncadd.s32 $0xFFFFE000  }
0x9a: {  	_ =	swait.ge [sflag:s9], $0x2000  }
0x9b: {  	[sflag:s9] =	ssyncset.done $0x0  }
0x9c: {  	s15 =	simm.s32 $0x0;
	[sflag:s9] =	ssyncadd.s32 $0xFFFFE000  }
0x9d: {  	v1 =	vld [tilespmem:s15+$0x35F0]  }
0x9e: {  	v2 =	vld [tilespmem:s15+$0x75F0]  }
0x9f: {  	v3 =	vld [tilespmem:s15+$0x3580]  }
0xa0: {  	v4 =	vld [tilespmem:s15+$0x7580]  }
0xa1: {  	v5 =	vld [tilespmem:s15+$0x3590]  }
0xa2: {  	v6 =	vld [tilespmem:s15+$0x7590]  }
0xa3: {  	v7 =	vld [tilespmem:s15+$0x35A0]  }
0xa4: {  	v8 =	vld [tilespmem:s15+$0x35B0]  }
0xa5: {  	v1 =	vmul.f32 v2, v1;
	v2 =	vld [tilespmem:s15+$0x75A0]  }
0xa6: {  	v3 =	vmul.f32 v4, v3;
	v4 =	vld [tilespmem:s15+$0x75B0]  }
0xa7: {  	v63 =	vld [tilespmem:s15+$0x75C0]  }
0xa8: {  	[tilespmem:s15+$0x35F0] =	vst v1;
	v1 =	vmul.f32 v6, v5;
	v5 =	vld [tilespmem:s15+$0x35C0]  }
0xa9: {  	[tilespmem:s15+$0x3580] =	vst v3;
	v3 =	vld [tilespmem:s15+$0x75D0]  }
0xaa: {  	[tilespmem:s15+$0x3590] =	vst v1;
	v1 =	vld [tilespmem:s15+$0x35D0];
	v2 =	vmul.f32 v2, v7  }
0xab: {  	v7 =	vmul.f32 v4, v8;
	v4 =	vld [tilespmem:s15+$0x75E0]  }
0xac: {  	s23 =	simm.s32 $0x80;
	[tilespmem:s15+$0x35A0] =	vst v2;
	v2 =	vld [tilespmem:s15+$0x35E0]  }
0xad: {  	s16 =	simm.s32 $0x400;
	v6 =	vld [tilespmem:s23+$0x35F0];
	[tilespmem:s15+$0x35B0] =	vst v7;
	v5 =	vmul.f32 v63, v5  }
.LBB2_9:
0xae: {  	p1 =	sne.s32 s16, $0x7E00;
	v7 =	vld [tilespmem:s23+$0x75F0]  }
0xaf: {  	v8 =	vld [tilespmem:s23+$0x3580];
	[tilespmem:s15+$0x35C0] =	vst v5;
	v1 =	vmul.f32 v3, v1  }
0xb0: {  	v3 =	vld [tilespmem:s23+$0x7580]  }
0xb1: {  	v5 =	vld [tilespmem:s23+$0x3590];
	[tilespmem:s15+$0x35D0] =	vst v1;
	v1 =	vmul.f32 v4, v2  }
0xb2: {  	v2 =	vld [tilespmem:s23+$0x7590]  }
0xb3: {  	v4 =	vld [tilespmem:s23+$0x35A0];
	v6 =	vmul.f32 v7, v6;
	[tilespmem:s15+$0x35E0] =	vst v1;
	s15 =	smov.u32 s23  }
0xb4: {  	v1 =	vld [tilespmem:s15+$0x75A0]  }
0xb5: {  	v3 =	vmul.f32 v3, v8;
	v7 =	vld [tilespmem:s15+$0x35B0];
	[tilespmem:s15+$0x35F0] =	vst v6  }
0xb6: {  	v6 =	vld [tilespmem:s15+$0x75B0]  }
0xb7: {  	[tilespmem:s15+$0x3580] =	vst v3;
	v2 =	vmul.f32 v2, v5;
	v5 =	vld [tilespmem:s15+$0x35C0]  }
0xb8: {  	v8 =	vld [tilespmem:s15+$0x75C0]  }
.Ltmp3:
0xb9: {  	[tilespmem:s15+$0x3590] =	vst v2;
	v2 =	vmul.f32 v1, v4;
	v1 =	vld [tilespmem:s15+$0x35D0];
	(pc) =	sbr.rel @p1 .LBB2_9-.Ltmp3, $4  }
0xba: {  	v3 =	vld [tilespmem:s15+$0x75D0]  }
0xbb: {  	[tilespmem:s15+$0x35A0] =	vst v2;
	v7 =	vmul.f32 v6, v7;
	v2 =	vld [tilespmem:s15+$0x35E0]  }
0xbc: {  	s23 =	sshra.s32 s16, $0x2;
	v4 =	vld [tilespmem:s15+$0x75E0]  }
0xbd: {  	s16 =	sadd.s32 $0x200, s16;
	v6 =	vld [tilespmem:s23+$0x35F0];
	[tilespmem:s15+$0x35B0] =	vst v7;
	v5 =	vmul.f32 v8, v5  }
0xbe: {  	v7 =	vld [tilespmem:s23+$0x75F0]  }
0xbf: {  	v8 =	vld [tilespmem:s23+$0x3580]  }
0xc0: {  	v9 =	vld [tilespmem:s23+$0x7580]  }
0xc1: {  	v10 =	vld [tilespmem:s23+$0x3590]  }
0xc2: {  	v11 =	vld [tilespmem:s23+$0x7590]  }
0xc3: {  	v12 =	vld [tilespmem:s23+$0x35A0]  }
0xc4: {  	v56 =	vld [tilespmem:s23+$0x75A0]  }
0xc5: {  	v13 =	vld [tilespmem:s23+$0x35B0]  }
0xc6: {  	v57 =	vld [tilespmem:s23+$0x75B0]  }
0xc7: {  	v59 =	vld [tilespmem:s23+$0x35C0]  }
0xc8: {  	v60 =	vld [tilespmem:s23+$0x75C0];
	v1 =	vmul.f32 v3, v1  }
0xc9: {  	v61 =	vld [tilespmem:s23+$0x35D0];
	[tilespmem:s15+$0x35C0] =	vst v5;
	v2 =	vmul.f32 v4, v2  }
0xca: {  	v62 =	vld [tilespmem:s23+$0x75D0];
	[tilespmem:s15+$0x35D0] =	vst v1;
	v6 =	vmul.f32 v7, v6  }
0xcb: {  	v63 =	vld [tilespmem:s23+$0x35E0];
	v8 =	vmul.f32 v9, v8;
	[tilespmem:s15+$0x35E0] =	vst v2  }
0xcc: {  	v3 =	vld [tilespmem:s23+$0x75E0];
	v58 =	vmul.f32 v11, v10;
	[tilespmem:s23+$0x35F0] =	vst v6  }
0xcd: {  	v7 =	vmul.f32 v56, v12;
	[tilespmem:s23+$0x3580] =	vst v8  }
0xce: {  	v1 =	vmul.f32 v57, v13;
	[tilespmem:s23+$0x3590] =	vst v58  }
0xcf: {  	v2 =	vmul.f32 v60, v59;
	[tilespmem:s23+$0x35A0] =	vst v7  }
0xd0: {  	[tilespmem:s23+$0x35B0] =	vst v1;
	v1 =	vmul.f32 v62, v61  }
0xd1: {  	[tilespmem:s23+$0x35C0] =	vst v2;
	v2 =	vmul.f32 v3, v63  }
0xd2: {  	[tilespmem:s23+$0x35D0] =	vst v1  }
.Ltmp4:
0xd3: {  	[tilespmem:s23+$0x35E0] =	vst v2;
	(pc) =	sbr.rel @p0 .LBB2_12-.Ltmp4, $4  }
0xd4: {  	[spmem:s3] =	stream.indirect.scatter.add.f32 [tilespmem:s25], [sflag:$0x7], $0x80, s24, s21, $0xb8;
	[tilespmem:$0x1E200] =	vst v63  }
0xd5: {  	_ =	swait.ge [sflag:s19], $0x2000  }
0xd6: {  	[sflag:s19] =	ssyncset.done $0x0  }
0xd7: {  	[sflag:s19] =	ssyncadd.s32 $0xFFFFE000  }
0xd8: {  	s10 =	sadd.s32 $0xC0, s14  }
0xd9: {  	s14 =	sadd.s32 s6, s10  }
0xda: {  	s14 =	sshrl.u32 s14, $0x3  }
0xdb: {  	s14 =	sadd.s32 s8, s14  }
0xdc: {  	[tilespmem:s24], [sflag:$0x6] =	stream.linear.gather [hbm4b:s14+s5], $0x40, $0x38;
	[tilespmem:$0x1E200] =	vst v63  }
0xdd: {  	_ = 	snop  }
0xde: {  	[tilespmem:s25], [sflag:$0x2] =	stream.indirect.gather [hbm4b:s1+s21], $0x80, s10, s21, $0xb8;
	[tilespmem:$0x1E200] =	vst v63  }
.Ltmp5:
0xdf: {  	_ = 	snop;
	(pc) =	sbr.rel .LBB2_6-.Ltmp5, $4  }
0xe0: {  	s10 =	sadd.s32 s4, s10  }
0xe1: {  	s10 =	sshll.u32 s10, $0x4  }
0xe2: {  	s13 =	sadd.s32 $0x1, s13;
	s10 =	sadd.s32 s7, s10  }
0xe3: {  	[tilespmem:s26], [sflag:$0x4] =	stream.linear.gather [hbm4b:s10+s5], $0x2000, $0x38;
	[tilespmem:$0x1E200] =	vst v63  }
.LBB2_12:
0xe4: {  	s10 =	simm.s32 $0x0;
	s11 =	rddreg [dreg:$0x9];
	s13 =	simm.s32 $0x1500  }
0xe5: {  	[tilespmem:s13], [sflag:$0x7] =	stream.linear.gather [hbm4b:s11+s10], $0x8, $0x38;
	[tilespmem:$0x1E200] =	vst v63  }
0xe6: {  	_ =	swait.ge [sflag:s19], $0x8  }
0xe7: {  	[sflag:s19] =	ssyncset.done $0x0  }
0xe8: {  	s14 =	simm.s32 $0x8;
	s15 =	simm.s32 $0x1380;
	[sflag:s19] =	ssyncadd.s32 $0xFFFFFFF8  }
0xe9: {  	[tilespmem:s22], [sflag:$0x1] =	stream.indirect.gather [hbm4b:s1+s14], $0x80, s15, s14, $0xb8;
	[tilespmem:$0x1E200] =	vst v63  }
0xea: {  	_ =	swait.ge [sflag:s29], $0x400  }
0xeb: {  	[sflag:s29] =	ssyncset.done $0x0  }
0xec: {  	s23 =	simm.s32 $0x5580;
	s16 =	rddreg [dreg:$0xa];
	[sflag:s29] =	ssyncadd.s32 $0xFFFFFC00  }
0xed: {  	[tilespmem:s23], [sflag:$0x3] =	stream.linear.gather [hbm4b:s16+s10], $0x400, $0x38;
	[tilespmem:$0x1E200] =	vst v63  }
0xee: {  	_ =	swait.ge [sflag:s30], $0x400  }
0xef: {  	[sflag:s30] =	ssyncset.done $0x0  }
0xf0: {  	s13 =	simm.s32 $0x0;
	[sflag:s30] =	ssyncadd.s32 $0xFFFFFC00  }
0xf1: {  	v1 =	vld [tilespmem:s13+$0x15F0]  }
0xf2: {  	v2 =	vld [tilespmem:s13+$0x55F0]  }
0xf3: {  	v3 =	vld [tilespmem:s13+$0x1580]  }
0xf4: {  	v4 =	vld [tilespmem:s13+$0x5580]  }
0xf5: {  	v5 =	vld [tilespmem:s13+$0x1590]  }
0xf6: {  	v6 =	vld [tilespmem:s13+$0x5590]  }
0xf7: {  	v7 =	vld [tilespmem:s13+$0x15A0]  }
0xf8: {  	v8 =	vld [tilespmem:s13+$0x15B0]  }
0xf9: {  	v1 =	vmul.f32 v2, v1;
	v2 =	vld [tilespmem:s13+$0x55A0]  }
0xfa: {  	v3 =	vmul.f32 v4, v3;
	v4 =	vld [tilespmem:s13+$0x55B0]  }
0xfb: {  	v9 =	vld [tilespmem:s13+$0x55C0]  }
0xfc: {  	[tilespmem:s13+$0x15F0] =	vst v1;
	v1 =	vmul.f32 v6, v5;
	v5 =	vld [tilespmem:s13+$0x15C0]  }
0xfd: {  	[tilespmem:s13+$0x1580] =	vst v3;
	v3 =	vld [tilespmem:s13+$0x55D0]  }
0xfe: {  	[tilespmem:s13+$0x1590] =	vst v1;
	v1 =	vld [tilespmem:s13+$0x15D0];
	v2 =	vmul.f32 v2, v7  }
0xff: {  	v7 =	vmul.f32 v4, v8;
	v4 =	vld [tilespmem:s13+$0x55E0]  }
0x100: {  	s14 =	simm.s32 $0x80;
	[tilespmem:s13+$0x15A0] =	vst v2;
	v2 =	vld [tilespmem:s13+$0x15E0]  }
0x101: {  	s15 =	simm.s32 $0x400;
	v6 =	vld [tilespmem:s14+$0x15F0];
	[tilespmem:s13+$0x15B0] =	vst v7;
	v5 =	vmul.f32 v9, v5  }
.LBB2_13:
0x102: {  	p0 =	sne.s32 s15, $0xE00;
	v7 =	vld [tilespmem:s14+$0x55F0]  }
0x103: {  	v8 =	vld [tilespmem:s14+$0x1580];
	[tilespmem:s13+$0x15C0] =	vst v5;
	v1 =	vmul.f32 v3, v1  }
0x104: {  	v3 =	vld [tilespmem:s14+$0x5580]  }
0x105: {  	v5 =	vld [tilespmem:s14+$0x1590];
	[tilespmem:s13+$0x15D0] =	vst v1;
	v1 =	vmul.f32 v4, v2  }
0x106: {  	v2 =	vld [tilespmem:s14+$0x5590]  }
0x107: {  	v4 =	vld [tilespmem:s14+$0x15A0];
	v6 =	vmul.f32 v7, v6;
	[tilespmem:s13+$0x15E0] =	vst v1;
	s13 =	smov.u32 s14  }
0x108: {  	v1 =	vld [tilespmem:s13+$0x55A0]  }
0x109: {  	v3 =	vmul.f32 v3, v8;
	v7 =	vld [tilespmem:s13+$0x15B0];
	[tilespmem:s13+$0x15F0] =	vst v6  }
0x10a: {  	v6 =	vld [tilespmem:s13+$0x55B0]  }
0x10b: {  	[tilespmem:s13+$0x1580] =	vst v3;
	v2 =	vmul.f32 v2, v5;
	v5 =	vld [tilespmem:s13+$0x15C0]  }
0x10c: {  	v8 =	vld [tilespmem:s13+$0x55C0]  }
.Ltmp6:
0x10d: {  	[tilespmem:s13+$0x1590] =	vst v2;
	v2 =	vmul.f32 v1, v4;
	v1 =	vld [tilespmem:s13+$0x15D0];
	(pc) =	sbr.rel @p0 .LBB2_13-.Ltmp6, $4  }
0x10e: {  	v3 =	vld [tilespmem:s13+$0x55D0]  }
0x10f: {  	[tilespmem:s13+$0x15A0] =	vst v2;
	v7 =	vmul.f32 v6, v7;
	v2 =	vld [tilespmem:s13+$0x15E0]  }
0x110: {  	s14 =	sshra.s32 s15, $0x2;
	v4 =	vld [tilespmem:s13+$0x55E0]  }
0x111: {  	s15 =	sadd.s32 $0x200, s15;
	v6 =	vld [tilespmem:s14+$0x15F0];
	[tilespmem:s13+$0x15B0] =	vst v7;
	v5 =	vmul.f32 v8, v5  }
0x112: {  	v7 =	vld [tilespmem:s14+$0x55F0]  }
0x113: {  	v8 =	vld [tilespmem:s14+$0x1580]  }
0x114: {  	v9 =	vld [tilespmem:s14+$0x5580]  }
0x115: {  	v10 =	vld [tilespmem:s14+$0x1590]  }
0x116: {  	v11 =	vld [tilespmem:s14+$0x5590]  }
0x117: {  	v12 =	vld [tilespmem:s14+$0x15A0]  }
0x118: {  	v56 =	vld [tilespmem:s14+$0x55A0]  }
0x119: {  	v13 =	vld [tilespmem:s14+$0x15B0]  }
0x11a: {  	v57 =	vld [tilespmem:s14+$0x55B0]  }
0x11b: {  	v59 =	vld [tilespmem:s14+$0x15C0]  }
0x11c: {  	v60 =	vld [tilespmem:s14+$0x55C0];
	v1 =	vmul.f32 v3, v1  }
0x11d: {  	v61 =	vld [tilespmem:s14+$0x15D0];
	[tilespmem:s13+$0x15C0] =	vst v5;
	v2 =	vmul.f32 v4, v2  }
0x11e: {  	v62 =	vld [tilespmem:s14+$0x55D0];
	[tilespmem:s13+$0x15D0] =	vst v1;
	v6 =	vmul.f32 v7, v6  }
0x11f: {  	v63 =	vld [tilespmem:s14+$0x15E0];
	v8 =	vmul.f32 v9, v8;
	[tilespmem:s13+$0x15E0] =	vst v2  }
0x120: {  	v3 =	vld [tilespmem:s14+$0x55E0];
	v58 =	vmul.f32 v11, v10;
	[tilespmem:s14+$0x15F0] =	vst v6  }
0x121: {  	v7 =	vmul.f32 v56, v12;
	[tilespmem:s14+$0x1580] =	vst v8  }
0x122: {  	v1 =	vmul.f32 v57, v13;
	[tilespmem:s14+$0x1590] =	vst v58  }
0x123: {  	v2 =	vmul.f32 v60, v59;
	[tilespmem:s14+$0x15A0] =	vst v7  }
0x124: {  	[tilespmem:s14+$0x15B0] =	vst v1;
	v1 =	vmul.f32 v62, v61  }
0x125: {  	[tilespmem:s14+$0x15C0] =	vst v2;
	v2 =	vmul.f32 v3, v63  }
0x126: {  	[tilespmem:s14+$0x15D0] =	vst v1  }
0x127: {  	s10 =	simm.s32 $0x1500;
	s11 =	simm.s32 $0x8;
	[tilespmem:s14+$0x15E0] =	vst v2  }
0x128: {  	[spmem:s3] =	stream.indirect.scatter.add.f32 [tilespmem:s22], [sflag:$0x7], $0x80, s10, s11, $0xb8;
	[tilespmem:$0x1E200] =	vst v63  }
0x129: {  	s23 =	sadd.s32 $0x0, s0;
	_ =	swait.ge [sflag:s19], $0x400  }
0x12a: {  	p0 =	sgt.u32 s23, $0xF9;
	[sflag:s19] =	ssyncset.done $0x0  }
0x12b: {  	s16 =	simm.s32 @!p0 $0x7;
	s10 =	sshll.u32 @!p0 s0, $0x6;
	[sflag:s19] =	ssyncadd.s32 $0xFFFFFC00  }
0x12c: {  	s13 =	sshrl.u32 @!p0 s17, $0x3;
	s10 =	sor.u32 @!p0 $0x1C07, s10;
	[bflag:$0x0] =	sbarrier.arrive $0xFFFF  }
0x12d: {  	[hbm:s18], [sflag:s10] =	dma.local @!p0 [spmem:s13], $0x280  }
0x12e: {  	s15 =	sadd.s32 $0x14000, s17;
	s23 =	sadd.s32 $0x10, s0;
	_ =	swait.ge @!p0 [sflag:s16], $0x280  }
0x12f: {  	s14 =	simm.s32 $0x20;
	s13 =	sadd.s32 $0x2800, s18;
	[sflag:s16] =	ssyncset.done @!p0 $0x0  }
.LBB2_15:
0x130: {  	s10 =	smov.u32 s14;
	s14 =	sadd.s32 $0x10, s14  }
0x131: {  	[sflag:s16] =	ssyncadd.s32 @!p0 $0xFFFFFD80;
	p0 =	sgt.u32 s23, $0xF9;
	p1 =	sne.s32 s14, $0x100  }
.Ltmp7:
0x132: {  	s16 =	sshll.u32 @!p0 s0, $0x6;
	s23 =	sshrl.u32 @!p0 s15, $0x3;
	(pc) =	sbr.rel @p1 .LBB2_15-.Ltmp7, $4  }
0x133: {  	s11 =	sor.u32 @!p0 $0x1C07, s16;
	s16 =	simm.s32 @!p0 $0x7  }
0x134: {  	[hbm:s13], [sflag:s11] =	dma.local @!p0 [spmem:s23], $0x280  }
0x135: {  	s13 =	sadd.s32 $0x2800, s13;
	_ =	swait.ge @!p0 [sflag:s16], $0x280  }
0x136: {  	s15 =	sadd.s32 $0x14000, s15;
	s23 =	sadd.s32 s10, s0;
	[sflag:s16] =	ssyncset.done @!p0 $0x0  }
0x137: {  	p1 =	sgt.u32 s23, $0xF9  }
0x138: {  	[sflag:s16] =	ssyncadd.s32 @!p0 $0xFFFFFD80;
	s10 =	sshll.u32 @!p1 s0, $0x6  }
0x139: {  	s11 =	sshrl.u32 @!p1 s15, $0x3;
	s14 =	simm.s32 @!p1 $0x7;
	s10 =	sor.u32 @!p1 $0x1C07, s10  }
0x13a: {  	[hbm:s13], [sflag:s10] =	dma.local @!p1 [spmem:s11], $0x280  }
0x13b: {  	_ =	swait.ge @!p1 [sflag:s14], $0x280  }
0x13c: {  	s12 =	sadd.s32 $0x1, s12;
	s23 =	rddreg [dreg:$0xb]  }
0x13d: {  	p0 =	sne.s32 s12, s23  }
.Ltmp8:
0x13e: {  	_ = 	snop;
	(pc) =	sbr.rel @p0 .LBB2_1-.Ltmp8, $3  }
0x13f: {  	_ =	sdelay $0x1  }
0x140: {  	[sflag:s14] =	ssyncset.done @!p1 $0x0  }
0x141: {  	[sflag:s14] =	ssyncadd.s32 @!p1 $0xFFFFFD80  }
0x142: {  	_ =	sfence.sel $0x180000  }
0x143: {  	[bflag:$0x0] =	sbarrier.arrive $0xFFFF  }
0x144: {  	_ =	strace $0x9000004A  }
0x145: {  	[bflag:$0x2] =	sbarrier.arrive $0xFFFF  }
0x146: {  	p0 =	sne.s32 s0, $0x0;
	s0 =	rddreg [dreg:$0x3]  }
0x147: {  	s0 =	sadd.s32 @!p0 $0x100000, s0  }
0x148: {  	[sflag:s0] =	ssyncadd.tile.s32 @!p0 $0x1;
	_ =	shalt  }
.Lfunc_end2:
_tile_overlayer_lowered:
.L_overlay_start_2:
0x149: {  	(tag) =	ssettag $0x2  }
0x14a: {  	s0 =	rddreg [dreg:$0x0];
	s2 =	stileid.u32  }
0x14b: {  	s1 =	rddreg [dreg:$0x1];
	p0 =	sne.s32 s2, $0x0  }
0x14c: {  	s3 =	rddreg [dreg:$0x2];
	[bflag:$0x3] =	sbarrier.arrive $0xFFFF;
	s2 =	simm.s32 @!p0 $0x1C07  }
0x14d: {  	[timem:s3], [sflag:s2] =	dma.local @!p0 [hbm:s0], s1  }
0x14e: {  	s0 =	simm.s32 @!p0 $0x7  }
0x14f: {  	_ =	swait.ge @!p0 [sflag:s0], s1  }
0x150: {  	s1 =	ssub.s32 @!p0 $0x0, s1;
	[sflag:s0] =	ssyncset.done @!p0 $0x0  }
0x151: {  	[sflag:s0] =	ssyncadd.s32 @!p0 s1  }
0x152: {  	[bflag:$0x3] =	sbarrier.arrive $0xFFFF  }
0x153: {  	_ =	shalt  }

// kernel: kernel.8.cloned.1.call-start
scs
__scs_entry_jumppad:
0x0: {  	(pc) =	sbr.rel $0x88, $3  }
0x1: {  	(tag) =	ssettag $0x0;
	lr =	simm.s32 $0x1  }
0x2: {  	[smem:$0x3F95] =	sst lr;
	_ =	strace $0xD0000000  }
0x3: {  	_ = 	snop  }
0x4: {  	_ = 	snop  }
0x5: {  	_ = 	snop  }
0x6: {  	_ = 	snop  }
0x7: {  	_ = 	snop  }
__scs_overlays_trampoline_lowered:
0x8: {  	[smem:$0x3FA4] =	sst s0  }
0x9: {  	[smem:$0x3FA5] =	sst s1  }
0xa: {  	[smem:$0x3FA6] =	sst s2  }
0xb: {  	[smem:$0x3FA7] =	sst s3  }
0xc: {  	[smem:$0x3FA8] =	sst s4  }
0xd: {  	[smem:$0x3FA9] =	sst s5  }
0xe: {  	[smem:$0x3FAA] =	sst s6  }
0xf: {  	[smem:$0x3FAB] =	sst s7  }
0x10: {  	[smem:$0x3FAC] =	sst s8  }
0x11: {  	[smem:$0x3FAD] =	sst s9;
	s0 =	simm.s32 @!p0 $0x0  }
0x12: {  	s1 =	sld [smem:$0x3F93];
	s0 =	simm.s32 @p0 $0x1  }
0x13: {  	[smem:$0x3FAE] =	sst s0;
	s0 =	simm.s32 @!p1 $0x0  }
0x14: {  	s2 =	sld [smem:$0x3F92];
	s0 =	simm.s32 @p1 $0x1  }
0x15: {  	[smem:$0x3FAF] =	sst s0;
	s0 =	simm.s32 @!p2 $0x0  }
0x16: {  	s3 =	sld [smem:$0x3FDB];
	s0 =	simm.s32 @p2 $0x1  }
0x17: {  	s4 =	simm.s32 $0x1BF5;
	[smem:$0x3FB1] =	sst s0  }
0x18: {  	s0 =	sld [smem:$0x3F94];
	_ =	swait.ge [sflag:s4], $0x0  }
0x19: {  	s7 =	sld [smem:$0x3F95]  }
0x1a: {  	s8 =	sadd.s32 $0xFFFFE003, lr  }
0x1b: {  	s9 =	sadd.s32 $0xFFFFFEF7, lr;
	s5 =	simm.s32 $0xFFFFFFFF;
	p2 =	slt.u32 s8, $0xFFFFF086  }
0x1c: {  	p1 =	slt.u32 s9, $0xF7A;
	s5 =	simm.s32 @!p2 $0x0  }
0x1d: {  	s5 =	simm.s32 @p1 $0x1;
	p0 =	seq.s32 s7, s2  }
0x1e: {  	s7 =	smul.u32 @!p0 $0xF7A, s2;
	p2 =	seq.s32 @!p0 s5, $0x0  }
0x1f: {  	s9 =	smul.u32 $0xF7A, s1;
	s8 =	simm.s32 @!p0 $0x1BF5;
	p2 =	por !p2, p0  }
0x20: {  	[sflag:s8] =	ssyncset.s32 @!p0 $0xFFFFF086;
	s6 =	sadd.s32 @!p0 s3, s7;
	s7 =	simm.s32 @!p0 $0x108  }
0x21: {  	s3 =	sadd.s32 s3, s9;
	s6 =	sadd.s32 @!p0 $0x88, s6;
	s7 =	simm.s32 @p2 $0x1082  }
0x22: {  	[simem:s7], [sflag:s8] =	dma.local @!p0 [hbm:s6], $0xF7A  }
0x23: {  	s9 =	sor.u32 $0xD0000000, s2;
	s6 =	simm.s32 $0x108;
	_ =	swait.ge @!p0 [sflag:s8], $0x0  }
0x24: {  	s3 =	sadd.s32 $0x88, s3;
	s6 =	simm.s32 @!p1 $0x1082;
	[sflag:s4] =	ssyncset.s32 $0xFFFFF086  }
0x25: {  	[simem:s6], [sflag:s4] =	dma.local [hbm:s3], $0xF7A  }
0x26: {  	[smem:$0x3F95] =	sst s1;
	(tag) =	ssettag s2;
	_ =	strace s9  }
0x27: {  	s1 =	sld [smem:$0x3FA5]  }
0x28: {  	s2 =	sld [smem:$0x3FA6]  }
0x29: {  	s4 =	sld [smem:$0x3FA8]  }
0x2a: {  	p0 =	seq.s32 s5, $0x0;
	s5 =	sld [smem:$0x3FA9]  }
0x2b: {  	s6 =	sld [smem:$0x3FAA]  }
0x2c: {  	s7 =	sld [smem:$0x3FAB]  }
0x2d: {  	s3 =	simm.s32 $0x108;
	s8 =	sld [smem:$0x3FAC]  }
0x2e: {  	s3 =	simm.s32 @!p0 $0x1082;
	s9 =	sld [smem:$0x3FAD]  }
0x2f: {  	lr =	sadd.s32 s0, s3;
	s0 =	sld [smem:$0x3FA4]  }
0x30: {  	s3 =	sld [smem:$0x3FA7]  }
0x31: {  	[smem:$0x3FB0] =	sst s10  }
0x32: {  	s10 =	sld [smem:$0x3FAE];
	_ =	sdelay $0x3  }
0x33: {  	p0 =	seq.s32 s10, $0x1;
	s10 =	sld [smem:$0x3FB0];
	_ =	sdelay $0x3  }
0x34: {  	[smem:$0x3FB0] =	sst s10  }
0x35: {  	s10 =	sld [smem:$0x3FAF];
	_ =	sdelay $0x3  }
0x36: {  	p1 =	seq.s32 s10, $0x1;
	s10 =	sld [smem:$0x3FB0];
	_ =	sdelay $0x3  }
0x37: {  	[smem:$0x3FB0] =	sst s10  }
0x38: {  	s10 =	sld [smem:$0x3FB1]  }
0x39: {  	_ = 	snop;
	(pc) =	sbr.ind lr, $3  }
0x3a: {  	_ = 	snop  }
0x3b: {  	_ = 	snop  }
0x3c: {  	p2 =	seq.s32 s10, $0x1;
	s10 =	sld [smem:$0x3FB0]  }
0x3d: {  	_ =	shalt  }
0x3e: {  	_ =	shalt  }
0x3f: {  	_ =	shalt  }
0x40: {  	_ =	shalt  }
0x41: {  	_ =	shalt  }
0x42: {  	_ =	shalt  }
0x43: {  	_ =	shalt  }
0x44: {  	_ =	shalt  }
0x45: {  	_ =	shalt  }
0x46: {  	_ =	shalt  }
0x47: {  	_ =	shalt  }
0x48: {  	_ =	shalt  }
0x49: {  	_ =	shalt  }
0x4a: {  	_ =	shalt  }
0x4b: {  	_ =	shalt  }
0x4c: {  	_ =	shalt  }
0x4d: {  	_ =	shalt  }
0x4e: {  	_ =	shalt  }
0x4f: {  	_ =	shalt  }
0x50: {  	_ =	shalt  }
0x51: {  	_ =	shalt  }
0x52: {  	_ =	shalt  }
0x53: {  	_ =	shalt  }
0x54: {  	_ =	shalt  }
0x55: {  	_ =	shalt  }
0x56: {  	_ =	shalt  }
0x57: {  	_ =	shalt  }
0x58: {  	_ =	shalt  }
0x59: {  	_ =	shalt  }
0x5a: {  	_ =	shalt  }
0x5b: {  	_ =	shalt  }
0x5c: {  	_ =	shalt  }
0x5d: {  	_ =	shalt  }
0x5e: {  	_ =	shalt  }
0x5f: {  	_ =	shalt  }
0x60: {  	_ =	shalt  }
0x61: {  	_ =	shalt  }
0x62: {  	_ =	shalt  }
0x63: {  	_ =	shalt  }
0x64: {  	_ =	shalt  }
0x65: {  	_ =	shalt  }
0x66: {  	_ =	shalt  }
0x67: {  	_ =	shalt  }
0x68: {  	_ =	shalt  }
0x69: {  	_ =	shalt  }
0x6a: {  	_ =	shalt  }
0x6b: {  	_ =	shalt  }
0x6c: {  	_ =	shalt  }
0x6d: {  	_ =	shalt  }
0x6e: {  	_ =	shalt  }
0x6f: {  	_ =	shalt  }
0x70: {  	_ =	shalt  }
0x71: {  	_ =	shalt  }
0x72: {  	_ =	shalt  }
0x73: {  	_ =	shalt  }
0x74: {  	_ =	shalt  }
0x75: {  	_ =	shalt  }
0x76: {  	_ =	shalt  }
0x77: {  	_ =	shalt  }
0x78: {  	_ =	shalt  }
0x79: {  	_ =	shalt  }
0x7a: {  	_ =	shalt  }
0x7b: {  	_ =	shalt  }
0x7c: {  	_ =	shalt  }
0x7d: {  	_ =	shalt  }
0x7e: {  	_ =	shalt  }
0x7f: {  	_ =	shalt  }
0x80: {  	_ =	shalt  }
0x81: {  	_ =	shalt  }
0x82: {  	_ =	shalt  }
0x83: {  	_ =	shalt  }
0x84: {  	_ =	shalt  }
0x85: {  	_ =	shalt  }
0x86: {  	_ =	shalt  }
0x87: {  	_ =	shalt  }
.Lfunc_end0:
.L_simem_size_0:
called_computation_lowered:
.L_overlay_start_0:
0x88: {  	s2 =	sld [smem:$0x3FD9]  }
0x89: {  	s3 =	sld [smem:$0x3FFE];
	_ =	sdelay $0x1  }
0x8a: {  	s1 =	srdreg.scid  }
0x8b: {  	s0 =	sand.u32 $0x1, s1  }
0x8c: {  	s17 =	sshll.u32 s0, $0xA;
	s2 =	sadd.s32 s3, s2  }
0x8d: {  	s2 =	sadd.s32 s2, s17  }
0x8e: {  	[smem:$0x3FBC] =	sst s2  }
0x8f: {  	_ = 	snop  }
0x90: {  	s2 =	sld [smem:$0x3FD0];
	(tm) =	ssettm $0x1  }
0x91: {  	s18 =	sld [smem:$0x3FFB];
	_ =	sdelay $0x3  }
0x92: {  	_ =	strace s18  }
0x93: {  	s3 =	sld [smem:$0x3FFC];
	_ =	sdelay $0x3  }
0x94: {  	_ =	strace s3  }
0x95: {  	s3 =	sld [smem:$0x3FFD];
	_ =	sdelay $0x3  }
0x96: {  	_ =	strace s3  }
0x97: {  	_ =	strace $0x8FFFFFFF  }
0x98: {  	s19 =	sld [smem:$0x3FDB];
	_ =	sdelay $0x1  }
0x99: {  	s4 =	simm.s32 $_scs_section_size  }
0x9a: {  	s5 =	simm.s32 $_size__tile_overlayer_lowered;
	s6 =	simm.s32 $_tile_overlayer_lowered  }
0x9b: {  	s22 =	simm.s32 $0x1BFF;
	s21 =	sshll.u32 s6, $0x1;
	s3 =	sadd.s32 s4, s19  }
0x9c: {  	s7 =	simm.s32 $0x0;
	s20 =	sshll.u32 s5, $0x1;
	s5 =	sadd.s32 s21, s3  }
0x9d: {  	[timem:s7], [sflag:s22] =	dma.local [hbm:s5], s20  }
0x9e: {  	_ =	swait.ge [sflag:s22], s20  }
0x9f: {  	s4 =	ssub.s32 $0x0, s20;
	[sflag:s22] =	ssyncset.done $0x0  }
0xa0: {  	[sflag:s22] =	ssyncadd.s32 s4;
	_ =	sdelay $0x1  }
0xa1: {  	s23 =	simm.s32 $0x1B8B  }
0xa2: {  	_ =	swait.ge [sflag:s23], $0x1  }
0xa3: {  	[sflag:s23] =	ssyncset.done $0x0  }
0xa4: {  	s25 =	simm.s32 $0x1B8E;
	s24 =	sld [smem:$0x3FFE];
	[sflag:s23] =	ssyncadd.s32 $0xFFFFFFFF  }
0xa5: {  	s26 =	simm.s32 $execute0_lowered;
	[smem:$0x3FD2] =	sst s25  }
0xa6: {  	s5 =	sshll.u32 s26, $0x1;
	_ =	strace $0x80000046;
	[dreg:$0x1] =	wrdreg $0xFFFFFFFF  }
0xa7: {  	s28 =	simm.s32 $_size_execute0_lowered;
	s3 =	sadd.s32 s3, s5;
	[dreg:$0x0] =	wrdreg $0x0  }
0xa8: {  	s5 =	sshll.u32 s28, $0x1;
	[dreg:$0x2] =	wrdreg s3  }
0xa9: {  	[dreg:$0x3] =	wrdreg s5  }
0xaa: {  	[dreg:$0x4] =	wrdreg $0xC0  }
0xab: {  	_ =	task [dreg:s7], $0x5FFFF  }
0xac: {  	[dreg:$0x1] =	wrdreg $0xFFFFFFFF  }
0xad: {  	[dreg:$0x0] =	wrdreg $0x60  }
0xae: {  	[dreg:$0x2] =	wrdreg s2  }
0xaf: {  	[dreg:$0x3] =	wrdreg s24  }
0xb0: {  	[dreg:$0x4] =	wrdreg $0xA9800  }
0xb1: {  	[dreg:$0x5] =	wrdreg $0x9  }
0xb2: {  	_ =	task.clear_ibuf [dreg:s7], $0x6FFFF;
	_ =	strace $0x90000046  }
0xb3: {  	s29 =	simm.s32 $0x9;
	_ =	strace $0x80000048  }
0xb4: {  	_ =	swait.ge [sflag:s29], $0x1  }
0xb5: {  	[sflag:s29] =	ssyncadd.s32 $0xFFFFFFFF  }
0xb6: {  	_ =	strace $0x90000048  }
0xb7: {  	_ =	sfence  }
0xb8: {  	s30 =	sld [smem:$0x0];
	_ =	sdelay $0x2  }
0xb9: {  	s31 =	sshll.u32 s1, $0xD;
	s1 =	sshrl.u32 s1, $0x2  }
0xba: {  	s3 =	sand.u32 $0x4000, s31;
	s1 =	sadd.s32 s1, s30  }
0xbb: {  	s0 =	sor.u32 s3, s0;
	s1 =	sshll.u32 s1, $0x11  }
0xbc: {  	s0 =	sor.u32 s1, s0  }
0xbd: {  	s0 =	sadd.s32 $0x8F2B, s0  }
0xbe: {  	[sflag:s0] =	ssyncadd.remote.s32 $0x1  }
0xbf: {  	_ =	sfence.sel $0xFFFF  }
0xc0: {  	[dreg:$0x0] =	wrdreg $0xFFFFFFFF;
	(pc) =	sbr.abs _section_cstart, $3  }
0xc1: {  	[dreg:$0x1] =	wrdreg $0xFFFFFFFF  }
0xc2: {  	_ =	task.clear_ibuf [dreg:s7], $0x2FFFF;
	_ =	strace $0x9FFFFFFF  }
0xc3: {  	(tm) =	ssettm $0x7FFFFFFF  }
tec
execute0_lowered:
.L_overlay_start_1:
0x0: {  	(tag) =	ssettag $0x1  }
0x1: {  	s1 =	rddreg [dreg:$0x0]  }
0x2: {  	s2 =	rddreg [dreg:$0x1];
	s4 =	srdreg.scid  }
0x3: {  	s0 =	stileid.u32;
	s3 =	rddreg [dreg:$0x2]  }
0x4: {  	s28 =	simm.s32 $0x1;
	s29 =	simm.s32 $0x3;
	s30 =	simm.s32 $0x6  }
0x5: {  	s31 =	simm.s32 $0x2;
	s8 =	sand.u32 $0x1, s4;
	s5 =	sshll.u32 s0, $0x1  }
0x6: {  	s4 =	simm.s32 $0x0;
	s6 =	sadd.s32 $0x287600, s2;
	s23 =	smul.u32 $0x5000, s0  }
0x7: {  	s7 =	sadd.s32 $0x273A00, s2;
	s13 =	smul.u32 $0x280, s0;
	s9 =	sor.u32 s8, s5  }
0x8: {  	[smem:$0x7FF] =	sst s4;
	s11 =	smul.u32 $0x27100, s8;
	s8 =	ssub.s32 $0x2, s8  }
0x9: {  	s5 =	smul.u32 $0x1388, s9;
	_ =	strace $0x80000047;
	s18 =	sshrl.u32 s8, $0x1  }
0xa: {  	s9 =	smul.u32 $0x13880, s9;
	s26 =	sshrl.u32 s23, $0x2;
	s23 =	simm.s32 $0x1480  }
0xb: {  	s8 =	ssub.s32 s8, s18;
	s16 =	sadd.s32 s26, s3;
	s18 =	simm.s32 $0x7  }
0xc: {  	s26 =	simm.s32 $0x5;
	s10 =	sshrl.u32 s5, $0x3;
	s20 =	sadd.s32 $0x40, s5  }
0xd: {  	s9 =	sadd.s32 s6, s9;
	s22 =	sadd.s32 $0x1380, s5;
	s8 =	smax.u32 s8, $0x1  }
0xe: {  	s12 =	sadd.s32 s10, s2;
	s2 =	sadd.s32 s11, s2;
	s10 =	sadd.s32 s7, s10  }
0xf: {  	[dreg:$0x6] =	wrdreg s9;
	s21 =	sshrl.u32 s20, $0x3;
	s11 =	sshll.u32 s20, $0x4  }
0x10: {  	s24 =	sshrl.u32 s22, $0x3;
	[dreg:$0xb] =	wrdreg s8;
	s20 =	simm.s32 $0x40  }
0x11: {  	s19 =	sadd.s32 $0x27D800, s12;
	[dreg:$0x5] =	wrdreg s10;
	s9 =	sadd.s32 s7, s21  }
0x12: {  	s11 =	sadd.s32 s6, s11;
	s25 =	sadd.s32 s7, s24;
	[dreg:$0x4] =	wrdreg s19  }
0x13: {  	s2 =	sadd.s32 s13, s2;
	s21 =	simm.s32 $0x1580;
	[dreg:$0x7] =	wrdreg s9  }
0x14: {  	s24 =	simm.s32 $0x3580;
	s10 =	simm.s32 $0x0;
	[dreg:$0x8] =	wrdreg s11  }
0x15: {  	[dreg:$0x9] =	wrdreg s25;
	s9 =	sshll.u32 s22, $0x4;
	s17 =	sadd.s32 $0x4F8600, s2  }
0x16: {  	s19 =	simm.s32 $0x1400;
	s25 =	simm.s32 $0x7580;
	s9 =	sadd.s32 s6, s9  }
0x17: {  	v0 =	vimm.f32 $0.0e+00;
	s2 =	simm.s32 $0x4;
	[dreg:$0xa] =	wrdreg s9;
	s9 =	simm.s32 $0x8  }
.LBB2_1:
0x18: {  	s8 =	rddreg [dreg:$0x4]  }
0x19: {  	[tilespmem:s4], [sflag:$0x7] =	stream.linear.gather [hbm4b:s8+s4], $0x1388, $0x38;
	[tilespmem:$0x1E200] =	vst v63  }
0x1a: {  	_ =	swait.ge [sflag:s18], $0x1388  }
0x1b: {  	[sflag:s18] =	ssyncset.done $0x0  }
0x1c: {  	s13 =	rddreg [dreg:$0x5];
	[sflag:s18] =	ssyncadd.s32 $0xFFFFEC78  }
0x1d: {  	[tilespmem:s19], [sflag:$0x5] =	stream.linear.gather [hbm4b:s13+s4], $0x40, $0x38;
	[tilespmem:$0x1E200] =	vst v63  }
0x1e: {  	_ = 	snop  }
0x1f: {  	[tilespmem:s21], [sflag:$0x1] =	stream.indirect.gather [hbm4b:s1+s20], $0x80, s4, s20, $0xb8;
	[tilespmem:$0x1E200] =	vst v63  }
0x20: {  	s11 =	simm.s32 $0x5580;
	s14 =	rddreg [dreg:$0x6]  }
0x21: {  	[tilespmem:s11], [sflag:$0x3] =	stream.linear.gather [hbm4b:s14+s4], $0x2000, $0x38;
	[tilespmem:$0x1E200] =	vst v63  }
0x22: {  	s15 =	rddreg [dreg:$0x7]  }
0x23: {  	[tilespmem:s23], [sflag:$0x6] =	stream.linear.gather [hbm4b:s15+s4], $0x40, $0x38;
	[tilespmem:$0x1E200] =	vst v63  }
0x24: {  	_ = 	snop  }
0x25: {  	[tilespmem:s24], [sflag:$0x2] =	stream.indirect.gather [hbm4b:s1+s20], $0x80, s20, s20, $0xb8;
	[tilespmem:$0x1E200] =	vst v63  }
0x26: {  	s12 =	simm.s32 $0x200;
	s22 =	rddreg [dreg:$0x8];
	s11 =	simm.s32 $0x0  }
0x27: {  	[tilespmem:s25], [sflag:$0x4] =	stream.linear.gather [hbm4b:s22+s4], $0x2000, $0x38;
	[tilespmem:$0x1E200] =	vst v63  }
.LBB2_2:
0x28: {  	p0 =	sne.s32 s12, $0x4E00;
	[tilespmem:s11+$0x95F0] =	vst v0  }
0x29: {  	[tilespmem:s11+$0x9580] =	vst v0  }
0x2a: {  	[tilespmem:s11+$0x9590] =	vst v0  }
.Ltmp0:
0x2b: {  	[tilespmem:s11+$0x95A0] =	vst v0;
	(pc) =	sbr.rel @p0 .LBB2_2-.Ltmp0, $4  }
0x2c: {  	[tilespmem:s11+$0x95B0] =	vst v0  }
0x2d: {  	[tilespmem:s11+$0x95C0] =	vst v0  }
0x2e: {  	[tilespmem:s11+$0x95D0] =	vst v0  }
0x2f: {  	[tilespmem:s11+$0x95E0] =	vst v0;
	s11 =	sshra.s32 s12, $0x2;
	s12 =	sadd.s32 $0x200, s12  }
0x30: {  	[tilespmem:s11+$0x95F0] =	vst v0  }
0x31: {  	[tilespmem:s11+$0x9580] =	vst v0  }
0x32: {  	[tilespmem:s11+$0x9590] =	vst v0  }
0x33: {  	[tilespmem:s11+$0x95A0] =	vst v0  }
0x34: {  	[tilespmem:s11+$0x95B0] =	vst v0  }
0x35: {  	[tilespmem:s11+$0x95C0] =	vst v0;
	s12 =	sadd.s32 $0x0, s0  }
0x36: {  	[tilespmem:s11+$0x95D0] =	vst v0;
	p0 =	sgt.u32 s12, $0xF9  }
0x37: {  	[tilespmem:s11+$0x95E0] =	vst v0;
	s11 =	simm.s32 @!p0 $0x9580;
	s14 =	simm.s32 @!p0 $0x7  }
0x38: {  	[spmem:s16] =	stream.linear.scatter @!p0 [tilespmem:s11], [sflag:$0x7], $0x1400, $0x38;
	[tilespmem:$0x1E200] =	vst v63  }
0x39: {  	s13 =	simm.s32 $0x20;
	_ =	swait.ge @!p0 [sflag:s14], $0x1400  }
0x3a: {  	s12 =	simm.s32 $0x10;
	s11 =	sadd.s32 $0x14000, s16;
	[sflag:s14] =	ssyncset.done @!p0 $0x0  }
.LBB2_4:
0x3b: {  	s22 =	sadd.s32 s12, s0;
	s12 =	smov.u32 s13;
	s13 =	sadd.s32 $0x10, s13  }
0x3c: {  	[sflag:s14] =	ssyncadd.s32 @!p0 $0xFFFFEC00;
	p1 =	sne.s32 s13, $0x100  }
.Ltmp1:
0x3d: {  	p0 =	sgt.u32 s22, $0xF9;
	(pc) =	sbr.rel @p1 .LBB2_4-.Ltmp1, $4  }
0x3e: {  	s22 =	simm.s32 @!p0 $0x9580;
	s14 =	simm.s32 @!p0 $0x7  }
0x3f: {  	[spmem:s11] =	stream.linear.scatter @!p0 [tilespmem:s22], [sflag:$0x7], $0x1400, $0x38;
	[tilespmem:$0x1E200] =	vst v63  }
0x40: {  	_ =	swait.ge @!p0 [sflag:s14], $0x1400  }
0x41: {  	s11 =	sadd.s32 $0x14000, s11;
	[sflag:s14] =	ssyncset.done @!p0 $0x0  }
0x42: {  	s12 =	sadd.s32 s12, s0  }
0x43: {  	p1 =	sgt.u32 s12, $0xF9  }
0x44: {  	[sflag:s14] =	ssyncadd.s32 @!p0 $0xFFFFEC00;
	s12 =	simm.s32 @!p1 $0x9580;
	s13 =	simm.s32 @!p1 $0x7  }
0x45: {  	[spmem:s11] =	stream.linear.scatter @!p1 [tilespmem:s12], [sflag:$0x7], $0x1400, $0x38;
	[tilespmem:$0x1E200] =	vst v63  }
0x46: {  	_ =	swait.ge @!p1 [sflag:s13], $0x1400  }
0x47: {  	[sflag:s13] =	ssyncset.done @!p1 $0x0  }
0x48: {  	[sflag:s13] =	ssyncadd.s32 @!p1 $0xFFFFEC00  }
0x49: {  	s11 =	simm.s32 $0x0;
	[bflag:$0x0] =	sbarrier.arrive $0xFFFF  }
.LBB2_6:
0x4a: {  	_ =	swait.ge [sflag:s26], $0x40  }
0x4b: {  	[sflag:s26] =	ssyncset.done $0x0  }
0x4c: {  	[sflag:s26] =	ssyncadd.s32 $0xFFFFFFC0  }
0x4d: {  	_ =	swait.ge [sflag:s28], $0x2000  }
0x4e: {  	[sflag:s28] =	ssyncset.done $0x0  }
0x4f: {  	[sflag:s28] =	ssyncadd.s32 $0xFFFFE000  }
0x50: {  	_ =	swait.ge [sflag:s29], $0x2000  }
0x51: {  	[sflag:s29] =	ssyncset.done $0x0  }
0x52: {  	s12 =	simm.s32 $0x0;
	[sflag:s29] =	ssyncadd.s32 $0xFFFFE000  }
0x53: {  	v1 =	vld [tilespmem:s12+$0x15F0]  }
0x54: {  	v2 =	vld [tilespmem:s12+$0x55F0]  }
0x55: {  	v3 =	vld [tilespmem:s12+$0x1580]  }
0x56: {  	v4 =	vld [tilespmem:s12+$0x5580]  }
0x57: {  	v5 =	vld [tilespmem:s12+$0x1590]  }
0x58: {  	v6 =	vld [tilespmem:s12+$0x5590]  }
0x59: {  	v7 =	vld [tilespmem:s12+$0x15A0]  }
0x5a: {  	v8 =	vld [tilespmem:s12+$0x15B0]  }
0x5b: {  	v1 =	vmul.f32 v2, v1;
	v2 =	vld [tilespmem:s12+$0x55A0]  }
0x5c: {  	v3 =	vmul.f32 v4, v3;
	v4 =	vld [tilespmem:s12+$0x55B0]  }
0x5d: {  	v9 =	vld [tilespmem:s12+$0x55C0]  }
0x5e: {  	[tilespmem:s12+$0x15F0] =	vst v1;
	v1 =	vmul.f32 v6, v5;
	v5 =	vld [tilespmem:s12+$0x15C0]  }
0x5f: {  	[tilespmem:s12+$0x1580] =	vst v3;
	v3 =	vld [tilespmem:s12+$0x55D0]  }
0x60: {  	[tilespmem:s12+$0x1590] =	vst v1;
	v1 =	vld [tilespmem:s12+$0x15D0];
	v2 =	vmul.f32 v2, v7  }
0x61: {  	v7 =	vmul.f32 v4, v8;
	v4 =	vld [tilespmem:s12+$0x55E0]  }
0x62: {  	s13 =	simm.s32 $0x80;
	[tilespmem:s12+$0x15A0] =	vst v2;
	v2 =	vld [tilespmem:s12+$0x15E0]  }
0x63: {  	s14 =	simm.s32 $0x400;
	v6 =	vld [tilespmem:s13+$0x15F0];
	[tilespmem:s12+$0x15B0] =	vst v7;
	v5 =	vmul.f32 v9, v5  }
.LBB2_7:
0x64: {  	p0 =	sne.s32 s14, $0x7E00;
	v7 =	vld [tilespmem:s13+$0x55F0]  }
0x65: {  	v8 =	vld [tilespmem:s13+$0x1580];
	[tilespmem:s12+$0x15C0] =	vst v5;
	v1 =	vmul.f32 v3, v1  }
0x66: {  	v3 =	vld [tilespmem:s13+$0x5580]  }
0x67: {  	v5 =	vld [tilespmem:s13+$0x1590];
	[tilespmem:s12+$0x15D0] =	vst v1;
	v1 =	vmul.f32 v4, v2  }
0x68: {  	v2 =	vld [tilespmem:s13+$0x5590]  }
0x69: {  	v4 =	vld [tilespmem:s13+$0x15A0];
	v6 =	vmul.f32 v7, v6;
	[tilespmem:s12+$0x15E0] =	vst v1;
	s12 =	smov.u32 s13  }
0x6a: {  	v1 =	vld [tilespmem:s12+$0x55A0]  }
0x6b: {  	v3 =	vmul.f32 v3, v8;
	v7 =	vld [tilespmem:s12+$0x15B0];
	[tilespmem:s12+$0x15F0] =	vst v6  }
0x6c: {  	v6 =	vld [tilespmem:s12+$0x55B0]  }
0x6d: {  	[tilespmem:s12+$0x1580] =	vst v3;
	v2 =	vmul.f32 v2, v5;
	v5 =	vld [tilespmem:s12+$0x15C0]  }
0x6e: {  	v8 =	vld [tilespmem:s12+$0x55C0]  }
.Ltmp2:
0x6f: {  	[tilespmem:s12+$0x1590] =	vst v2;
	v2 =	vmul.f32 v1, v4;
	v1 =	vld [tilespmem:s12+$0x15D0];
	(pc) =	sbr.rel @p0 .LBB2_7-.Ltmp2, $4  }
0x70: {  	v3 =	vld [tilespmem:s12+$0x55D0]  }
0x71: {  	[tilespmem:s12+$0x15A0] =	vst v2;
	v7 =	vmul.f32 v6, v7;
	v2 =	vld [tilespmem:s12+$0x15E0]  }
0x72: {  	s13 =	sshra.s32 s14, $0x2;
	v4 =	vld [tilespmem:s12+$0x55E0]  }
0x73: {  	s14 =	sadd.s32 $0x200, s14;
	v6 =	vld [tilespmem:s13+$0x15F0];
	[tilespmem:s12+$0x15B0] =	vst v7;
	v5 =	vmul.f32 v8, v5  }
0x74: {  	v7 =	vld [tilespmem:s13+$0x55F0]  }
0x75: {  	v8 =	vld [tilespmem:s13+$0x1580]  }
0x76: {  	v9 =	vld [tilespmem:s13+$0x5580]  }
0x77: {  	v10 =	vld [tilespmem:s13+$0x1590]  }
0x78: {  	v11 =	vld [tilespmem:s13+$0x5590]  }
0x79: {  	v12 =	vld [tilespmem:s13+$0x15A0]  }
0x7a: {  	v13 =	vld [tilespmem:s13+$0x15B0]  }
0x7b: {  	v6 =	vmul.f32 v7, v6;
	v7 =	vld [tilespmem:s13+$0x55A0]  }
0x7c: {  	v60 =	vld [tilespmem:s13+$0x15C0]  }
0x7d: {  	v61 =	vld [tilespmem:s13+$0x55C0];
	v8 =	vmul.f32 v9, v8  }
0x7e: {  	v62 =	vld [tilespmem:s13+$0x55D0];
	[tilespmem:s13+$0x15F0] =	vst v6  }
0x7f: {  	v6 =	vld [tilespmem:s13+$0x55B0];
	[tilespmem:s13+$0x1580] =	vst v8;
	v8 =	vmul.f32 v11, v10  }
0x80: {  	v1 =	vmul.f32 v3, v1;
	v3 =	vld [tilespmem:s13+$0x55E0];
	v7 =	vmul.f32 v7, v12  }
0x81: {  	[tilespmem:s13+$0x1590] =	vst v8;
	v8 =	vld [tilespmem:s13+$0x15D0]  }
0x82: {  	[tilespmem:s13+$0x15A0] =	vst v7;
	v7 =	vld [tilespmem:s13+$0x15E0]  }
0x83: {  	[tilespmem:s12+$0x15C0] =	vst v5;
	v2 =	vmul.f32 v4, v2  }
0x84: {  	[tilespmem:s12+$0x15D0] =	vst v1;
	v1 =	vmul.f32 v6, v13  }
0x85: {  	[tilespmem:s12+$0x15E0] =	vst v2;
	v2 =	vmul.f32 v61, v60  }
0x86: {  	[tilespmem:s13+$0x15B0] =	vst v1;
	v1 =	vmul.f32 v62, v8  }
0x87: {  	[tilespmem:s13+$0x15C0] =	vst v2;
	v2 =	vmul.f32 v3, v7  }
0x88: {  	p0 =	seq.s32 s11, $0x26;
	s12 =	sshll.u32 s11, $0x7;
	[tilespmem:s13+$0x15D0] =	vst v1  }
0x89: {  	[tilespmem:s13+$0x15E0] =	vst v2;
	s13 =	sadd.s32 @!p0 $0x80, s12  }
0x8a: {  	[spmem:s3] =	stream.indirect.scatter.add.f32 [tilespmem:s21], [sflag:$0x7], $0x80, s19, s20, $0xb8;
	[tilespmem:$0x1E200] =	vst v63  }
0x8b: {  	s14 =	sadd.s32 @!p0 s5, s13;
	_ =	swait.ge [sflag:s18], $0x2000  }
0x8c: {  	s15 =	simm.s32 @!p0 $0x0;
	s22 =	sshrl.u32 @!p0 s14, $0x3;
	[sflag:s18] =	ssyncset.done $0x0  }
0x8d: {  	s8 =	simm.s32 @!p0 $0x1400;
	s22 =	sadd.s32 @!p0 s7, s22;
	[sflag:s18] =	ssyncadd.s32 $0xFFFFE000  }
0x8e: {  	[tilespmem:s8], [sflag:$0x5] =	stream.linear.gather @!p0 [hbm4b:s22+s15], $0x40, $0x38;
	[tilespmem:$0x1E200] =	vst v63  }
0x8f: {  	s8 =	simm.s32 @!p0 $0x40;
	s22 =	simm.s32 @!p0 $0x1580  }
0x90: {  	[tilespmem:s22], [sflag:$0x1] =	stream.indirect.gather @!p0 [hbm4b:s1+s8], $0x80, s13, s8, $0xb8;
	[tilespmem:$0x1E200] =	vst v63  }
0x91: {  	s8 =	sshll.u32 @!p0 s14, $0x4  }
0x92: {  	s13 =	simm.s32 @!p0 $0x5580;
	s8 =	sadd.s32 @!p0 s6, s8  }
0x93: {  	[tilespmem:s13], [sflag:$0x3] =	stream.linear.gather @!p0 [hbm4b:s8+s15], $0x2000, $0x38;
	[tilespmem:$0x1E200] =	vst v63  }
0x94: {  	_ =	swait.ge [sflag:s30], $0x40  }
0x95: {  	[sflag:s30] =	ssyncset.done $0x0  }
0x96: {  	[sflag:s30] =	ssyncadd.s32 $0xFFFFFFC0  }
0x97: {  	_ =	swait.ge [sflag:s31], $0x2000  }
0x98: {  	[sflag:s31] =	ssyncset.done $0x0  }
0x99: {  	[sflag:s31] =	ssyncadd.s32 $0xFFFFE000  }
0x9a: {  	_ =	swait.ge [sflag:s2], $0x2000  }
0x9b: {  	[sflag:s2] =	ssyncset.done $0x0  }
0x9c: {  	s13 =	simm.s32 $0x0;
	[sflag:s2] =	ssyncadd.s32 $0xFFFFE000  }
0x9d: {  	v1 =	vld [tilespmem:s13+$0x35F0]  }
0x9e: {  	v2 =	vld [tilespmem:s13+$0x75F0]  }
0x9f: {  	v3 =	vld [tilespmem:s13+$0x3580]  }
0xa0: {  	v4 =	vld [tilespmem:s13+$0x7580]  }
0xa1: {  	v5 =	vld [tilespmem:s13+$0x3590]  }
0xa2: {  	v6 =	vld [tilespmem:s13+$0x7590]  }
0xa3: {  	v7 =	vld [tilespmem:s13+$0x35A0]  }
0xa4: {  	v8 =	vld [tilespmem:s13+$0x35B0]  }
0xa5: {  	v1 =	vmul.f32 v2, v1;
	v2 =	vld [tilespmem:s13+$0x75A0]  }
0xa6: {  	v3 =	vmul.f32 v4, v3;
	v4 =	vld [tilespmem:s13+$0x75B0]  }
0xa7: {  	v63 =	vld [tilespmem:s13+$0x75C0]  }
0xa8: {  	[tilespmem:s13+$0x35F0] =	vst v1;
	v1 =	vmul.f32 v6, v5;
	v5 =	vld [tilespmem:s13+$0x35C0]  }
0xa9: {  	[tilespmem:s13+$0x3580] =	vst v3;
	v3 =	vld [tilespmem:s13+$0x75D0]  }
0xaa: {  	[tilespmem:s13+$0x3590] =	vst v1;
	v1 =	vld [tilespmem:s13+$0x35D0];
	v2 =	vmul.f32 v2, v7  }
0xab: {  	v7 =	vmul.f32 v4, v8;
	v4 =	vld [tilespmem:s13+$0x75E0]  }
0xac: {  	s14 =	simm.s32 $0x80;
	[tilespmem:s13+$0x35A0] =	vst v2;
	v2 =	vld [tilespmem:s13+$0x35E0]  }
0xad: {  	s22 =	simm.s32 $0x400;
	v6 =	vld [tilespmem:s14+$0x35F0];
	[tilespmem:s13+$0x35B0] =	vst v7;
	v5 =	vmul.f32 v63, v5  }
.LBB2_9:
0xae: {  	p1 =	sne.s32 s22, $0x7E00;
	v7 =	vld [tilespmem:s14+$0x75F0]  }
0xaf: {  	v8 =	vld [tilespmem:s14+$0x3580];
	[tilespmem:s13+$0x35C0] =	vst v5;
	v1 =	vmul.f32 v3, v1  }
0xb0: {  	v3 =	vld [tilespmem:s14+$0x7580]  }
0xb1: {  	v5 =	vld [tilespmem:s14+$0x3590];
	[tilespmem:s13+$0x35D0] =	vst v1;
	v1 =	vmul.f32 v4, v2  }
0xb2: {  	v2 =	vld [tilespmem:s14+$0x7590]  }
0xb3: {  	v4 =	vld [tilespmem:s14+$0x35A0];
	v6 =	vmul.f32 v7, v6;
	[tilespmem:s13+$0x35E0] =	vst v1;
	s13 =	smov.u32 s14  }
0xb4: {  	v1 =	vld [tilespmem:s13+$0x75A0]  }
0xb5: {  	v3 =	vmul.f32 v3, v8;
	v7 =	vld [tilespmem:s13+$0x35B0];
	[tilespmem:s13+$0x35F0] =	vst v6  }
0xb6: {  	v6 =	vld [tilespmem:s13+$0x75B0]  }
0xb7: {  	[tilespmem:s13+$0x3580] =	vst v3;
	v2 =	vmul.f32 v2, v5;
	v5 =	vld [tilespmem:s13+$0x35C0]  }
0xb8: {  	v8 =	vld [tilespmem:s13+$0x75C0]  }
.Ltmp3:
0xb9: {  	[tilespmem:s13+$0x3590] =	vst v2;
	v2 =	vmul.f32 v1, v4;
	v1 =	vld [tilespmem:s13+$0x35D0];
	(pc) =	sbr.rel @p1 .LBB2_9-.Ltmp3, $4  }
0xba: {  	v3 =	vld [tilespmem:s13+$0x75D0]  }
0xbb: {  	[tilespmem:s13+$0x35A0] =	vst v2;
	v7 =	vmul.f32 v6, v7;
	v2 =	vld [tilespmem:s13+$0x35E0]  }
0xbc: {  	s14 =	sshra.s32 s22, $0x2;
	v4 =	vld [tilespmem:s13+$0x75E0]  }
0xbd: {  	s22 =	sadd.s32 $0x200, s22;
	v6 =	vld [tilespmem:s14+$0x35F0];
	[tilespmem:s13+$0x35B0] =	vst v7;
	v5 =	vmul.f32 v8, v5  }
0xbe: {  	v7 =	vld [tilespmem:s14+$0x75F0]  }
0xbf: {  	v8 =	vld [tilespmem:s14+$0x3580]  }
0xc0: {  	v9 =	vld [tilespmem:s14+$0x7580]  }
0xc1: {  	v10 =	vld [tilespmem:s14+$0x3590]  }
0xc2: {  	v11 =	vld [tilespmem:s14+$0x7590]  }
0xc3: {  	v12 =	vld [tilespmem:s14+$0x35A0]  }
0xc4: {  	v56 =	vld [tilespmem:s14+$0x75A0]  }
0xc5: {  	v13 =	vld [tilespmem:s14+$0x35B0]  }
0xc6: {  	v57 =	vld [tilespmem:s14+$0x75B0]  }
0xc7: {  	v59 =	vld [tilespmem:s14+$0x35C0]  }
0xc8: {  	v60 =	vld [tilespmem:s14+$0x75C0];
	v1 =	vmul.f32 v3, v1  }
0xc9: {  	v61 =	vld [tilespmem:s14+$0x35D0];
	[tilespmem:s13+$0x35C0] =	vst v5;
	v2 =	vmul.f32 v4, v2  }
0xca: {  	v62 =	vld [tilespmem:s14+$0x75D0];
	[tilespmem:s13+$0x35D0] =	vst v1;
	v6 =	vmul.f32 v7, v6  }
0xcb: {  	v63 =	vld [tilespmem:s14+$0x35E0];
	v8 =	vmul.f32 v9, v8;
	[tilespmem:s13+$0x35E0] =	vst v2  }
0xcc: {  	v3 =	vld [tilespmem:s14+$0x75E0];
	v58 =	vmul.f32 v11, v10;
	[tilespmem:s14+$0x35F0] =	vst v6  }
0xcd: {  	v7 =	vmul.f32 v56, v12;
	[tilespmem:s14+$0x3580] =	vst v8  }
0xce: {  	v1 =	vmul.f32 v57, v13;
	[tilespmem:s14+$0x3590] =	vst v58  }
0xcf: {  	v2 =	vmul.f32 v60, v59;
	[tilespmem:s14+$0x35A0] =	vst v7  }
0xd0: {  	[tilespmem:s14+$0x35B0] =	vst v1;
	v1 =	vmul.f32 v62, v61  }
0xd1: {  	[tilespmem:s14+$0x35C0] =	vst v2;
	v2 =	vmul.f32 v3, v63  }
0xd2: {  	[tilespmem:s14+$0x35D0] =	vst v1  }
.Ltmp4:
0xd3: {  	[tilespmem:s14+$0x35E0] =	vst v2;
	(pc) =	sbr.rel @p0 .LBB2_12-.Ltmp4, $4  }
0xd4: {  	[spmem:s3] =	stream.indirect.scatter.add.f32 [tilespmem:s24], [sflag:$0x7], $0x80, s23, s20, $0xb8;
	[tilespmem:$0x1E200] =	vst v63  }
0xd5: {  	_ =	swait.ge [sflag:s18], $0x2000  }
0xd6: {  	[sflag:s18] =	ssyncset.done $0x0  }
0xd7: {  	[sflag:s18] =	ssyncadd.s32 $0xFFFFE000  }
0xd8: {  	s8 =	sadd.s32 $0xC0, s12  }
0xd9: {  	s12 =	sadd.s32 s5, s8  }
0xda: {  	s13 =	sshrl.u32 s12, $0x3  }
0xdb: {  	s13 =	sadd.s32 s7, s13  }
0xdc: {  	[tilespmem:s23], [sflag:$0x6] =	stream.linear.gather [hbm4b:s13+s4], $0x40, $0x38;
	[tilespmem:$0x1E200] =	vst v63  }
.Ltmp5:
0xdd: {  	_ = 	snop;
	(pc) =	sbr.rel .LBB2_6-.Ltmp5, $4  }
0xde: {  	s22 =	sshll.u32 s12, $0x4  }
0xdf: {  	[tilespmem:s24], [sflag:$0x2] =	stream.indirect.gather [hbm4b:s1+s20], $0x80, s8, s20, $0xb8;
	[tilespmem:$0x1E200] =	vst v63  }
0xe0: {  	s11 =	sadd.s32 $0x1, s11;
	s8 =	sadd.s32 s6, s22  }
0xe1: {  	[tilespmem:s25], [sflag:$0x4] =	stream.linear.gather [hbm4b:s8+s4], $0x2000, $0x38;
	[tilespmem:$0x1E200] =	vst v63  }
.LBB2_12:
0xe2: {  	s8 =	simm.s32 $0x0;
	s11 =	rddreg [dreg:$0x9];
	s12 =	simm.s32 $0x1500  }
0xe3: {  	[tilespmem:s12], [sflag:$0x7] =	stream.linear.gather [hbm4b:s11+s8], $0x8, $0x38;
	[tilespmem:$0x1E200] =	vst v63  }
0xe4: {  	_ =	swait.ge [sflag:s18], $0x8  }
0xe5: {  	[sflag:s18] =	ssyncset.done $0x0  }
0xe6: {  	s14 =	simm.s32 $0x1380;
	[sflag:s18] =	ssyncadd.s32 $0xFFFFFFF8  }
0xe7: {  	[tilespmem:s21], [sflag:$0x1] =	stream.indirect.gather [hbm4b:s1+s9], $0x80, s14, s9, $0xb8;
	[tilespmem:$0x1E200] =	vst v63  }
0xe8: {  	_ =	swait.ge [sflag:s28], $0x400  }
0xe9: {  	[sflag:s28] =	ssyncset.done $0x0  }
0xea: {  	s22 =	simm.s32 $0x5580;
	s15 =	rddreg [dreg:$0xa];
	[sflag:s28] =	ssyncadd.s32 $0xFFFFFC00  }
0xeb: {  	[tilespmem:s22], [sflag:$0x3] =	stream.linear.gather [hbm4b:s15+s8], $0x400, $0x38;
	[tilespmem:$0x1E200] =	vst v63  }
0xec: {  	_ =	swait.ge [sflag:s29], $0x400  }
0xed: {  	[sflag:s29] =	ssyncset.done $0x0  }
0xee: {  	s11 =	simm.s32 $0x0;
	[sflag:s29] =	ssyncadd.s32 $0xFFFFFC00  }
0xef: {  	v1 =	vld [tilespmem:s11+$0x15F0]  }
0xf0: {  	v2 =	vld [tilespmem:s11+$0x55F0]  }
0xf1: {  	v3 =	vld [tilespmem:s11+$0x1580]  }
0xf2: {  	v4 =	vld [tilespmem:s11+$0x5580]  }
0xf3: {  	v5 =	vld [tilespmem:s11+$0x1590]  }
0xf4: {  	v6 =	vld [tilespmem:s11+$0x5590]  }
0xf5: {  	v7 =	vld [tilespmem:s11+$0x15A0]  }
0xf6: {  	v8 =	vld [tilespmem:s11+$0x15B0]  }
0xf7: {  	v1 =	vmul.f32 v2, v1;
	v2 =	vld [tilespmem:s11+$0x55A0]  }
0xf8: {  	v3 =	vmul.f32 v4, v3;
	v4 =	vld [tilespmem:s11+$0x55B0]  }
0xf9: {  	v9 =	vld [tilespmem:s11+$0x55C0]  }
0xfa: {  	[tilespmem:s11+$0x15F0] =	vst v1;
	v1 =	vmul.f32 v6, v5;
	v5 =	vld [tilespmem:s11+$0x15C0]  }
0xfb: {  	[tilespmem:s11+$0x1580] =	vst v3;
	v3 =	vld [tilespmem:s11+$0x55D0]  }
0xfc: {  	[tilespmem:s11+$0x1590] =	vst v1;
	v1 =	vld [tilespmem:s11+$0x15D0];
	v2 =	vmul.f32 v2, v7  }
0xfd: {  	v7 =	vmul.f32 v4, v8;
	v4 =	vld [tilespmem:s11+$0x55E0]  }
0xfe: {  	s12 =	simm.s32 $0x80;
	[tilespmem:s11+$0x15A0] =	vst v2;
	v2 =	vld [tilespmem:s11+$0x15E0]  }
0xff: {  	s13 =	simm.s32 $0x400;
	v6 =	vld [tilespmem:s12+$0x15F0];
	[tilespmem:s11+$0x15B0] =	vst v7;
	v5 =	vmul.f32 v9, v5  }
.LBB2_13:
0x100: {  	p0 =	sne.s32 s13, $0xE00;
	v7 =	vld [tilespmem:s12+$0x55F0]  }
0x101: {  	v8 =	vld [tilespmem:s12+$0x1580];
	[tilespmem:s11+$0x15C0] =	vst v5;
	v1 =	vmul.f32 v3, v1  }
0x102: {  	v3 =	vld [tilespmem:s12+$0x5580]  }
0x103: {  	v5 =	vld [tilespmem:s12+$0x1590];
	[tilespmem:s11+$0x15D0] =	vst v1;
	v1 =	vmul.f32 v4, v2  }
0x104: {  	v2 =	vld [tilespmem:s12+$0x5590]  }
0x105: {  	v4 =	vld [tilespmem:s12+$0x15A0];
	v6 =	vmul.f32 v7, v6;
	[tilespmem:s11+$0x15E0] =	vst v1;
	s11 =	smov.u32 s12  }
0x106: {  	v1 =	vld [tilespmem:s11+$0x55A0]  }
0x107: {  	v3 =	vmul.f32 v3, v8;
	v7 =	vld [tilespmem:s11+$0x15B0];
	[tilespmem:s11+$0x15F0] =	vst v6  }
0x108: {  	v6 =	vld [tilespmem:s11+$0x55B0]  }
0x109: {  	[tilespmem:s11+$0x1580] =	vst v3;
	v2 =	vmul.f32 v2, v5;
	v5 =	vld [tilespmem:s11+$0x15C0]  }
0x10a: {  	v8 =	vld [tilespmem:s11+$0x55C0]  }
.Ltmp6:
0x10b: {  	[tilespmem:s11+$0x1590] =	vst v2;
	v2 =	vmul.f32 v1, v4;
	v1 =	vld [tilespmem:s11+$0x15D0];
	(pc) =	sbr.rel @p0 .LBB2_13-.Ltmp6, $4  }
0x10c: {  	v3 =	vld [tilespmem:s11+$0x55D0]  }
0x10d: {  	[tilespmem:s11+$0x15A0] =	vst v2;
	v7 =	vmul.f32 v6, v7;
	v2 =	vld [tilespmem:s11+$0x15E0]  }
0x10e: {  	s12 =	sshra.s32 s13, $0x2;
	v4 =	vld [tilespmem:s11+$0x55E0]  }
0x10f: {  	s13 =	sadd.s32 $0x200, s13;
	v6 =	vld [tilespmem:s12+$0x15F0];
	[tilespmem:s11+$0x15B0] =	vst v7;
	v5 =	vmul.f32 v8, v5  }
0x110: {  	v7 =	vld [tilespmem:s12+$0x55F0]  }
0x111: {  	v8 =	vld [tilespmem:s12+$0x1580]  }
0x112: {  	v9 =	vld [tilespmem:s12+$0x5580]  }
0x113: {  	v10 =	vld [tilespmem:s12+$0x1590]  }
0x114: {  	v11 =	vld [tilespmem:s12+$0x5590]  }
0x115: {  	v12 =	vld [tilespmem:s12+$0x15A0]  }
0x116: {  	v56 =	vld [tilespmem:s12+$0x55A0]  }
0x117: {  	v13 =	vld [tilespmem:s12+$0x15B0]  }
0x118: {  	v57 =	vld [tilespmem:s12+$0x55B0]  }
0x119: {  	v59 =	vld [tilespmem:s12+$0x15C0]  }
0x11a: {  	v60 =	vld [tilespmem:s12+$0x55C0];
	v1 =	vmul.f32 v3, v1  }
0x11b: {  	v61 =	vld [tilespmem:s12+$0x15D0];
	[tilespmem:s11+$0x15C0] =	vst v5;
	v2 =	vmul.f32 v4, v2  }
0x11c: {  	v62 =	vld [tilespmem:s12+$0x55D0];
	[tilespmem:s11+$0x15D0] =	vst v1;
	v6 =	vmul.f32 v7, v6  }
0x11d: {  	v63 =	vld [tilespmem:s12+$0x15E0];
	v8 =	vmul.f32 v9, v8;
	[tilespmem:s11+$0x15E0] =	vst v2  }
0x11e: {  	v3 =	vld [tilespmem:s12+$0x55E0];
	v58 =	vmul.f32 v11, v10;
	[tilespmem:s12+$0x15F0] =	vst v6  }
0x11f: {  	v7 =	vmul.f32 v56, v12;
	[tilespmem:s12+$0x1580] =	vst v8  }
0x120: {  	v1 =	vmul.f32 v57, v13;
	[tilespmem:s12+$0x1590] =	vst v58  }
0x121: {  	v2 =	vmul.f32 v60, v59;
	[tilespmem:s12+$0x15A0] =	vst v7  }
0x122: {  	[tilespmem:s12+$0x15B0] =	vst v1;
	v1 =	vmul.f32 v62, v61  }
0x123: {  	[tilespmem:s12+$0x15C0] =	vst v2;
	v2 =	vmul.f32 v3, v63  }
0x124: {  	[tilespmem:s12+$0x15D0] =	vst v1  }
0x125: {  	s8 =	simm.s32 $0x1500;
	[tilespmem:s12+$0x15E0] =	vst v2  }
0x126: {  	[spmem:s3] =	stream.indirect.scatter.add.f32 [tilespmem:s21], [sflag:$0x7], $0x80, s8, s9, $0xb8;
	[tilespmem:$0x1E200] =	vst v63  }
0x127: {  	s22 =	sadd.s32 $0x0, s0;
	_ =	swait.ge [sflag:s18], $0x400  }
0x128: {  	p0 =	sgt.u32 s22, $0xF9;
	[sflag:s18] =	ssyncset.done $0x0  }
0x129: {  	s14 =	simm.s32 @!p0 $0x7;
	s8 =	sshll.u32 @!p0 s0, $0x6;
	[sflag:s18] =	ssyncadd.s32 $0xFFFFFC00  }
0x12a: {  	s11 =	sshrl.u32 @!p0 s16, $0x3;
	s8 =	sor.u32 @!p0 $0x1C07, s8;
	[bflag:$0x0] =	sbarrier.arrive $0xFFFF  }
0x12b: {  	[hbm:s17], [sflag:s8] =	dma.local @!p0 [spmem:s11], $0x280  }
0x12c: {  	s13 =	sadd.s32 $0x14000, s16;
	s22 =	sadd.s32 $0x10, s0;
	_ =	swait.ge @!p0 [sflag:s14], $0x280  }
0x12d: {  	s12 =	simm.s32 $0x20;
	s11 =	sadd.s32 $0x2800, s17;
	[sflag:s14] =	ssyncset.done @!p0 $0x0  }
.LBB2_15:
0x12e: {  	s8 =	smov.u32 s12;
	s12 =	sadd.s32 $0x10, s12  }
0x12f: {  	[sflag:s14] =	ssyncadd.s32 @!p0 $0xFFFFFD80;
	p0 =	sgt.u32 s22, $0xF9;
	p1 =	sne.s32 s12, $0x100  }
.Ltmp7:
0x130: {  	s14 =	sshll.u32 @!p0 s0, $0x6;
	s15 =	sshrl.u32 @!p0 s13, $0x3;
	(pc) =	sbr.rel @p1 .LBB2_15-.Ltmp7, $4  }
0x131: {  	s22 =	sor.u32 @!p0 $0x1C07, s14;
	s14 =	simm.s32 @!p0 $0x7  }
0x132: {  	[hbm:s11], [sflag:s22] =	dma.local @!p0 [spmem:s15], $0x280  }
0x133: {  	s11 =	sadd.s32 $0x2800, s11;
	_ =	swait.ge @!p0 [sflag:s14], $0x280  }
0x134: {  	s13 =	sadd.s32 $0x14000, s13;
	s22 =	sadd.s32 s8, s0;
	[sflag:s14] =	ssyncset.done @!p0 $0x0  }
0x135: {  	p1 =	sgt.u32 s22, $0xF9  }
0x136: {  	[sflag:s14] =	ssyncadd.s32 @!p0 $0xFFFFFD80;
	s8 =	sshll.u32 @!p1 s0, $0x6  }
0x137: {  	s12 =	sshrl.u32 @!p1 s13, $0x3;
	s13 =	simm.s32 @!p1 $0x7;
	s8 =	sor.u32 @!p1 $0x1C07, s8  }
0x138: {  	[hbm:s11], [sflag:s8] =	dma.local @!p1 [spmem:s12], $0x280  }
0x139: {  	_ =	swait.ge @!p1 [sflag:s13], $0x280  }
0x13a: {  	s10 =	sadd.s32 $0x1, s10;
	s22 =	rddreg [dreg:$0xb]  }
0x13b: {  	p0 =	sne.s32 s10, s22  }
.Ltmp8:
0x13c: {  	_ = 	snop;
	(pc) =	sbr.rel @p0 .LBB2_1-.Ltmp8, $3  }
0x13d: {  	_ =	sdelay $0x1  }
0x13e: {  	[sflag:s13] =	ssyncset.done @!p1 $0x0  }
0x13f: {  	[sflag:s13] =	ssyncadd.s32 @!p1 $0xFFFFFD80  }
0x140: {  	_ =	sfence.sel $0x180000  }
0x141: {  	[bflag:$0x0] =	sbarrier.arrive $0xFFFF  }
0x142: {  	_ =	strace $0x90000047  }
0x143: {  	[bflag:$0x2] =	sbarrier.arrive $0xFFFF  }
0x144: {  	p0 =	sne.s32 s0, $0x0;
	s0 =	rddreg [dreg:$0x3]  }
0x145: {  	s0 =	sadd.s32 @!p0 $0x100000, s0  }
0x146: {  	[sflag:s0] =	ssyncadd.tile.s32 @!p0 $0x1;
	_ =	shalt  }
.Lfunc_end2:
_tile_overlayer_lowered:
.L_overlay_start_2:
0x147: {  	(tag) =	ssettag $0x2  }
0x148: {  	s0 =	rddreg [dreg:$0x0];
	s2 =	stileid.u32  }
0x149: {  	s1 =	rddreg [dreg:$0x1];
	p0 =	sne.s32 s2, $0x0  }
0x14a: {  	s3 =	rddreg [dreg:$0x2];
	[bflag:$0x3] =	sbarrier.arrive $0xFFFF;
	s2 =	simm.s32 @!p0 $0x1C07  }
0x14b: {  	[timem:s3], [sflag:s2] =	dma.local @!p0 [hbm:s0], s1  }
0x14c: {  	s0 =	simm.s32 @!p0 $0x7  }
0x14d: {  	_ =	swait.ge @!p0 [sflag:s0], s1  }
0x14e: {  	s1 =	ssub.s32 @!p0 $0x0, s1;
	[sflag:s0] =	ssyncset.done @!p0 $0x0  }
0x14f: {  	[sflag:s0] =	ssyncadd.s32 @!p0 s1  }
0x150: {  	[bflag:$0x3] =	sbarrier.arrive $0xFFFF  }
0x151: {  	_ =	shalt  }

</sc_bundles>
